<compile_context>
chip_gen: v7x
topology: tpu7x:2x2x1
jax: 0.10.2.dev20260603
libtpu: 0.0.44.dev20260713+nightly
codegen_flags: <defaults>
</compile_context>

<pallas_src>
import functools

import jax
import jax.numpy as jnp
from jax import lax
from jax.experimental import pallas as pl
from jax.experimental.pallas import tpu as pltpu
from jax.experimental.pallas import tpu_sc as plsc

N = 10000
E = 320000
XW = 160
MW = 160
EW = 48
EPS = 1e-8



def _dot(a, b):
    return jnp.dot(a, b, preferred_element_type=jnp.float32)


def _vnorm(vx, vy, vz):
    return jnp.sqrt(jnp.maximum(vx * vx + vy * vy + vz * vz, EPS))


def _ln_s(s, w, b):
    mu = jnp.mean(s, axis=1, keepdims=True)
    var = jnp.mean(jnp.square(s - mu), axis=1, keepdims=True)
    return (s - mu) * lax.rsqrt(var + 1e-5) * w + b


def _ln_v(vx, vy, vz):
    msq = jnp.mean(jnp.maximum(vx * vx + vy * vy + vz * vz, EPS),
                   axis=1, keepdims=True)
    inv = lax.rsqrt(msq)
    return vx * inv, vy * inv, vz * inv




def _node_init_body(hs, hvx, hvy, hvz, whT, ws_s, ws_vn, b, wvT, lnw, lnb,
                    x_ref):
    vhx = _dot(hvx[...], whT[...])
    vhy = _dot(hvy[...], whT[...])
    vhz = _dot(hvz[...], whT[...])
    vn = _vnorm(vhx, vhy, vhz)
    s = _dot(hs[...], ws_s[...]) + _dot(vn, ws_vn[...]) + b[...]
    vx = _dot(vhx, wvT[...])
    vy = _dot(vhy, wvT[...])
    vz = _dot(vhz, wvT[...])
    s = _ln_s(s, lnw[...], lnb[...])
    vx, vy, vz = _ln_v(vx, vy, vz)
    pad = jnp.zeros((s.shape[0], XW - 148), jnp.float32)
    x_ref[...] = jnp.concatenate([s, vx, vy, vz, pad], axis=1)


def _edge_init_body(hes, hevx, hevy, hevz, wh, ws_s, ws_vn, b, wv, lnw, lnb,
                    ea_ref):
    vhx = hevx[...] * wh[...]
    vhy = hevy[...] * wh[...]
    vhz = hevz[...] * wh[...]
    vn = _vnorm(vhx, vhy, vhz)
    s = _dot(hes[...], ws_s[...]) + _dot(vn, ws_vn[...]) + b[...]
    vox = vhx * wv[...]
    voy = vhy * wv[...]
    voz = vhz * wv[...]
    s = _ln_s(s, lnw[...], lnb[...])
    inv = lax.rsqrt(jnp.maximum(vox * vox + voy * voy + voz * voz, EPS))
    vox, voy, voz = vox * inv, voy * inv, voz * inv
    pad = jnp.zeros((s.shape[0], EW - 35), jnp.float32)
    ea_ref[...] = jnp.concatenate([s, vox, voy, voz, pad], axis=1)


def _msg_body(gs, gd, ea,
              wh0s, wh0e, wh0d, ws0a, ws0b, ws0c, ws0n, b0, wv0,
              wh1, ws1s, ws1n, b1, wv1,
              wh2, ws2s, ws2n, b2, wv2,
              m_ref):
    s_src = gs[:, 0:100]
    vsx, vsy, vsz = gs[:, 100:116], gs[:, 116:132], gs[:, 132:148]
    s_dst = gd[:, 0:100]
    vdx, vdy, vdz = gd[:, 100:116], gd[:, 116:132], gd[:, 132:148]
    es = ea[:, 0:32]
    evx, evy, evz = ea[:, 32:33], ea[:, 33:34], ea[:, 34:35]

    vhx = _dot(vsx, wh0s[...]) + evx * wh0e[...] + _dot(vdx, wh0d[...])
    vhy = _dot(vsy, wh0s[...]) + evy * wh0e[...] + _dot(vdy, wh0d[...])
    vhz = _dot(vsz, wh0s[...]) + evz * wh0e[...] + _dot(vdz, wh0d[...])
    vn = _vnorm(vhx, vhy, vhz)
    s = (_dot(s_src, ws0a[...]) + _dot(es, ws0b[...]) +
         _dot(s_dst, ws0c[...]) + _dot(vn, ws0n[...]) + b0[...])
    s = jnp.maximum(s, 0.0)
    vx = _dot(vhx, wv0[...])
    vy = _dot(vhy, wv0[...])
    vz = _dot(vhz, wv0[...])
    g = jax.nn.sigmoid(_vnorm(vx, vy, vz))
    vx, vy, vz = vx * g, vy * g, vz * g

    vhx = _dot(vx, wh1[...])
    vhy = _dot(vy, wh1[...])
    vhz = _dot(vz, wh1[...])
    vn = _vnorm(vhx, vhy, vhz)
    s = jnp.maximum(_dot(s, ws1s[...]) + _dot(vn, ws1n[...]) + b1[...], 0.0)
    vx = _dot(vhx, wv1[...])
    vy = _dot(vhy, wv1[...])
    vz = _dot(vhz, wv1[...])
    g = jax.nn.sigmoid(_vnorm(vx, vy, vz))
    vx, vy, vz = vx * g, vy * g, vz * g

    vhx = _dot(vx, wh2[...])
    vhy = _dot(vy, wh2[...])
    vhz = _dot(vz, wh2[...])
    vn = _vnorm(vhx, vhy, vhz)
    s = _dot(s, ws2s[...]) + _dot(vn, ws2n[...]) + b2[...]
    vx = _dot(vhx, wv2[...])
    vy = _dot(vhy, wv2[...])
    vz = _dot(vhz, wv2[...])

    nb = s.shape[0]
    one = jnp.ones((nb, 1), jnp.float32)
    pad = jnp.zeros((nb, MW - 149), jnp.float32)
    m_ref[...] = jnp.concatenate([s, vx, vy, vz, one, pad], axis=1)


def _node_update_body(x, p0, p1,
                      ln0w, ln0b,
                      fwh0, fws0s, fws0n, fb0, fwv0,
                      fwh1, fws1s, fws1n, fb1, fwv1,
                      ln1w, ln1b,
                      xo_ref):
    agg = p0[...] + p1[...]
    rc = 1.0 / jnp.maximum(agg[:, 148:149], 1.0)
    s = x[:, 0:100] + agg[:, 0:100] * rc
    vx = x[:, 100:116] + agg[:, 100:116] * rc
    vy = x[:, 116:132] + agg[:, 116:132] * rc
    vz = x[:, 132:148] + agg[:, 132:148] * rc
    s = _ln_s(s, ln0w[...], ln0b[...])
    vx, vy, vz = _ln_v(vx, vy, vz)

    vhx = _dot(vx, fwh0[...])
    vhy = _dot(vy, fwh0[...])
    vhz = _dot(vz, fwh0[...])
    vn = _vnorm(vhx, vhy, vhz)
    hs = jnp.maximum(_dot(s, fws0s[...]) + _dot(vn, fws0n[...]) + fb0[...],
                     0.0)
    hvx = _dot(vhx, fwv0[...])
    hvy = _dot(vhy, fwv0[...])
    hvz = _dot(vhz, fwv0[...])
    g = jax.nn.sigmoid(_vnorm(hvx, hvy, hvz))
    hvx, hvy, hvz = hvx * g, hvy * g, hvz * g

    vhx = _dot(hvx, fwh1[...])
    vhy = _dot(hvy, fwh1[...])
    vhz = _dot(hvz, fwh1[...])
    vn = _vnorm(vhx, vhy, vhz)
    ds = _dot(hs, fws1s[...]) + _dot(vn, fws1n[...]) + fb1[...]
    dvx = _dot(vhx, fwv1[...])
    dvy = _dot(vhy, fwv1[...])
    dvz = _dot(vhz, fwv1[...])

    s = _ln_s(s + ds, ln1w[...], ln1b[...])
    vx, vy, vz = _ln_v(vx + dvx, vy + dvy, vz + dvz)
    pad = jnp.zeros((s.shape[0], XW - 148), jnp.float32)
    xo_ref[...] = jnp.concatenate([s, vx, vy, vz, pad], axis=1)


def _final_body(x, ws, wx, wy, wz, b, out_ref):
    out_ref[...] = (_dot(x[:, 0:100], ws[...]) + _dot(x[:, 100:116], wx[...]) +
                    _dot(x[:, 116:132], wy[...]) + _dot(x[:, 132:148], wz[...])
                    + b[...])




def _full_spec(a):
    nd = a.ndim
    return pl.BlockSpec(a.shape, lambda i, _nd=nd: (0,) * _nd)


def _row_spec(bn, w):
    return pl.BlockSpec((bn, w), lambda i: (i, 0))


def _tc_call(body, grid, in_specs, out_spec, out_shape, args):
    return pl.pallas_call(
        body, grid=grid, in_specs=in_specs, out_specs=out_spec,
        out_shape=out_shape)(*args)


def _node_init(hs, hvx, hvy, hvz, w):
    bn = 1000
    specs = [_row_spec(bn, 6)] + [_row_spec(bn, 3)] * 3 + \
        [_full_spec(a) for a in w]
    return _tc_call(_node_init_body, (N // bn,), specs,
                    _row_spec(bn, XW), jax.ShapeDtypeStruct((N, XW),
                                                            jnp.float32),
                    [hs, hvx, hvy, hvz] + list(w))


def _edge_init(hes, hevx, hevy, hevz, w):
    be = 2000
    specs = [_row_spec(be, 32)] + [_row_spec(be, 1)] * 3 + \
        [_full_spec(a) for a in w]
    return _tc_call(_edge_init_body, (E // be,), specs,
                    _row_spec(be, EW), jax.ShapeDtypeStruct((E, EW),
                                                            jnp.float32),
                    [hes, hevx, hevy, hevz] + list(w))


def _msg(gs, gd, ea, w):
    be = 512
    specs = [_row_spec(be, XW), _row_spec(be, XW), _row_spec(be, EW)] + \
        [_full_spec(a) for a in w]
    return _tc_call(_msg_body, (E // be,), specs,
                    _row_spec(be, MW), jax.ShapeDtypeStruct((E, MW),
                                                            jnp.float32),
                    [gs, gd, ea] + list(w))


def _node_update(x, p0, p1, w):
    bn = 1000
    specs = [_row_spec(bn, XW)] * 3 + [_full_spec(a) for a in w]
    return _tc_call(_node_update_body, (N // bn,), specs,
                    _row_spec(bn, XW), jax.ShapeDtypeStruct((N, XW),
                                                            jnp.float32),
                    [x, p0, p1] + list(w))


def _final(x, w):
    bn = 1000
    specs = [_row_spec(bn, XW)] + [_full_spec(a) for a in w]
    return _tc_call(_final_body, (N // bn,), specs,
                    _row_spec(bn, 20), jax.ShapeDtypeStruct((N, 20),
                                                            jnp.float32),
                    [x] + list(w))



_NW = 32
_EPW = E // _NW
_CH = 80
_NCHUNK = _EPW // _CH
_RPT = N // 16


def _gather_body(x_hbm, src_hbm, dst_hbm, gs_hbm, gd_hbm, idx_s, idx_d,
                 rows_s, rows_d, sem_s, sem_d):
    wid = lax.axis_index("s") * 2 + lax.axis_index("c")

    def body(c, carry):
        base = wid * _EPW + c * _CH
        pltpu.sync_copy(src_hbm.at[pl.ds(base, _CH)], idx_s)
        pltpu.sync_copy(dst_hbm.at[pl.ds(base, _CH)], idx_d)
        cp_s = pltpu.async_copy(x_hbm.at[idx_s], rows_s, sem_s)
        cp_d = pltpu.async_copy(x_hbm.at[idx_d], rows_d, sem_d)
        cp_s.wait()
        pltpu.sync_copy(rows_s, gs_hbm.at[pl.ds(base, _CH)])
        cp_d.wait()
        pltpu.sync_copy(rows_d, gd_hbm.at[pl.ds(base, _CH)])
        return carry

    lax.fori_loop(0, _NCHUNK, body, 0)


def _sc_gather(x, src, dst):
    k = pl.kernel(
        _gather_body,
        out_type=(jax.ShapeDtypeStruct((E, XW), jnp.float32),
                  jax.ShapeDtypeStruct((E, XW), jnp.float32)),
        mesh=plsc.VectorSubcoreMesh(core_axis_name="c", subcore_axis_name="s"),
        scratch_types=[pltpu.VMEM((_CH,), jnp.int32),
                       pltpu.VMEM((_CH,), jnp.int32),
                       pltpu.VMEM((_CH, XW), jnp.float32),
                       pltpu.VMEM((_CH, XW), jnp.float32),
                       pltpu.SemaphoreType.DMA,
                       pltpu.SemaphoreType.DMA],
        compiler_params=pltpu.CompilerParams(use_tc_tiling_on_sc=False),
    )
    return k(x, src, dst)


_ZCH = 25
_NZ = _RPT // _ZCH


def _scatter_body(m_hbm, dst_hbm, zer_hbm, p_hbm, acc_sh, zbuf_v, idx_v,
                  buf_v, sem):
    cid = lax.axis_index("c")
    sid = lax.axis_index("s")
    wid = sid * 2 + cid
    pltpu.sync_copy(zer_hbm, zbuf_v)

    def zbody(j, carry):
        pltpu.sync_copy(zbuf_v, acc_sh.at[pl.ds(sid * _RPT + j * _ZCH, _ZCH)])
        return carry

    lax.fori_loop(0, _NZ, zbody, 0)
    plsc.subcore_barrier()

    def body(c, carry):
        base = wid * _EPW + c * _CH
        pltpu.sync_copy(dst_hbm.at[pl.ds(base, _CH)], idx_v)
        pltpu.sync_copy(m_hbm.at[pl.ds(base, _CH)], buf_v)
        pltpu.sync_copy(buf_v, acc_sh.at[idx_v], add=True)
        return carry

    lax.fori_loop(0, _NCHUNK, body, 0)
    plsc.subcore_barrier()

    def wbody(j, carry):
        row = sid * _RPT + j * _ZCH
        pltpu.sync_copy(acc_sh.at[pl.ds(row, _ZCH)], zbuf_v)
        pltpu.sync_copy(zbuf_v, p_hbm.at[cid, pl.ds(row, _ZCH)])
        return carry

    lax.fori_loop(0, _NZ, wbody, 0)


def _sc_scatter(m, dst, zer):
    k = pl.kernel(
        _scatter_body,
        out_type=jax.ShapeDtypeStruct((2, N, MW), jnp.float32),
        mesh=plsc.VectorSubcoreMesh(core_axis_name="c", subcore_axis_name="s"),
        scratch_types=[pltpu.VMEM_SHARED((N, MW), jnp.float32),
                       pltpu.VMEM((_ZCH, MW), jnp.float32),
                       pltpu.VMEM((_CH,), jnp.int32),
                       pltpu.VMEM((_CH, MW), jnp.float32),
                       pltpu.SemaphoreType.DMA],
        compiler_params=pltpu.CompilerParams(use_tc_tiling_on_sc=False),
    )
    return k(m, dst, zer)




def _prep_node_init(p):
    whT = p["wh"].T
    wsT = p["ws"]["w"].T
    return (whT, wsT[0:6], wsT[6:22], p["ws"]["b"].reshape(1, -1),
            p["wv"].T)


def _prep_msg(lp):
    w = []
    m0 = lp["m0"]
    whT = m0["wh"].T
    wsT = m0["ws"]["w"].T
    w += [whT[0:16], whT[16:17], whT[17:33],
          wsT[0:100], wsT[100:132], wsT[132:232], wsT[232:265],
          m0["ws"]["b"].reshape(1, -1), m0["wv"].T]
    for k in ("m1", "m2"):
        m = lp[k]
        wsT = m["ws"]["w"].T
        w += [m["wh"].T, wsT[0:100], wsT[100:116],
              m["ws"]["b"].reshape(1, -1), m["wv"].T]
    return w


def _prep_node_update(lp):
    f0, f1 = lp["ff0"], lp["ff1"]
    ws0T = f0["ws"]["w"].T
    ws1T = f1["ws"]["w"].T
    return [lp["norm0"]["w"].reshape(1, -1), lp["norm0"]["b"].reshape(1, -1),
            f0["wh"].T, ws0T[0:100], ws0T[100:132],
            f0["ws"]["b"].reshape(1, -1), f0["wv"].T,
            f1["wh"].T, ws1T[0:400], ws1T[400:432],
            f1["ws"]["b"].reshape(1, -1), f1["wv"].T,
            lp["norm1"]["w"].reshape(1, -1), lp["norm1"]["b"].reshape(1, -1)]




def kernel(pos, h_V_s, h_V_v, h_E_s, h_E_v, params, edge_index, seq):
    del pos, seq
    src, dst = edge_index[0], edge_index[1]

    hvx = h_V_v[:, :, 0]
    hvy = h_V_v[:, :, 1]
    hvz = h_V_v[:, :, 2]
    hevx = h_E_v[:, :, 0]
    hevy = h_E_v[:, :, 1]
    hevz = h_E_v[:, :, 2]

    wv_p = params["W_v"]
    niw = _prep_node_init(wv_p) + (params["ln_v"]["w"].reshape(1, -1),
                                   params["ln_v"]["b"].reshape(1, -1))
    x = _node_init(h_V_s, hvx, hvy, hvz, niw)

    we_p = params["W_e"]
    wsT = we_p["ws"]["w"].T
    eiw = (we_p["wh"].reshape(1, 1), wsT[0:32], wsT[32:33],
           we_p["ws"]["b"].reshape(1, -1), we_p["wv"].reshape(1, 1),
           params["ln_e"]["w"].reshape(1, -1),
           params["ln_e"]["b"].reshape(1, -1))
    ea = _edge_init(h_E_s, hevx, hevy, hevz, eiw)

    zer = jnp.zeros((_ZCH, MW), jnp.float32)
    for lp in params["enc"]:
        gs, gd = _sc_gather(x, src, dst)
        m = _msg(gs, gd, ea, _prep_msg(lp))
        p = _sc_scatter(m, dst, zer)
        x = _node_update(x, p[0], p[1], _prep_node_update(lp))

    woT = params["out_lin"]["w"].T
    fw = (woT[0:100], woT[100::3], woT[101::3], woT[102::3],
          params["out_lin"]["b"].reshape(1, -1))
    logits = _final(x, fw)

    s_out = x[:, 0:100]
    vflat = jnp.stack([x[:, 100:116], x[:, 116:132], x[:, 132:148]],
                      axis=-1).reshape(N, 48)
    emb = jnp.concatenate([s_out, vflat], axis=1)
    return emb, logits

# --- scband reference (transcript-rebuilt; emitter-appended) ---
"""Pipeline reference for scband-cpdmodel-41489384079977 (READ-ONLY COPY).

The authoritative reference and input builder live on the scoring server;
editing this copy changes nothing except your own understanding.
"""

import jax, jax.numpy as jnp
import numpy as np

N_NODES = 10000
N_EDGES = 320000


def norm_no_nan(x, axis=-1, keepdims=False, eps=1e-8, sqrt=True):
    out = jnp.maximum(jnp.sum(jnp.square(x), axis=axis, keepdims=keepdims), eps)
    return jnp.sqrt(out) if sqrt else out


def _lin_p(key, out_d, in_d):
    return {"w": jax.random.normal(key, (out_d, in_d), jnp.float32) / np.sqrt(in_d),
            "b": jnp.zeros((out_d,), jnp.float32)}


def _gvp_p(key, si, vi, so, vo):
    h = max(vi, vo)
    k1, k2, k3 = jax.random.split(key, 3)
    return {"wh": jax.random.normal(k1, (h, vi), jnp.float32) / np.sqrt(vi),
            "ws": _lin_p(k2, so, si + h),
            "wv": jax.random.normal(k3, (vo, h), jnp.float32) / np.sqrt(h)}


def _ln_p(d):
    return {"w": jnp.ones((d,), jnp.float32), "b": jnp.zeros((d,), jnp.float32)}


def gvp_apply(p, s, v, scalar_act=None, vector_act=None):
    # v: [..., vi, 3]
    vt = jnp.swapaxes(v, -1, -2)               # [..., 3, vi]
    vh = vt @ p["wh"].T                        # [..., 3, h]
    vn = norm_no_nan(vh, axis=-2)              # [..., h]
    s = jnp.concatenate([s, vn], -1) @ p["ws"]["w"].T + p["ws"]["b"]
    vout = jnp.swapaxes(vh @ p["wv"].T, -1, -2)  # [..., vo, 3]
    if vector_act is not None:
        vout = vout * vector_act(norm_no_nan(vout, axis=-1, keepdims=True))
    if scalar_act is not None:
        s = scalar_act(s)
    return s, vout


def ln_apply(p, s, v):
    mu = jnp.mean(s, -1, keepdims=True)
    var = jnp.mean(jnp.square(s - mu), -1, keepdims=True)
    s = (s - mu) / jnp.sqrt(var + 1e-5) * p["w"] + p["b"]
    vn = norm_no_nan(v, axis=-1, keepdims=True, sqrt=False)
    vn = jnp.sqrt(jnp.mean(vn, axis=-2, keepdims=True))
    return s, v / vn


def conv_layer_apply(p, s, v, edge_index, e_s, e_v):
    n = s.shape[0]
    src, dst = edge_index[0], edge_index[1]
    # message = cat((s_j, v_j), edge_attr, (s_i, v_i))
    ms = jnp.concatenate([s[src], e_s, s[dst]], -1)          # [E, 232]
    mv = jnp.concatenate([v[src], e_v, v[dst]], -2)          # [E, 33, 3]
    ms, mv = gvp_apply(p["m0"], ms, mv, jax.nn.relu, jax.nn.sigmoid)
    ms, mv = gvp_apply(p["m1"], ms, mv, jax.nn.relu, jax.nn.sigmoid)
    ms, mv = gvp_apply(p["m2"], ms, mv, None, None)
    agg_s = jax.ops.segment_sum(ms, dst, num_segments=n)
    agg_v = jax.ops.segment_sum(mv.reshape(mv.shape[0], -1), dst, num_segments=n).reshape(n, mv.shape[1], 3)
    cnt = jnp.maximum(jax.ops.segment_sum(jnp.ones((dst.shape[0],), jnp.float32), dst, num_segments=n), 1.0)
    ds, dv = agg_s / cnt[:, None], agg_v / cnt[:, None, None]   # aggr='mean'
    s, v = ln_apply(p["norm0"], s + ds, v + dv)
    hs, hv = gvp_apply(p["ff0"], s, v, jax.nn.relu, jax.nn.sigmoid)
    ds, dv = gvp_apply(p["ff1"], hs, hv, None, None)
    s, v = ln_apply(p["norm1"], s + ds, v + dv)
    return s, v


def make_params(key):
    ks = jax.random.split(key, 16)
    params = {"W_v": _gvp_p(ks[0], 6, 3, 100, 16),
              "ln_v": _ln_p(100),
              "W_e": _gvp_p(ks[1], 32, 1, 32, 1),
              "ln_e": _ln_p(32),
              "enc": [],
              "out_lin": _lin_p(ks[2], 20, 148)}
    for i in range(3):
        kk = jax.random.split(ks[3 + i], 6)
        params["enc"].append({
            "m0": _gvp_p(kk[0], 232, 33, 100, 16),
            "m1": _gvp_p(kk[1], 100, 16, 100, 16),
            "m2": _gvp_p(kk[2], 100, 16, 100, 16),
            "norm0": _ln_p(100),
            "ff0": _gvp_p(kk[3], 100, 16, 400, 32),
            "ff1": _gvp_p(kk[4], 400, 32, 100, 16),
            "norm1": _ln_p(100)})
    return params


def setup_inputs(seed: int = 0):
    key = jax.random.key(seed)
    ks = jax.random.split(key, 10)
    return {"pos": jax.random.normal(ks[0], (N_NODES, 3), jnp.float32),
            "h_V_s": jax.random.normal(ks[1], (N_NODES, 6), jnp.float32),
            "h_V_v": jax.random.normal(ks[2], (N_NODES, 3, 3), jnp.float32),
            "h_E_s": jax.random.normal(ks[3], (N_EDGES, 32), jnp.float32),
            "h_E_v": jax.random.normal(ks[4], (N_EDGES, 1, 3), jnp.float32),
            "params": make_params(ks[5]),
            "edge_index": jax.random.randint(ks[6], (2, N_EDGES), 0, N_NODES, dtype=jnp.int32),
            "seq": jax.random.randint(ks[7], (N_NODES,), 0, 20, dtype=jnp.int32)}


def reference(pos, h_V_s, h_V_v, h_E_s, h_E_v, params, edge_index, seq):
    n = h_V_s.shape[0]
    s, v = gvp_apply(params["W_v"], h_V_s, h_V_v, None, None)
    s, v = ln_apply(params["ln_v"], s, v)
    es, ev = gvp_apply(params["W_e"], h_E_s, h_E_v, None, None)
    es, ev = ln_apply(params["ln_e"], es, ev)
    for lp in params["enc"]:
        s, v = conv_layer_apply(lp, s, v, edge_index, es, ev)
    # get_node_repr: concat scalar channels with flattened vector channels -> [N, 100 + 3*16]
    emb = jnp.concatenate([s, v.reshape(n, -1)], -1)
    logits = emb @ params["out_lin"]["w"].T + params["out_lin"]["b"]
    return emb, logits

if __name__ == "__main__":
    import jax
    _d = setup_inputs()
    print(jax.jit(kernel)(*tuple(_d.values())))

</pallas_src>

<mosaic_0001>
#map = affine_map<(d0, d1) -> (0, 0)>
#map1 = affine_map<(d0, d1) -> (0)>
module attributes {stable_mosaic.version = 14 : i64} {
  func.func @_gather_body(%arg0: i32, %arg1: i32, %arg2: memref<10000x160xf32, #tpu.memory_space<hbm>>, %arg3: memref<320000xi32, #tpu.memory_space<hbm>>, %arg4: memref<320000xi32, #tpu.memory_space<hbm>>, %arg5: memref<320000x160xf32, #tpu.memory_space<hbm>>, %arg6: memref<320000x160xf32, #tpu.memory_space<hbm>>, %arg7: memref<80xi32, #tpu.memory_space<vmem>>, %arg8: memref<80xi32, #tpu.memory_space<vmem>>, %arg9: memref<80x160xf32, #tpu.memory_space<vmem>>, %arg10: memref<80x160xf32, #tpu.memory_space<vmem>>, %arg11: memref<!tpu.dma_semaphore, #tpu.memory_space<semaphore_mem>>, %arg12: memref<!tpu.dma_semaphore, #tpu.memory_space<semaphore_mem>>) attributes {dimension_semantics = [#tpu.dimension_semantics<core_parallel>, #tpu.dimension_semantics<subcore_parallel>], iteration_bounds = array<i64: 2, 16>, scalar_prefetch = 0 : i64, scratch_operands = 6 : i64, tpu.core_type = #tpu.core_type<sc_vector_subcore>, window_params = [{transform_indices = #map}, {transform_indices = #map1}, {transform_indices = #map1}, {transform_indices = #map}, {transform_indices = #map}]} {
    %mul3A = arith.constant 2 : i32
    %mul3A_0 = arith.muli %arg1, %mul3A : i32
    %add3A = arith.addi %mul3A_0, %arg0 : i32
    %scan3A = arith.constant 0 : i32
    %scan3A_1 = arith.constant 0 : i32
    %scan3A_2 = arith.constant 125 : i32
    %scan3A_3 = arith.addi %scan3A_1, %scan3A_2 : i32
    %scan3A_4 = arith.constant 1 : i32
    scf.for %scan3A_6 = %scan3A_1 to %scan3A_3 step %scan3A_4  : i32 {
      %mul3A_7 = arith.constant 10000 : i32
      %mul3A_8 = arith.muli %add3A, %mul3A_7 : i32
      %mul3A_9 = arith.constant 80 : i32
      %mul3A_10 = arith.muli %scan3A_6, %mul3A_9 : i32
      %add3A_11 = arith.addi %mul3A_8, %mul3A_10 : i32
      "tpu.region"() ({
        %run_scoped3A = tpu.sem_alloc : memref<!tpu.dma_semaphore, #tpu.memory_space<semaphore_mem>>
        %dma_start3A_22 = tpu.memref_slice %arg3[%add3A_11] : memref<320000xi32, #tpu.memory_space<hbm>> -> memref<80xi32, #tpu.memory_space<hbm>>
        %dma_start3A_23 = tpu.memref_slice %arg3[%add3A_11] : memref<320000xi32, #tpu.memory_space<hbm>> -> memref<80xi32, #tpu.memory_space<hbm>>
        tpu.enqueue_dma source(%dma_start3A_23 : memref<80xi32, #tpu.memory_space<hbm>>) target(%arg7 : memref<80xi32, #tpu.memory_space<vmem>>) target_semaphore(%run_scoped3A : memref<!tpu.dma_semaphore, #tpu.memory_space<semaphore_mem>>)
        %dma_wait3A_24 = tpu.memref_slice %arg3[%add3A_11] : memref<320000xi32, #tpu.memory_space<hbm>> -> memref<80xi32, #tpu.memory_space<hbm>>
        %dma_wait3A_25 = tpu.memref_slice %arg3[%add3A_11] : memref<320000xi32, #tpu.memory_space<hbm>> -> memref<80xi32, #tpu.memory_space<hbm>>
        tpu.wait_dma2 semaphore(%run_scoped3A : memref<!tpu.dma_semaphore, #tpu.memory_space<semaphore_mem>>) src(%dma_wait3A_25 : memref<80xi32, #tpu.memory_space<hbm>>) dst(%arg7 : memref<80xi32, #tpu.memory_space<vmem>>)
        tpu.yield
      }) : () -> ()
      "tpu.region"() ({
        %run_scoped3A = tpu.sem_alloc : memref<!tpu.dma_semaphore, #tpu.memory_space<semaphore_mem>>
        %dma_start3A_22 = tpu.memref_slice %arg4[%add3A_11] : memref<320000xi32, #tpu.memory_space<hbm>> -> memref<80xi32, #tpu.memory_space<hbm>>
        %dma_start3A_23 = tpu.memref_slice %arg4[%add3A_11] : memref<320000xi32, #tpu.memory_space<hbm>> -> memref<80xi32, #tpu.memory_space<hbm>>
        tpu.enqueue_dma source(%dma_start3A_23 : memref<80xi32, #tpu.memory_space<hbm>>) target(%arg8 : memref<80xi32, #tpu.memory_space<vmem>>) target_semaphore(%run_scoped3A : memref<!tpu.dma_semaphore, #tpu.memory_space<semaphore_mem>>)
        %dma_wait3A_24 = tpu.memref_slice %arg4[%add3A_11] : memref<320000xi32, #tpu.memory_space<hbm>> -> memref<80xi32, #tpu.memory_space<hbm>>
        %dma_wait3A_25 = tpu.memref_slice %arg4[%add3A_11] : memref<320000xi32, #tpu.memory_space<hbm>> -> memref<80xi32, #tpu.memory_space<hbm>>
        tpu.wait_dma2 semaphore(%run_scoped3A : memref<!tpu.dma_semaphore, #tpu.memory_space<semaphore_mem>>) src(%dma_wait3A_25 : memref<80xi32, #tpu.memory_space<hbm>>) dst(%arg8 : memref<80xi32, #tpu.memory_space<vmem>>)
        tpu.yield
      }) : () -> ()
      %dma_start3A = arith.constant 0 : i32
      %dma_start3A_12 = arith.constant 0 : i32
      %dma_start3A_13 = tpu.memref_slice %arg2[%dma_start3A, %dma_start3A_12] : memref<10000x160xf32, #tpu.memory_space<hbm>> -> memref<10000x160xf32, #tpu.memory_space<hbm>>
      tpu.enqueue_indirect_dma source(%dma_start3A_13 : memref<10000x160xf32, #tpu.memory_space<hbm>>) target(%arg9 : memref<80x160xf32, #tpu.memory_space<vmem>>) offsets(%arg7 : memref<80xi32, #tpu.memory_space<vmem>>) semaphore(%arg11 : memref<!tpu.dma_semaphore, #tpu.memory_space<semaphore_mem>>)
      %dma_start3A_14 = arith.constant 0 : i32
      %dma_start3A_15 = arith.constant 0 : i32
      %dma_start3A_16 = tpu.memref_slice %arg2[%dma_start3A_14, %dma_start3A_15] : memref<10000x160xf32, #tpu.memory_space<hbm>> -> memref<10000x160xf32, #tpu.memory_space<hbm>>
      tpu.enqueue_indirect_dma source(%dma_start3A_16 : memref<10000x160xf32, #tpu.memory_space<hbm>>) target(%arg10 : memref<80x160xf32, #tpu.memory_space<vmem>>) offsets(%arg8 : memref<80xi32, #tpu.memory_space<vmem>>) semaphore(%arg12 : memref<!tpu.dma_semaphore, #tpu.memory_space<semaphore_mem>>)
      %dma_wait3A = arith.constant 0 : i32
      %dma_wait3A_17 = arith.constant 0 : i32
      %dma_wait3A_18 = tpu.memref_slice %arg2[%dma_wait3A, %dma_wait3A_17] : memref<10000x160xf32, #tpu.memory_space<hbm>> -> memref<10000x160xf32, #tpu.memory_space<hbm>>
      tpu.wait_indirect_dma semaphore(%arg11 : memref<!tpu.dma_semaphore, #tpu.memory_space<semaphore_mem>>) src(%dma_wait3A_18 : memref<10000x160xf32, #tpu.memory_space<hbm>>) dst(%arg9 : memref<80x160xf32, #tpu.memory_space<vmem>>)
      "tpu.region"() ({
        %run_scoped3A = tpu.sem_alloc : memref<!tpu.dma_semaphore, #tpu.memory_space<semaphore_mem>>
        %dma_start3A_22 = arith.constant 0 : i32
        %dma_start3A_23 = tpu.memref_slice %arg5[%add3A_11, %dma_start3A_22] : memref<320000x160xf32, #tpu.memory_space<hbm>> -> memref<80x160xf32, #tpu.memory_space<hbm>>
        %dma_start3A_24 = arith.constant 0 : i32
        %dma_start3A_25 = tpu.memref_slice %arg5[%add3A_11, %dma_start3A_24] : memref<320000x160xf32, #tpu.memory_space<hbm>> -> memref<80x160xf32, #tpu.memory_space<hbm>>
        tpu.enqueue_dma source(%arg9 : memref<80x160xf32, #tpu.memory_space<vmem>>) target(%dma_start3A_25 : memref<80x160xf32, #tpu.memory_space<hbm>>) target_semaphore(%run_scoped3A : memref<!tpu.dma_semaphore, #tpu.memory_space<semaphore_mem>>)
        %dma_wait3A_26 = arith.constant 0 : i32
        %dma_wait3A_27 = tpu.memref_slice %arg5[%add3A_11, %dma_wait3A_26] : memref<320000x160xf32, #tpu.memory_space<hbm>> -> memref<80x160xf32, #tpu.memory_space<hbm>>
        %dma_wait3A_28 = arith.constant 0 : i32
        %dma_wait3A_29 = tpu.memref_slice %arg5[%add3A_11, %dma_wait3A_28] : memref<320000x160xf32, #tpu.memory_space<hbm>> -> memref<80x160xf32, #tpu.memory_space<hbm>>
        tpu.wait_dma2 semaphore(%run_scoped3A : memref<!tpu.dma_semaphore, #tpu.memory_space<semaphore_mem>>) src(%arg9 : memref<80x160xf32, #tpu.memory_space<vmem>>) dst(%dma_wait3A_29 : memref<80x160xf32, #tpu.memory_space<hbm>>)
        tpu.yield
      }) : () -> ()
      %dma_wait3A_19 = arith.constant 0 : i32
      %dma_wait3A_20 = arith.constant 0 : i32
      %dma_wait3A_21 = tpu.memref_slice %arg2[%dma_wait3A_19, %dma_wait3A_20] : memref<10000x160xf32, #tpu.memory_space<hbm>> -> memref<10000x160xf32, #tpu.memory_space<hbm>>
      tpu.wait_indirect_dma semaphore(%arg12 : memref<!tpu.dma_semaphore, #tpu.memory_space<semaphore_mem>>) src(%dma_wait3A_21 : memref<10000x160xf32, #tpu.memory_space<hbm>>) dst(%arg10 : memref<80x160xf32, #tpu.memory_space<vmem>>)
      "tpu.region"() ({
        %run_scoped3A = tpu.sem_alloc : memref<!tpu.dma_semaphore, #tpu.memory_space<semaphore_mem>>
        %dma_start3A_22 = arith.constant 0 : i32
        %dma_start3A_23 = tpu.memref_slice %arg6[%add3A_11, %dma_start3A_22] : memref<320000x160xf32, #tpu.memory_space<hbm>> -> memref<80x160xf32, #tpu.memory_space<hbm>>
        %dma_start3A_24 = arith.constant 0 : i32
        %dma_start3A_25 = tpu.memref_slice %arg6[%add3A_11, %dma_start3A_24] : memref<320000x160xf32, #tpu.memory_space<hbm>> -> memref<80x160xf32, #tpu.memory_space<hbm>>
        tpu.enqueue_dma source(%arg10 : memref<80x160xf32, #tpu.memory_space<vmem>>) target(%dma_start3A_25 : memref<80x160xf32, #tpu.memory_space<hbm>>) target_semaphore(%run_scoped3A : memref<!tpu.dma_semaphore, #tpu.memory_space<semaphore_mem>>)
        %dma_wait3A_26 = arith.constant 0 : i32
        %dma_wait3A_27 = tpu.memref_slice %arg6[%add3A_11, %dma_wait3A_26] : memref<320000x160xf32, #tpu.memory_space<hbm>> -> memref<80x160xf32, #tpu.memory_space<hbm>>
        %dma_wait3A_28 = arith.constant 0 : i32
        %dma_wait3A_29 = tpu.memref_slice %arg6[%add3A_11, %dma_wait3A_28] : memref<320000x160xf32, #tpu.memory_space<hbm>> -> memref<80x160xf32, #tpu.memory_space<hbm>>
        tpu.wait_dma2 semaphore(%run_scoped3A : memref<!tpu.dma_semaphore, #tpu.memory_space<semaphore_mem>>) src(%arg10 : memref<80x160xf32, #tpu.memory_space<vmem>>) dst(%dma_wait3A_29 : memref<80x160xf32, #tpu.memory_space<hbm>>)
        tpu.yield
      }) : () -> ()
    }
    %scan3A_5 = arith.constant 125 : i32
    return
  }
}

#map = affine_map<(d0, d1) -> (0, 0)>
#map1 = affine_map<(d0, d1) -> (0)>
module attributes {stable_mosaic.version = 14 : i64} {
  func.func @_gather_body(%arg0: i32, %arg1: i32, %arg2: memref<10000x160xf32, #tpu.memory_space<hbm>>, %arg3: memref<320000xi32, #tpu.memory_space<hbm>>, %arg4: memref<320000xi32, #tpu.memory_space<hbm>>, %arg5: memref<320000x160xf32, #tpu.memory_space<hbm>>, %arg6: memref<320000x160xf32, #tpu.memory_space<hbm>>, %arg7: memref<80xi32, #tpu.memory_space<vmem>>, %arg8: memref<80xi32, #tpu.memory_space<vmem>>, %arg9: memref<80x160xf32, #tpu.memory_space<vmem>>, %arg10: memref<80x160xf32, #tpu.memory_space<vmem>>, %arg11: memref<!tpu.dma_semaphore, #tpu.memory_space<semaphore_mem>>, %arg12: memref<!tpu.dma_semaphore, #tpu.memory_space<semaphore_mem>>) attributes {dimension_semantics = [#tpu.dimension_semantics<core_parallel>, #tpu.dimension_semantics<subcore_parallel>], iteration_bounds = array<i64: 2, 16>, scalar_prefetch = 0 : i64, scratch_operands = 6 : i64, tpu.core_type = #tpu.core_type<sc_vector_subcore>, window_params = [{transform_indices = #map}, {transform_indices = #map1}, {transform_indices = #map1}, {transform_indices = #map}, {transform_indices = #map}]} {
    %mul3A = arith.constant 2 : i32
    %mul3A_0 = arith.muli %arg1, %mul3A : i32
    %add3A = arith.addi %mul3A_0, %arg0 : i32
    %scan3A = arith.constant 0 : i32
    %scan3A_1 = arith.constant 0 : i32
    %scan3A_2 = arith.constant 125 : i32
    %scan3A_3 = arith.addi %scan3A_1, %scan3A_2 : i32
    %scan3A_4 = arith.constant 1 : i32
    scf.for %scan3A_6 = %scan3A_1 to %scan3A_3 step %scan3A_4  : i32 {
      %mul3A_7 = arith.constant 10000 : i32
      %mul3A_8 = arith.muli %add3A, %mul3A_7 : i32
      %mul3A_9 = arith.constant 80 : i32
      %mul3A_10 = arith.muli %scan3A_6, %mul3A_9 : i32
      %add3A_11 = arith.addi %mul3A_8, %mul3A_10 : i32
      "tpu.region"() ({
        %run_scoped3A = tpu.sem_alloc : memref<!tpu.dma_semaphore, #tpu.memory_space<semaphore_mem>>
        %dma_start3A_22 = tpu.memref_slice %arg3[%add3A_11] : memref<320000xi32, #tpu.memory_space<hbm>> -> memref<80xi32, #tpu.memory_space<hbm>>
        %dma_start3A_23 = tpu.memref_slice %arg3[%add3A_11] : memref<320000xi32, #tpu.memory_space<hbm>> -> memref<80xi32, #tpu.memory_space<hbm>>
        tpu.enqueue_dma source(%dma_start3A_23 : memref<80xi32, #tpu.memory_space<hbm>>) target(%arg7 : memref<80xi32, #tpu.memory_space<vmem>>) target_semaphore(%run_scoped3A : memref<!tpu.dma_semaphore, #tpu.memory_space<semaphore_mem>>)
        %dma_wait3A_24 = tpu.memref_slice %arg3[%add3A_11] : memref<320000xi32, #tpu.memory_space<hbm>> -> memref<80xi32, #tpu.memory_space<hbm>>
        %dma_wait3A_25 = tpu.memref_slice %arg3[%add3A_11] : memref<320000xi32, #tpu.memory_space<hbm>> -> memref<80xi32, #tpu.memory_space<hbm>>
        tpu.wait_dma2 semaphore(%run_scoped3A : memref<!tpu.dma_semaphore, #tpu.memory_space<semaphore_mem>>) src(%dma_wait3A_25 : memref<80xi32, #tpu.memory_space<hbm>>) dst(%arg7 : memref<80xi32, #tpu.memory_space<vmem>>)
        tpu.yield
      }) : () -> ()
      "tpu.region"() ({
        %run_scoped3A = tpu.sem_alloc : memref<!tpu.dma_semaphore, #tpu.memory_space<semaphore_mem>>
        %dma_start3A_22 = tpu.memref_slice %arg4[%add3A_11] : memref<320000xi32, #tpu.memory_space<hbm>> -> memref<80xi32, #tpu.memory_space<hbm>>
        %dma_start3A_23 = tpu.memref_slice %arg4[%add3A_11] : memref<320000xi32, #tpu.memory_space<hbm>> -> memref<80xi32, #tpu.memory_space<hbm>>
        tpu.enqueue_dma source(%dma_start3A_23 : memref<80xi32, #tpu.memory_space<hbm>>) target(%arg8 : memref<80xi32, #tpu.memory_space<vmem>>) target_semaphore(%run_scoped3A : memref<!tpu.dma_semaphore, #tpu.memory_space<semaphore_mem>>)
        %dma_wait3A_24 = tpu.memref_slice %arg4[%add3A_11] : memref<320000xi32, #tpu.memory_space<hbm>> -> memref<80xi32, #tpu.memory_space<hbm>>
        %dma_wait3A_25 = tpu.memref_slice %arg4[%add3A_11] : memref<320000xi32, #tpu.memory_space<hbm>> -> memref<80xi32, #tpu.memory_space<hbm>>
        tpu.wait_dma2 semaphore(%run_scoped3A : memref<!tpu.dma_semaphore, #tpu.memory_space<semaphore_mem>>) src(%dma_wait3A_25 : memref<80xi32, #tpu.memory_space<hbm>>) dst(%arg8 : memref<80xi32, #tpu.memory_space<vmem>>)
        tpu.yield
      }) : () -> ()
      %dma_start3A = arith.constant 0 : i32
      %dma_start3A_12 = arith.constant 0 : i32
      %dma_start3A_13 = tpu.memref_slice %arg2[%dma_start3A, %dma_start3A_12] : memref<10000x160xf32, #tpu.memory_space<hbm>> -> memref<10000x160xf32, #tpu.memory_space<hbm>>
      tpu.enqueue_indirect_dma source(%dma_start3A_13 : memref<10000x160xf32, #tpu.memory_space<hbm>>) target(%arg9 : memref<80x160xf32, #tpu.memory_space<vmem>>) offsets(%arg7 : memref<80xi32, #tpu.memory_space<vmem>>) semaphore(%arg11 : memref<!tpu.dma_semaphore, #tpu.memory_space<semaphore_mem>>)
      %dma_start3A_14 = arith.constant 0 : i32
      %dma_start3A_15 = arith.constant 0 : i32
      %dma_start3A_16 = tpu.memref_slice %arg2[%dma_start3A_14, %dma_start3A_15] : memref<10000x160xf32, #tpu.memory_space<hbm>> -> memref<10000x160xf32, #tpu.memory_space<hbm>>
      tpu.enqueue_indirect_dma source(%dma_start3A_16 : memref<10000x160xf32, #tpu.memory_space<hbm>>) target(%arg10 : memref<80x160xf32, #tpu.memory_space<vmem>>) offsets(%arg8 : memref<80xi32, #tpu.memory_space<vmem>>) semaphore(%arg12 : memref<!tpu.dma_semaphore, #tpu.memory_space<semaphore_mem>>)
      %dma_wait3A = arith.constant 0 : i32
      %dma_wait3A_17 = arith.constant 0 : i32
      %dma_wait3A_18 = tpu.memref_slice %arg2[%dma_wait3A, %dma_wait3A_17] : memref<10000x160xf32, #tpu.memory_space<hbm>> -> memref<10000x160xf32, #tpu.memory_space<hbm>>
      tpu.wait_indirect_dma semaphore(%arg11 : memref<!tpu.dma_semaphore, #tpu.memory_space<semaphore_mem>>) src(%dma_wait3A_18 : memref<10000x160xf32, #tpu.memory_space<hbm>>) dst(%arg9 : memref<80x160xf32, #tpu.memory_space<vmem>>)
      "tpu.region"() ({
        %run_scoped3A = tpu.sem_alloc : memref<!tpu.dma_semaphore, #tpu.memory_space<semaphore_mem>>
        %dma_start3A_22 = arith.constant 0 : i32
        %dma_start3A_23 = tpu.memref_slice %arg5[%add3A_11, %dma_start3A_22] : memref<320000x160xf32, #tpu.memory_space<hbm>> -> memref<80x160xf32, #tpu.memory_space<hbm>>
        %dma_start3A_24 = arith.constant 0 : i32
        %dma_start3A_25 = tpu.memref_slice %arg5[%add3A_11, %dma_start3A_24] : memref<320000x160xf32, #tpu.memory_space<hbm>> -> memref<80x160xf32, #tpu.memory_space<hbm>>
        tpu.enqueue_dma source(%arg9 : memref<80x160xf32, #tpu.memory_space<vmem>>) target(%dma_start3A_25 : memref<80x160xf32, #tpu.memory_space<hbm>>) target_semaphore(%run_scoped3A : memref<!tpu.dma_semaphore, #tpu.memory_space<semaphore_mem>>)
        %dma_wait3A_26 = arith.constant 0 : i32
        %dma_wait3A_27 = tpu.memref_slice %arg5[%add3A_11, %dma_wait3A_26] : memref<320000x160xf32, #tpu.memory_space<hbm>> -> memref<80x160xf32, #tpu.memory_space<hbm>>
        %dma_wait3A_28 = arith.constant 0 : i32
        %dma_wait3A_29 = tpu.memref_slice %arg5[%add3A_11, %dma_wait3A_28] : memref<320000x160xf32, #tpu.memory_space<hbm>> -> memref<80x160xf32, #tpu.memory_space<hbm>>
        tpu.wait_dma2 semaphore(%run_scoped3A : memref<!tpu.dma_semaphore, #tpu.memory_space<semaphore_mem>>) src(%arg9 : memref<80x160xf32, #tpu.memory_space<vmem>>) dst(%dma_wait3A_29 : memref<80x160xf32, #tpu.memory_space<hbm>>)
        tpu.yield
      }) : () -> ()
      %dma_wait3A_19 = arith.constant 0 : i32
      %dma_wait3A_20 = arith.constant 0 : i32
      %dma_wait3A_21 = tpu.memref_slice %arg2[%dma_wait3A_19, %dma_wait3A_20] : memref<10000x160xf32, #tpu.memory_space<hbm>> -> memref<10000x160xf32, #tpu.memory_space<hbm>>
      tpu.wait_indirect_dma semaphore(%arg12 : memref<!tpu.dma_semaphore, #tpu.memory_space<semaphore_mem>>) src(%dma_wait3A_21 : memref<10000x160xf32, #tpu.memory_space<hbm>>) dst(%arg10 : memref<80x160xf32, #tpu.memory_space<vmem>>)
      "tpu.region"() ({
        %run_scoped3A = tpu.sem_alloc : memref<!tpu.dma_semaphore, #tpu.memory_space<semaphore_mem>>
        %dma_start3A_22 = arith.constant 0 : i32
        %dma_start3A_23 = tpu.memref_slice %arg6[%add3A_11, %dma_start3A_22] : memref<320000x160xf32, #tpu.memory_space<hbm>> -> memref<80x160xf32, #tpu.memory_space<hbm>>
        %dma_start3A_24 = arith.constant 0 : i32
        %dma_start3A_25 = tpu.memref_slice %arg6[%add3A_11, %dma_start3A_24] : memref<320000x160xf32, #tpu.memory_space<hbm>> -> memref<80x160xf32, #tpu.memory_space<hbm>>
        tpu.enqueue_dma source(%arg10 : memref<80x160xf32, #tpu.memory_space<vmem>>) target(%dma_start3A_25 : memref<80x160xf32, #tpu.memory_space<hbm>>) target_semaphore(%run_scoped3A : memref<!tpu.dma_semaphore, #tpu.memory_space<semaphore_mem>>)
        %dma_wait3A_26 = arith.constant 0 : i32
        %dma_wait3A_27 = tpu.memref_slice %arg6[%add3A_11, %dma_wait3A_26] : memref<320000x160xf32, #tpu.memory_space<hbm>> -> memref<80x160xf32, #tpu.memory_space<hbm>>
        %dma_wait3A_28 = arith.constant 0 : i32
        %dma_wait3A_29 = tpu.memref_slice %arg6[%add3A_11, %dma_wait3A_28] : memref<320000x160xf32, #tpu.memory_space<hbm>> -> memref<80x160xf32, #tpu.memory_space<hbm>>
        tpu.wait_dma2 semaphore(%run_scoped3A : memref<!tpu.dma_semaphore, #tpu.memory_space<semaphore_mem>>) src(%arg10 : memref<80x160xf32, #tpu.memory_space<vmem>>) dst(%dma_wait3A_29 : memref<80x160xf32, #tpu.memory_space<hbm>>)
        tpu.yield
      }) : () -> ()
    }
    %scan3A_5 = arith.constant 125 : i32
    return
  }
}

#map = affine_map<(d0, d1) -> (0, 0)>
#map1 = affine_map<(d0, d1) -> (0)>
#map2 = affine_map<(d0, d1) -> (0, 0, 0)>
module attributes {stable_mosaic.version = 14 : i64} {
  func.func @_scatter_body(%arg0: i32, %arg1: i32, %arg2: memref<320000x160xf32, #tpu.memory_space<hbm>>, %arg3: memref<320000xi32, #tpu.memory_space<hbm>>, %arg4: memref<25x160xf32, #tpu.memory_space<hbm>>, %arg5: memref<2x10000x160xf32, #tpu.memory_space<hbm>>, %arg6: memref<10000x160xf32, #tpu.memory_space<vmem_shared>>, %arg7: memref<25x160xf32, #tpu.memory_space<vmem>>, %arg8: memref<80xi32, #tpu.memory_space<vmem>>, %arg9: memref<80x160xf32, #tpu.memory_space<vmem>>, %arg10: memref<!tpu.dma_semaphore, #tpu.memory_space<semaphore_mem>>) attributes {dimension_semantics = [#tpu.dimension_semantics<core_parallel>, #tpu.dimension_semantics<subcore_parallel>], iteration_bounds = array<i64: 2, 16>, scalar_prefetch = 0 : i64, scratch_operands = 5 : i64, tpu.core_type = #tpu.core_type<sc_vector_subcore>, window_params = [{transform_indices = #map}, {transform_indices = #map1}, {transform_indices = #map}, {transform_indices = #map2}]} {
    %mul3A = arith.constant 2 : i32
    %mul3A_0 = arith.muli %arg1, %mul3A : i32
    %add3A = arith.addi %mul3A_0, %arg0 : i32
    "tpu.region"() ({
      %run_scoped3A = tpu.sem_alloc : memref<!tpu.dma_semaphore, #tpu.memory_space<semaphore_mem>>
      tpu.enqueue_dma source(%arg4 : memref<25x160xf32, #tpu.memory_space<hbm>>) target(%arg7 : memref<25x160xf32, #tpu.memory_space<vmem>>) target_semaphore(%run_scoped3A : memref<!tpu.dma_semaphore, #tpu.memory_space<semaphore_mem>>)
      tpu.wait_dma2 semaphore(%run_scoped3A : memref<!tpu.dma_semaphore, #tpu.memory_space<semaphore_mem>>) src(%arg4 : memref<25x160xf32, #tpu.memory_space<hbm>>) dst(%arg7 : memref<25x160xf32, #tpu.memory_space<vmem>>)
      tpu.yield
    }) : () -> ()
    %scan3A = arith.constant 0 : i32
    %scan3A_1 = arith.constant 0 : i32
    %scan3A_2 = arith.constant 25 : i32
    %scan3A_3 = arith.addi %scan3A_1, %scan3A_2 : i32
    %scan3A_4 = arith.constant 1 : i32
    scf.for %scan3A_19 = %scan3A_1 to %scan3A_3 step %scan3A_4  : i32 {
      %mul3A_20 = arith.constant 625 : i32
      %mul3A_21 = arith.muli %arg1, %mul3A_20 : i32
      %mul3A_22 = arith.constant 25 : i32
      %mul3A_23 = arith.muli %scan3A_19, %mul3A_22 : i32
      %add3A_24 = arith.addi %mul3A_21, %mul3A_23 : i32
      "tpu.region"() ({
        %run_scoped3A = tpu.sem_alloc : memref<!tpu.dma_semaphore, #tpu.memory_space<semaphore_mem>>
        %dma_start3A = arith.constant 0 : i32
        %dma_start3A_25 = tpu.memref_slice %arg6[%add3A_24, %dma_start3A] : memref<10000x160xf32, #tpu.memory_space<vmem_shared>> -> memref<25x160xf32, #tpu.memory_space<vmem_shared>>
        %dma_start3A_26 = arith.constant 0 : i32
        %dma_start3A_27 = tpu.memref_slice %arg6[%add3A_24, %dma_start3A_26] : memref<10000x160xf32, #tpu.memory_space<vmem_shared>> -> memref<25x160xf32, #tpu.memory_space<vmem_shared>>
        tpu.enqueue_dma source(%arg7 : memref<25x160xf32, #tpu.memory_space<vmem>>) target(%dma_start3A_27 : memref<25x160xf32, #tpu.memory_space<vmem_shared>>) target_semaphore(%run_scoped3A : memref<!tpu.dma_semaphore, #tpu.memory_space<semaphore_mem>>)
        %dma_wait3A = arith.constant 0 : i32
        %dma_wait3A_28 = tpu.memref_slice %arg6[%add3A_24, %dma_wait3A] : memref<10000x160xf32, #tpu.memory_space<vmem_shared>> -> memref<25x160xf32, #tpu.memory_space<vmem_shared>>
        %dma_wait3A_29 = arith.constant 0 : i32
        %dma_wait3A_30 = tpu.memref_slice %arg6[%add3A_24, %dma_wait3A_29] : memref<10000x160xf32, #tpu.memory_space<vmem_shared>> -> memref<25x160xf32, #tpu.memory_space<vmem_shared>>
        tpu.wait_dma2 semaphore(%run_scoped3A : memref<!tpu.dma_semaphore, #tpu.memory_space<semaphore_mem>>) src(%arg7 : memref<25x160xf32, #tpu.memory_space<vmem>>) dst(%dma_wait3A_30 : memref<25x160xf32, #tpu.memory_space<vmem_shared>>)
        tpu.yield
      }) : () -> ()
    }
    %scan3A_5 = arith.constant 25 : i32
    %barrier3A = arith.constant 0 : index
    tpu.barrier barrier_id(%barrier3A)
    %scan3A_6 = arith.constant 0 : i32
    %scan3A_7 = arith.constant 0 : i32
    %scan3A_8 = arith.constant 125 : i32
    %scan3A_9 = arith.addi %scan3A_7, %scan3A_8 : i32
    %scan3A_10 = arith.constant 1 : i32
    scf.for %scan3A_19 = %scan3A_7 to %scan3A_9 step %scan3A_10  : i32 {
      %mul3A_20 = arith.constant 10000 : i32
      %mul3A_21 = arith.muli %add3A, %mul3A_20 : i32
      %mul3A_22 = arith.constant 80 : i32
      %mul3A_23 = arith.muli %scan3A_19, %mul3A_22 : i32
      %add3A_24 = arith.addi %mul3A_21, %mul3A_23 : i32
      "tpu.region"() ({
        %run_scoped3A = tpu.sem_alloc : memref<!tpu.dma_semaphore, #tpu.memory_space<semaphore_mem>>
        %dma_start3A = tpu.memref_slice %arg3[%add3A_24] : memref<320000xi32, #tpu.memory_space<hbm>> -> memref<80xi32, #tpu.memory_space<hbm>>
        %dma_start3A_25 = tpu.memref_slice %arg3[%add3A_24] : memref<320000xi32, #tpu.memory_space<hbm>> -> memref<80xi32, #tpu.memory_space<hbm>>
        tpu.enqueue_dma source(%dma_start3A_25 : memref<80xi32, #tpu.memory_space<hbm>>) target(%arg8 : memref<80xi32, #tpu.memory_space<vmem>>) target_semaphore(%run_scoped3A : memref<!tpu.dma_semaphore, #tpu.memory_space<semaphore_mem>>)
        %dma_wait3A = tpu.memref_slice %arg3[%add3A_24] : memref<320000xi32, #tpu.memory_space<hbm>> -> memref<80xi32, #tpu.memory_space<hbm>>
        %dma_wait3A_26 = tpu.memref_slice %arg3[%add3A_24] : memref<320000xi32, #tpu.memory_space<hbm>> -> memref<80xi32, #tpu.memory_space<hbm>>
        tpu.wait_dma2 semaphore(%run_scoped3A : memref<!tpu.dma_semaphore, #tpu.memory_space<semaphore_mem>>) src(%dma_wait3A_26 : memref<80xi32, #tpu.memory_space<hbm>>) dst(%arg8 : memref<80xi32, #tpu.memory_space<vmem>>)
        tpu.yield
      }) : () -> ()
      "tpu.region"() ({
        %run_scoped3A = tpu.sem_alloc : memref<!tpu.dma_semaphore, #tpu.memory_space<semaphore_mem>>
        %dma_start3A = arith.constant 0 : i32
        %dma_start3A_25 = tpu.memref_slice %arg2[%add3A_24, %dma_start3A] : memref<320000x160xf32, #tpu.memory_space<hbm>> -> memref<80x160xf32, #tpu.memory_space<hbm>>
        %dma_start3A_26 = arith.constant 0 : i32
        %dma_start3A_27 = tpu.memref_slice %arg2[%add3A_24, %dma_start3A_26] : memref<320000x160xf32, #tpu.memory_space<hbm>> -> memref<80x160xf32, #tpu.memory_space<hbm>>
        tpu.enqueue_dma source(%dma_start3A_27 : memref<80x160xf32, #tpu.memory_space<hbm>>) target(%arg9 : memref<80x160xf32, #tpu.memory_space<vmem>>) target_semaphore(%run_scoped3A : memref<!tpu.dma_semaphore, #tpu.memory_space<semaphore_mem>>)
        %dma_wait3A = arith.constant 0 : i32
        %dma_wait3A_28 = tpu.memref_slice %arg2[%add3A_24, %dma_wait3A] : memref<320000x160xf32, #tpu.memory_space<hbm>> -> memref<80x160xf32, #tpu.memory_space<hbm>>
        %dma_wait3A_29 = arith.constant 0 : i32
        %dma_wait3A_30 = tpu.memref_slice %arg2[%add3A_24, %dma_wait3A_29] : memref<320000x160xf32, #tpu.memory_space<hbm>> -> memref<80x160xf32, #tpu.memory_space<hbm>>
        tpu.wait_dma2 semaphore(%run_scoped3A : memref<!tpu.dma_semaphore, #tpu.memory_space<semaphore_mem>>) src(%dma_wait3A_30 : memref<80x160xf32, #tpu.memory_space<hbm>>) dst(%arg9 : memref<80x160xf32, #tpu.memory_space<vmem>>)
        tpu.yield
      }) : () -> ()
      "tpu.region"() ({
        %run_scoped3A = tpu.sem_alloc : memref<!tpu.dma_semaphore, #tpu.memory_space<semaphore_mem>>
        %dma_start3A = arith.constant 0 : i32
        %dma_start3A_25 = arith.constant 0 : i32
        %dma_start3A_26 = tpu.memref_slice %arg6[%dma_start3A, %dma_start3A_25] : memref<10000x160xf32, #tpu.memory_space<vmem_shared>> -> memref<10000x160xf32, #tpu.memory_space<vmem_shared>>
        tpu.enqueue_indirect_dma source(%arg9 : memref<80x160xf32, #tpu.memory_space<vmem>>) target(%dma_start3A_26 : memref<10000x160xf32, #tpu.memory_space<vmem_shared>>) offsets(%arg8 : memref<80xi32, #tpu.memory_space<vmem>>) semaphore(%run_scoped3A : memref<!tpu.dma_semaphore, #tpu.memory_space<semaphore_mem>>) {add = true}
        %dma_wait3A = arith.constant 0 : i32
        %dma_wait3A_27 = arith.constant 0 : i32
        %dma_wait3A_28 = tpu.memref_slice %arg6[%dma_wait3A, %dma_wait3A_27] : memref<10000x160xf32, #tpu.memory_space<vmem_shared>> -> memref<10000x160xf32, #tpu.memory_space<vmem_shared>>
        tpu.wait_indirect_dma semaphore(%run_scoped3A : memref<!tpu.dma_semaphore, #tpu.memory_space<semaphore_mem>>) src(%arg9 : memref<80x160xf32, #tpu.memory_space<vmem>>) dst(%dma_wait3A_28 : memref<10000x160xf32, #tpu.memory_space<vmem_shared>>)
        tpu.yield
      }) : () -> ()
    }
    %scan3A_11 = arith.constant 125 : i32
    %barrier3A_12 = arith.constant 0 : index
    tpu.barrier barrier_id(%barrier3A_12)
    %scan3A_13 = arith.constant 0 : i32
    %scan3A_14 = arith.constant 0 : i32
    %scan3A_15 = arith.constant 25 : i32
    %scan3A_16 = arith.addi %scan3A_14, %scan3A_15 : i32
    %scan3A_17 = arith.constant 1 : i32
    scf.for %scan3A_19 = %scan3A_14 to %scan3A_16 step %scan3A_17  : i32 {
      %mul3A_20 = arith.constant 625 : i32
      %mul3A_21 = arith.muli %arg1, %mul3A_20 : i32
      %mul3A_22 = arith.constant 25 : i32
      %mul3A_23 = arith.muli %scan3A_19, %mul3A_22 : i32
      %add3A_24 = arith.addi %mul3A_21, %mul3A_23 : i32
      "tpu.region"() ({
        %run_scoped3A = tpu.sem_alloc : memref<!tpu.dma_semaphore, #tpu.memory_space<semaphore_mem>>
        %dma_start3A = arith.constant 0 : i32
        %dma_start3A_25 = tpu.memref_slice %arg6[%add3A_24, %dma_start3A] : memref<10000x160xf32, #tpu.memory_space<vmem_shared>> -> memref<25x160xf32, #tpu.memory_space<vmem_shared>>
        %dma_start3A_26 = arith.constant 0 : i32
        %dma_start3A_27 = tpu.memref_slice %arg6[%add3A_24, %dma_start3A_26] : memref<10000x160xf32, #tpu.memory_space<vmem_shared>> -> memref<25x160xf32, #tpu.memory_space<vmem_shared>>
        tpu.enqueue_dma source(%dma_start3A_27 : memref<25x160xf32, #tpu.memory_space<vmem_shared>>) target(%arg7 : memref<25x160xf32, #tpu.memory_space<vmem>>) target_semaphore(%run_scoped3A : memref<!tpu.dma_semaphore, #tpu.memory_space<semaphore_mem>>)
        %dma_wait3A = arith.constant 0 : i32
        %dma_wait3A_28 = tpu.memref_slice %arg6[%add3A_24, %dma_wait3A] : memref<10000x160xf32, #tpu.memory_space<vmem_shared>> -> memref<25x160xf32, #tpu.memory_space<vmem_shared>>
        %dma_wait3A_29 = arith.constant 0 : i32
        %dma_wait3A_30 = tpu.memref_slice %arg6[%add3A_24, %dma_wait3A_29] : memref<10000x160xf32, #tpu.memory_space<vmem_shared>> -> memref<25x160xf32, #tpu.memory_space<vmem_shared>>
        tpu.wait_dma2 semaphore(%run_scoped3A : memref<!tpu.dma_semaphore, #tpu.memory_space<semaphore_mem>>) src(%dma_wait3A_30 : memref<25x160xf32, #tpu.memory_space<vmem_shared>>) dst(%arg7 : memref<25x160xf32, #tpu.memory_space<vmem>>)
        tpu.yield
      }) : () -> ()
      "tpu.region"() ({
        %run_scoped3A = tpu.sem_alloc : memref<!tpu.dma_semaphore, #tpu.memory_space<semaphore_mem>>
        %dma_start3A = arith.constant 0 : i32
        %dma_start3A_25 = tpu.memref_slice %arg5[%arg0, %add3A_24, %dma_start3A] : memref<2x10000x160xf32, #tpu.memory_space<hbm>> -> memref<1x25x160xf32, #tpu.memory_space<hbm>>
        %dma_start3A_26 = tpu.memref_squeeze %dma_start3A_25 : memref<1x25x160xf32, #tpu.memory_space<hbm>> -> memref<25x160xf32, #tpu.memory_space<hbm>>
        %dma_start3A_27 = arith.constant 0 : i32
        %dma_start3A_28 = tpu.memref_slice %arg5[%arg0, %add3A_24, %dma_start3A_27] : memref<2x10000x160xf32, #tpu.memory_space<hbm>> -> memref<1x25x160xf32, #tpu.memory_space<hbm>>
        %dma_start3A_29 = tpu.memref_squeeze %dma_start3A_28 : memref<1x25x160xf32, #tpu.memory_space<hbm>> -> memref<25x160xf32, #tpu.memory_space<hbm>>
        tpu.enqueue_dma source(%arg7 : memref<25x160xf32, #tpu.memory_space<vmem>>) target(%dma_start3A_29 : memref<25x160xf32, #tpu.memory_space<hbm>>) target_semaphore(%run_scoped3A : memref<!tpu.dma_semaphore, #tpu.memory_space<semaphore_mem>>)
        %dma_wait3A = arith.constant 0 : i32
        %dma_wait3A_30 = tpu.memref_slice %arg5[%arg0, %add3A_24, %dma_wait3A] : memref<2x10000x160xf32, #tpu.memory_space<hbm>> -> memref<1x25x160xf32, #tpu.memory_space<hbm>>
        %dma_wait3A_31 = tpu.memref_squeeze %dma_wait3A_30 : memref<1x25x160xf32, #tpu.memory_space<hbm>> -> memref<25x160xf32, #tpu.memory_space<hbm>>
        %dma_wait3A_32 = arith.constant 0 : i32
        %dma_wait3A_33 = tpu.memref_slice %arg5[%arg0, %add3A_24, %dma_wait3A_32] : memref<2x10000x160xf32, #tpu.memory_space<hbm>> -> memref<1x25x160xf32, #tpu.memory_space<hbm>>
        %dma_wait3A_34 = tpu.memref_squeeze %dma_wait3A_33 : memref<1x25x160xf32, #tpu.memory_space<hbm>> -> memref<25x160xf32, #tpu.memory_space<hbm>>
        tpu.wait_dma2 semaphore(%run_scoped3A : memref<!tpu.dma_semaphore, #tpu.memory_space<semaphore_mem>>) src(%arg7 : memref<25x160xf32, #tpu.memory_space<vmem>>) dst(%dma_wait3A_34 : memref<25x160xf32, #tpu.memory_space<hbm>>)
        tpu.yield
      }) : () -> ()
    }
    %scan3A_18 = arith.constant 25 : i32
    return
  }
}

#map = affine_map<(d0, d1) -> (0, 0)>
#map1 = affine_map<(d0, d1) -> (0)>
#map2 = affine_map<(d0, d1) -> (0, 0, 0)>
module attributes {stable_mosaic.version = 14 : i64} {
  func.func @_scatter_body(%arg0: i32, %arg1: i32, %arg2: memref<320000x160xf32, #tpu.memory_space<hbm>>, %arg3: memref<320000xi32, #tpu.memory_space<hbm>>, %arg4: memref<25x160xf32, #tpu.memory_space<hbm>>, %arg5: memref<2x10000x160xf32, #tpu.memory_space<hbm>>, %arg6: memref<10000x160xf32, #tpu.memory_space<vmem_shared>>, %arg7: memref<25x160xf32, #tpu.memory_space<vmem>>, %arg8: memref<80xi32, #tpu.memory_space<vmem>>, %arg9: memref<80x160xf32, #tpu.memory_space<vmem>>, %arg10: memref<!tpu.dma_semaphore, #tpu.memory_space<semaphore_mem>>) attributes {dimension_semantics = [#tpu.dimension_semantics<core_parallel>, #tpu.dimension_semantics<subcore_parallel>], iteration_bounds = array<i64: 2, 16>, scalar_prefetch = 0 : i64, scratch_operands = 5 : i64, tpu.core_type = #tpu.core_type<sc_vector_subcore>, window_params = [{transform_indices = #map}, {transform_indices = #map1}, {transform_indices = #map}, {transform_indices = #map2}]} {
    %mul3A = arith.constant 2 : i32
    %mul3A_0 = arith.muli %arg1, %mul3A : i32
    %add3A = arith.addi %mul3A_0, %arg0 : i32
    "tpu.region"() ({
      %run_scoped3A = tpu.sem_alloc : memref<!tpu.dma_semaphore, #tpu.memory_space<semaphore_mem>>
      tpu.enqueue_dma source(%arg4 : memref<25x160xf32, #tpu.memory_space<hbm>>) target(%arg7 : memref<25x160xf32, #tpu.memory_space<vmem>>) target_semaphore(%run_scoped3A : memref<!tpu.dma_semaphore, #tpu.memory_space<semaphore_mem>>)
      tpu.wait_dma2 semaphore(%run_scoped3A : memref<!tpu.dma_semaphore, #tpu.memory_space<semaphore_mem>>) src(%arg4 : memref<25x160xf32, #tpu.memory_space<hbm>>) dst(%arg7 : memref<25x160xf32, #tpu.memory_space<vmem>>)
      tpu.yield
    }) : () -> ()
    %scan3A = arith.constant 0 : i32
    %scan3A_1 = arith.constant 0 : i32
    %scan3A_2 = arith.constant 25 : i32
    %scan3A_3 = arith.addi %scan3A_1, %scan3A_2 : i32
    %scan3A_4 = arith.constant 1 : i32
    scf.for %scan3A_19 = %scan3A_1 to %scan3A_3 step %scan3A_4  : i32 {
      %mul3A_20 = arith.constant 625 : i32
      %mul3A_21 = arith.muli %arg1, %mul3A_20 : i32
      %mul3A_22 = arith.constant 25 : i32
      %mul3A_23 = arith.muli %scan3A_19, %mul3A_22 : i32
      %add3A_24 = arith.addi %mul3A_21, %mul3A_23 : i32
      "tpu.region"() ({
        %run_scoped3A = tpu.sem_alloc : memref<!tpu.dma_semaphore, #tpu.memory_space<semaphore_mem>>
        %dma_start3A = arith.constant 0 : i32
        %dma_start3A_25 = tpu.memref_slice %arg6[%add3A_24, %dma_start3A] : memref<10000x160xf32, #tpu.memory_space<vmem_shared>> -> memref<25x160xf32, #tpu.memory_space<vmem_shared>>
        %dma_start3A_26 = arith.constant 0 : i32
        %dma_start3A_27 = tpu.memref_slice %arg6[%add3A_24, %dma_start3A_26] : memref<10000x160xf32, #tpu.memory_space<vmem_shared>> -> memref<25x160xf32, #tpu.memory_space<vmem_shared>>
        tpu.enqueue_dma source(%arg7 : memref<25x160xf32, #tpu.memory_space<vmem>>) target(%dma_start3A_27 : memref<25x160xf32, #tpu.memory_space<vmem_shared>>) target_semaphore(%run_scoped3A : memref<!tpu.dma_semaphore, #tpu.memory_space<semaphore_mem>>)
        %dma_wait3A = arith.constant 0 : i32
        %dma_wait3A_28 = tpu.memref_slice %arg6[%add3A_24, %dma_wait3A] : memref<10000x160xf32, #tpu.memory_space<vmem_shared>> -> memref<25x160xf32, #tpu.memory_space<vmem_shared>>
        %dma_wait3A_29 = arith.constant 0 : i32
        %dma_wait3A_30 = tpu.memref_slice %arg6[%add3A_24, %dma_wait3A_29] : memref<10000x160xf32, #tpu.memory_space<vmem_shared>> -> memref<25x160xf32, #tpu.memory_space<vmem_shared>>
        tpu.wait_dma2 semaphore(%run_scoped3A : memref<!tpu.dma_semaphore, #tpu.memory_space<semaphore_mem>>) src(%arg7 : memref<25x160xf32, #tpu.memory_space<vmem>>) dst(%dma_wait3A_30 : memref<25x160xf32, #tpu.memory_space<vmem_shared>>)
        tpu.yield
      }) : () -> ()
    }
    %scan3A_5 = arith.constant 25 : i32
    %barrier3A = arith.constant 0 : index
    tpu.barrier barrier_id(%barrier3A)
    %scan3A_6 = arith.constant 0 : i32
    %scan3A_7 = arith.constant 0 : i32
    %scan3A_8 = arith.constant 125 : i32
    %scan3A_9 = arith.addi %scan3A_7, %scan3A_8 : i32
    %scan3A_10 = arith.constant 1 : i32
    scf.for %scan3A_19 = %scan3A_7 to %scan3A_9 step %scan3A_10  : i32 {
      %mul3A_20 = arith.constant 10000 : i32
      %mul3A_21 = arith.muli %add3A, %mul3A_20 : i32
      %mul3A_22 = arith.constant 80 : i32
      %mul3A_23 = arith.muli %scan3A_19, %mul3A_22 : i32
      %add3A_24 = arith.addi %mul3A_21, %mul3A_23 : i32
      "tpu.region"() ({
        %run_scoped3A = tpu.sem_alloc : memref<!tpu.dma_semaphore, #tpu.memory_space<semaphore_mem>>
        %dma_start3A = tpu.memref_slice %arg3[%add3A_24] : memref<320000xi32, #tpu.memory_space<hbm>> -> memref<80xi32, #tpu.memory_space<hbm>>
        %dma_start3A_25 = tpu.memref_slice %arg3[%add3A_24] : memref<320000xi32, #tpu.memory_space<hbm>> -> memref<80xi32, #tpu.memory_space<hbm>>
        tpu.enqueue_dma source(%dma_start3A_25 : memref<80xi32, #tpu.memory_space<hbm>>) target(%arg8 : memref<80xi32, #tpu.memory_space<vmem>>) target_semaphore(%run_scoped3A : memref<!tpu.dma_semaphore, #tpu.memory_space<semaphore_mem>>)
        %dma_wait3A = tpu.memref_slice %arg3[%add3A_24] : memref<320000xi32, #tpu.memory_space<hbm>> -> memref<80xi32, #tpu.memory_space<hbm>>
        %dma_wait3A_26 = tpu.memref_slice %arg3[%add3A_24] : memref<320000xi32, #tpu.memory_space<hbm>> -> memref<80xi32, #tpu.memory_space<hbm>>
        tpu.wait_dma2 semaphore(%run_scoped3A : memref<!tpu.dma_semaphore, #tpu.memory_space<semaphore_mem>>) src(%dma_wait3A_26 : memref<80xi32, #tpu.memory_space<hbm>>) dst(%arg8 : memref<80xi32, #tpu.memory_space<vmem>>)
        tpu.yield
      }) : () -> ()
      "tpu.region"() ({
        %run_scoped3A = tpu.sem_alloc : memref<!tpu.dma_semaphore, #tpu.memory_space<semaphore_mem>>
        %dma_start3A = arith.constant 0 : i32
        %dma_start3A_25 = tpu.memref_slice %arg2[%add3A_24, %dma_start3A] : memref<320000x160xf32, #tpu.memory_space<hbm>> -> memref<80x160xf32, #tpu.memory_space<hbm>>
        %dma_start3A_26 = arith.constant 0 : i32
        %dma_start3A_27 = tpu.memref_slice %arg2[%add3A_24, %dma_start3A_26] : memref<320000x160xf32, #tpu.memory_space<hbm>> -> memref<80x160xf32, #tpu.memory_space<hbm>>
        tpu.enqueue_dma source(%dma_start3A_27 : memref<80x160xf32, #tpu.memory_space<hbm>>) target(%arg9 : memref<80x160xf32, #tpu.memory_space<vmem>>) target_semaphore(%run_scoped3A : memref<!tpu.dma_semaphore, #tpu.memory_space<semaphore_mem>>)
        %dma_wait3A = arith.constant 0 : i32
        %dma_wait3A_28 = tpu.memref_slice %arg2[%add3A_24, %dma_wait3A] : memref<320000x160xf32, #tpu.memory_space<hbm>> -> memref<80x160xf32, #tpu.memory_space<hbm>>
        %dma_wait3A_29 = arith.constant 0 : i32
        %dma_wait3A_30 = tpu.memref_slice %arg2[%add3A_24, %dma_wait3A_29] : memref<320000x160xf32, #tpu.memory_space<hbm>> -> memref<80x160xf32, #tpu.memory_space<hbm>>
        tpu.wait_dma2 semaphore(%run_scoped3A : memref<!tpu.dma_semaphore, #tpu.memory_space<semaphore_mem>>) src(%dma_wait3A_30 : memref<80x160xf32, #tpu.memory_space<hbm>>) dst(%arg9 : memref<80x160xf32, #tpu.memory_space<vmem>>)
        tpu.yield
      }) : () -> ()
      "tpu.region"() ({
        %run_scoped3A = tpu.sem_alloc : memref<!tpu.dma_semaphore, #tpu.memory_space<semaphore_mem>>
        %dma_start3A = arith.constant 0 : i32
        %dma_start3A_25 = arith.constant 0 : i32
        %dma_start3A_26 = tpu.memref_slice %arg6[%dma_start3A, %dma_start3A_25] : memref<10000x160xf32, #tpu.memory_space<vmem_shared>> -> memref<10000x160xf32, #tpu.memory_space<vmem_shared>>
        tpu.enqueue_indirect_dma source(%arg9 : memref<80x160xf32, #tpu.memory_space<vmem>>) target(%dma_start3A_26 : memref<10000x160xf32, #tpu.memory_space<vmem_shared>>) offsets(%arg8 : memref<80xi32, #tpu.memory_space<vmem>>) semaphore(%run_scoped3A : memref<!tpu.dma_semaphore, #tpu.memory_space<semaphore_mem>>) {add = true}
        %dma_wait3A = arith.constant 0 : i32
        %dma_wait3A_27 = arith.constant 0 : i32
        %dma_wait3A_28 = tpu.memref_slice %arg6[%dma_wait3A, %dma_wait3A_27] : memref<10000x160xf32, #tpu.memory_space<vmem_shared>> -> memref<10000x160xf32, #tpu.memory_space<vmem_shared>>
        tpu.wait_indirect_dma semaphore(%run_scoped3A : memref<!tpu.dma_semaphore, #tpu.memory_space<semaphore_mem>>) src(%arg9 : memref<80x160xf32, #tpu.memory_space<vmem>>) dst(%dma_wait3A_28 : memref<10000x160xf32, #tpu.memory_space<vmem_shared>>)
        tpu.yield
      }) : () -> ()
    }
    %scan3A_11 = arith.constant 125 : i32
    %barrier3A_12 = arith.constant 0 : index
    tpu.barrier barrier_id(%barrier3A_12)
    %scan3A_13 = arith.constant 0 : i32
    %scan3A_14 = arith.constant 0 : i32
    %scan3A_15 = arith.constant 25 : i32
    %scan3A_16 = arith.addi %scan3A_14, %scan3A_15 : i32
    %scan3A_17 = arith.constant 1 : i32
    scf.for %scan3A_19 = %scan3A_14 to %scan3A_16 step %scan3A_17  : i32 {
      %mul3A_20 = arith.constant 625 : i32
      %mul3A_21 = arith.muli %arg1, %mul3A_20 : i32
      %mul3A_22 = arith.constant 25 : i32
      %mul3A_23 = arith.muli %scan3A_19, %mul3A_22 : i32
      %add3A_24 = arith.addi %mul3A_21, %mul3A_23 : i32
      "tpu.region"() ({
        %run_scoped3A = tpu.sem_alloc : memref<!tpu.dma_semaphore, #tpu.memory_space<semaphore_mem>>
        %dma_start3A = arith.constant 0 : i32
        %dma_start3A_25 = tpu.memref_slice %arg6[%add3A_24, %dma_start3A] : memref<10000x160xf32, #tpu.memory_space<vmem_shared>> -> memref<25x160xf32, #tpu.memory_space<vmem_shared>>
        %dma_start3A_26 = arith.constant 0 : i32
        %dma_start3A_27 = tpu.memref_slice %arg6[%add3A_24, %dma_start3A_26] : memref<10000x160xf32, #tpu.memory_space<vmem_shared>> -> memref<25x160xf32, #tpu.memory_space<vmem_shared>>
        tpu.enqueue_dma source(%dma_start3A_27 : memref<25x160xf32, #tpu.memory_space<vmem_shared>>) target(%arg7 : memref<25x160xf32, #tpu.memory_space<vmem>>) target_semaphore(%run_scoped3A : memref<!tpu.dma_semaphore, #tpu.memory_space<semaphore_mem>>)
        %dma_wait3A = arith.constant 0 : i32
        %dma_wait3A_28 = tpu.memref_slice %arg6[%add3A_24, %dma_wait3A] : memref<10000x160xf32, #tpu.memory_space<vmem_shared>> -> memref<25x160xf32, #tpu.memory_space<vmem_shared>>
        %dma_wait3A_29 = arith.constant 0 : i32
        %dma_wait3A_30 = tpu.memref_slice %arg6[%add3A_24, %dma_wait3A_29] : memref<10000x160xf32, #tpu.memory_space<vmem_shared>> -> memref<25x160xf32, #tpu.memory_space<vmem_shared>>
        tpu.wait_dma2 semaphore(%run_scoped3A : memref<!tpu.dma_semaphore, #tpu.memory_space<semaphore_mem>>) src(%dma_wait3A_30 : memref<25x160xf32, #tpu.memory_space<vmem_shared>>) dst(%arg7 : memref<25x160xf32, #tpu.memory_space<vmem>>)
        tpu.yield
      }) : () -> ()
      "tpu.region"() ({
        %run_scoped3A = tpu.sem_alloc : memref<!tpu.dma_semaphore, #tpu.memory_space<semaphore_mem>>
        %dma_start3A = arith.constant 0 : i32
        %dma_start3A_25 = tpu.memref_slice %arg5[%arg0, %add3A_24, %dma_start3A] : memref<2x10000x160xf32, #tpu.memory_space<hbm>> -> memref<1x25x160xf32, #tpu.memory_space<hbm>>
        %dma_start3A_26 = tpu.memref_squeeze %dma_start3A_25 : memref<1x25x160xf32, #tpu.memory_space<hbm>> -> memref<25x160xf32, #tpu.memory_space<hbm>>
        %dma_start3A_27 = arith.constant 0 : i32
        %dma_start3A_28 = tpu.memref_slice %arg5[%arg0, %add3A_24, %dma_start3A_27] : memref<2x10000x160xf32, #tpu.memory_space<hbm>> -> memref<1x25x160xf32, #tpu.memory_space<hbm>>
        %dma_start3A_29 = tpu.memref_squeeze %dma_start3A_28 : memref<1x25x160xf32, #tpu.memory_space<hbm>> -> memref<25x160xf32, #tpu.memory_space<hbm>>
        tpu.enqueue_dma source(%arg7 : memref<25x160xf32, #tpu.memory_space<vmem>>) target(%dma_start3A_29 : memref<25x160xf32, #tpu.memory_space<hbm>>) target_semaphore(%run_scoped3A : memref<!tpu.dma_semaphore, #tpu.memory_space<semaphore_mem>>)
        %dma_wait3A = arith.constant 0 : i32
        %dma_wait3A_30 = tpu.memref_slice %arg5[%arg0, %add3A_24, %dma_wait3A] : memref<2x10000x160xf32, #tpu.memory_space<hbm>> -> memref<1x25x160xf32, #tpu.memory_space<hbm>>
        %dma_wait3A_31 = tpu.memref_squeeze %dma_wait3A_30 : memref<1x25x160xf32, #tpu.memory_space<hbm>> -> memref<25x160xf32, #tpu.memory_space<hbm>>
        %dma_wait3A_32 = arith.constant 0 : i32
        %dma_wait3A_33 = tpu.memref_slice %arg5[%arg0, %add3A_24, %dma_wait3A_32] : memref<2x10000x160xf32, #tpu.memory_space<hbm>> -> memref<1x25x160xf32, #tpu.memory_space<hbm>>
        %dma_wait3A_34 = tpu.memref_squeeze %dma_wait3A_33 : memref<1x25x160xf32, #tpu.memory_space<hbm>> -> memref<25x160xf32, #tpu.memory_space<hbm>>
        tpu.wait_dma2 semaphore(%run_scoped3A : memref<!tpu.dma_semaphore, #tpu.memory_space<semaphore_mem>>) src(%arg7 : memref<25x160xf32, #tpu.memory_space<vmem>>) dst(%dma_wait3A_34 : memref<25x160xf32, #tpu.memory_space<hbm>>)
        tpu.yield
      }) : () -> ()
    }
    %scan3A_18 = arith.constant 25 : i32
    return
  }
}

#map = affine_map<(d0, d1) -> (0, 0)>
#map1 = affine_map<(d0, d1) -> (0)>
module attributes {stable_mosaic.version = 14 : i64} {
  func.func @_gather_body(%arg0: i32, %arg1: i32, %arg2: memref<10000x160xf32, #tpu.memory_space<hbm>>, %arg3: memref<320000xi32, #tpu.memory_space<hbm>>, %arg4: memref<320000xi32, #tpu.memory_space<hbm>>, %arg5: memref<320000x160xf32, #tpu.memory_space<hbm>>, %arg6: memref<320000x160xf32, #tpu.memory_space<hbm>>, %arg7: memref<80xi32, #tpu.memory_space<vmem>>, %arg8: memref<80xi32, #tpu.memory_space<vmem>>, %arg9: memref<80x160xf32, #tpu.memory_space<vmem>>, %arg10: memref<80x160xf32, #tpu.memory_space<vmem>>, %arg11: memref<!tpu.dma_semaphore, #tpu.memory_space<semaphore_mem>>, %arg12: memref<!tpu.dma_semaphore, #tpu.memory_space<semaphore_mem>>) attributes {dimension_semantics = [#tpu.dimension_semantics<core_parallel>, #tpu.dimension_semantics<subcore_parallel>], iteration_bounds = array<i64: 2, 16>, scalar_prefetch = 0 : i64, scratch_operands = 6 : i64, tpu.core_type = #tpu.core_type<sc_vector_subcore>, window_params = [{transform_indices = #map}, {transform_indices = #map1}, {transform_indices = #map1}, {transform_indices = #map}, {transform_indices = #map}]} {
    %mul3A = arith.constant 2 : i32
    %mul3A_0 = arith.muli %arg1, %mul3A : i32
    %add3A = arith.addi %mul3A_0, %arg0 : i32
    %scan3A = arith.constant 0 : i32
    %scan3A_1 = arith.constant 0 : i32
    %scan3A_2 = arith.constant 125 : i32
    %scan3A_3 = arith.addi %scan3A_1, %scan3A_2 : i32
    %scan3A_4 = arith.constant 1 : i32
    scf.for %scan3A_6 = %scan3A_1 to %scan3A_3 step %scan3A_4  : i32 {
      %mul3A_7 = arith.constant 10000 : i32
      %mul3A_8 = arith.muli %add3A, %mul3A_7 : i32
      %mul3A_9 = arith.constant 80 : i32
      %mul3A_10 = arith.muli %scan3A_6, %mul3A_9 : i32
      %add3A_11 = arith.addi %mul3A_8, %mul3A_10 : i32
      "tpu.region"() ({
        %run_scoped3A = tpu.sem_alloc : memref<!tpu.dma_semaphore, #tpu.memory_space<semaphore_mem>>
        %dma_start3A_22 = tpu.memref_slice %arg3[%add3A_11] : memref<320000xi32, #tpu.memory_space<hbm>> -> memref<80xi32, #tpu.memory_space<hbm>>
        %dma_start3A_23 = tpu.memref_slice %arg3[%add3A_11] : memref<320000xi32, #tpu.memory_space<hbm>> -> memref<80xi32, #tpu.memory_space<hbm>>
        tpu.enqueue_dma source(%dma_start3A_23 : memref<80xi32, #tpu.memory_space<hbm>>) target(%arg7 : memref<80xi32, #tpu.memory_space<vmem>>) target_semaphore(%run_scoped3A : memref<!tpu.dma_semaphore, #tpu.memory_space<semaphore_mem>>)
        %dma_wait3A_24 = tpu.memref_slice %arg3[%add3A_11] : memref<320000xi32, #tpu.memory_space<hbm>> -> memref<80xi32, #tpu.memory_space<hbm>>
        %dma_wait3A_25 = tpu.memref_slice %arg3[%add3A_11] : memref<320000xi32, #tpu.memory_space<hbm>> -> memref<80xi32, #tpu.memory_space<hbm>>
        tpu.wait_dma2 semaphore(%run_scoped3A : memref<!tpu.dma_semaphore, #tpu.memory_space<semaphore_mem>>) src(%dma_wait3A_25 : memref<80xi32, #tpu.memory_space<hbm>>) dst(%arg7 : memref<80xi32, #tpu.memory_space<vmem>>)
        tpu.yield
      }) : () -> ()
      "tpu.region"() ({
        %run_scoped3A = tpu.sem_alloc : memref<!tpu.dma_semaphore, #tpu.memory_space<semaphore_mem>>
        %dma_start3A_22 = tpu.memref_slice %arg4[%add3A_11] : memref<320000xi32, #tpu.memory_space<hbm>> -> memref<80xi32, #tpu.memory_space<hbm>>
        %dma_start3A_23 = tpu.memref_slice %arg4[%add3A_11] : memref<320000xi32, #tpu.memory_space<hbm>> -> memref<80xi32, #tpu.memory_space<hbm>>
        tpu.enqueue_dma source(%dma_start3A_23 : memref<80xi32, #tpu.memory_space<hbm>>) target(%arg8 : memref<80xi32, #tpu.memory_space<vmem>>) target_semaphore(%run_scoped3A : memref<!tpu.dma_semaphore, #tpu.memory_space<semaphore_mem>>)
        %dma_wait3A_24 = tpu.memref_slice %arg4[%add3A_11] : memref<320000xi32, #tpu.memory_space<hbm>> -> memref<80xi32, #tpu.memory_space<hbm>>
        %dma_wait3A_25 = tpu.memref_slice %arg4[%add3A_11] : memref<320000xi32, #tpu.memory_space<hbm>> -> memref<80xi32, #tpu.memory_space<hbm>>
        tpu.wait_dma2 semaphore(%run_scoped3A : memref<!tpu.dma_semaphore, #tpu.memory_space<semaphore_mem>>) src(%dma_wait3A_25 : memref<80xi32, #tpu.memory_space<hbm>>) dst(%arg8 : memref<80xi32, #tpu.memory_space<vmem>>)
        tpu.yield
      }) : () -> ()
      %dma_start3A = arith.constant 0 : i32
      %dma_start3A_12 = arith.constant 0 : i32
      %dma_start3A_13 = tpu.memref_slice %arg2[%dma_start3A, %dma_start3A_12] : memref<10000x160xf32, #tpu.memory_space<hbm>> -> memref<10000x160xf32, #tpu.memory_space<hbm>>
      tpu.enqueue_indirect_dma source(%dma_start3A_13 : memref<10000x160xf32, #tpu.memory_space<hbm>>) target(%arg9 : memref<80x160xf32, #tpu.memory_space<vmem>>) offsets(%arg7 : memref<80xi32, #tpu.memory_space<vmem>>) semaphore(%arg11 : memref<!tpu.dma_semaphore, #tpu.memory_space<semaphore_mem>>)
      %dma_start3A_14 = arith.constant 0 : i32
      %dma_start3A_15 = arith.constant 0 : i32
      %dma_start3A_16 = tpu.memref_slice %arg2[%dma_start3A_14, %dma_start3A_15] : memref<10000x160xf32, #tpu.memory_space<hbm>> -> memref<10000x160xf32, #tpu.memory_space<hbm>>
      tpu.enqueue_indirect_dma source(%dma_start3A_16 : memref<10000x160xf32, #tpu.memory_space<hbm>>) target(%arg10 : memref<80x160xf32, #tpu.memory_space<vmem>>) offsets(%arg8 : memref<80xi32, #tpu.memory_space<vmem>>) semaphore(%arg12 : memref<!tpu.dma_semaphore, #tpu.memory_space<semaphore_mem>>)
      %dma_wait3A = arith.constant 0 : i32
      %dma_wait3A_17 = arith.constant 0 : i32
      %dma_wait3A_18 = tpu.memref_slice %arg2[%dma_wait3A, %dma_wait3A_17] : memref<10000x160xf32, #tpu.memory_space<hbm>> -> memref<10000x160xf32, #tpu.memory_space<hbm>>
      tpu.wait_indirect_dma semaphore(%arg11 : memref<!tpu.dma_semaphore, #tpu.memory_space<semaphore_mem>>) src(%dma_wait3A_18 : memref<10000x160xf32, #tpu.memory_space<hbm>>) dst(%arg9 : memref<80x160xf32, #tpu.memory_space<vmem>>)
      "tpu.region"() ({
        %run_scoped3A = tpu.sem_alloc : memref<!tpu.dma_semaphore, #tpu.memory_space<semaphore_mem>>
        %dma_start3A_22 = arith.constant 0 : i32
        %dma_start3A_23 = tpu.memref_slice %arg5[%add3A_11, %dma_start3A_22] : memref<320000x160xf32, #tpu.memory_space<hbm>> -> memref<80x160xf32, #tpu.memory_space<hbm>>
        %dma_start3A_24 = arith.constant 0 : i32
        %dma_start3A_25 = tpu.memref_slice %arg5[%add3A_11, %dma_start3A_24] : memref<320000x160xf32, #tpu.memory_space<hbm>> -> memref<80x160xf32, #tpu.memory_space<hbm>>
        tpu.enqueue_dma source(%arg9 : memref<80x160xf32, #tpu.memory_space<vmem>>) target(%dma_start3A_25 : memref<80x160xf32, #tpu.memory_space<hbm>>) target_semaphore(%run_scoped3A : memref<!tpu.dma_semaphore, #tpu.memory_space<semaphore_mem>>)
        %dma_wait3A_26 = arith.constant 0 : i32
        %dma_wait3A_27 = tpu.memref_slice %arg5[%add3A_11, %dma_wait3A_26] : memref<320000x160xf32, #tpu.memory_space<hbm>> -> memref<80x160xf32, #tpu.memory_space<hbm>>
        %dma_wait3A_28 = arith.constant 0 : i32
        %dma_wait3A_29 = tpu.memref_slice %arg5[%add3A_11, %dma_wait3A_28] : memref<320000x160xf32, #tpu.memory_space<hbm>> -> memref<80x160xf32, #tpu.memory_space<hbm>>
        tpu.wait_dma2 semaphore(%run_scoped3A : memref<!tpu.dma_semaphore, #tpu.memory_space<semaphore_mem>>) src(%arg9 : memref<80x160xf32, #tpu.memory_space<vmem>>) dst(%dma_wait3A_29 : memref<80x160xf32, #tpu.memory_space<hbm>>)
        tpu.yield
      }) : () -> ()
      %dma_wait3A_19 = arith.constant 0 : i32
      %dma_wait3A_20 = arith.constant 0 : i32
      %dma_wait3A_21 = tpu.memref_slice %arg2[%dma_wait3A_19, %dma_wait3A_20] : memref<10000x160xf32, #tpu.memory_space<hbm>> -> memref<10000x160xf32, #tpu.memory_space<hbm>>
      tpu.wait_indirect_dma semaphore(%arg12 : memref<!tpu.dma_semaphore, #tpu.memory_space<semaphore_mem>>) src(%dma_wait3A_21 : memref<10000x160xf32, #tpu.memory_space<hbm>>) dst(%arg10 : memref<80x160xf32, #tpu.memory_space<vmem>>)
      "tpu.region"() ({
        %run_scoped3A = tpu.sem_alloc : memref<!tpu.dma_semaphore, #tpu.memory_space<semaphore_mem>>
        %dma_start3A_22 = arith.constant 0 : i32
        %dma_start3A_23 = tpu.memref_slice %arg6[%add3A_11, %dma_start3A_22] : memref<320000x160xf32, #tpu.memory_space<hbm>> -> memref<80x160xf32, #tpu.memory_space<hbm>>
        %dma_start3A_24 = arith.constant 0 : i32
        %dma_start3A_25 = tpu.memref_slice %arg6[%add3A_11, %dma_start3A_24] : memref<320000x160xf32, #tpu.memory_space<hbm>> -> memref<80x160xf32, #tpu.memory_space<hbm>>
        tpu.enqueue_dma source(%arg10 : memref<80x160xf32, #tpu.memory_space<vmem>>) target(%dma_start3A_25 : memref<80x160xf32, #tpu.memory_space<hbm>>) target_semaphore(%run_scoped3A : memref<!tpu.dma_semaphore, #tpu.memory_space<semaphore_mem>>)
        %dma_wait3A_26 = arith.constant 0 : i32
        %dma_wait3A_27 = tpu.memref_slice %arg6[%add3A_11, %dma_wait3A_26] : memref<320000x160xf32, #tpu.memory_space<hbm>> -> memref<80x160xf32, #tpu.memory_space<hbm>>
        %dma_wait3A_28 = arith.constant 0 : i32
        %dma_wait3A_29 = tpu.memref_slice %arg6[%add3A_11, %dma_wait3A_28] : memref<320000x160xf32, #tpu.memory_space<hbm>> -> memref<80x160xf32, #tpu.memory_space<hbm>>
        tpu.wait_dma2 semaphore(%run_scoped3A : memref<!tpu.dma_semaphore, #tpu.memory_space<semaphore_mem>>) src(%arg10 : memref<80x160xf32, #tpu.memory_space<vmem>>) dst(%dma_wait3A_29 : memref<80x160xf32, #tpu.memory_space<hbm>>)
        tpu.yield
      }) : () -> ()
    }
    %scan3A_5 = arith.constant 125 : i32
    return
  }
}

#map = affine_map<(d0, d1) -> (0, 0)>
#map1 = affine_map<(d0, d1) -> (0)>
#map2 = affine_map<(d0, d1) -> (0, 0, 0)>
module attributes {stable_mosaic.version = 14 : i64} {
  func.func @_scatter_body(%arg0: i32, %arg1: i32, %arg2: memref<320000x160xf32, #tpu.memory_space<hbm>>, %arg3: memref<320000xi32, #tpu.memory_space<hbm>>, %arg4: memref<25x160xf32, #tpu.memory_space<hbm>>, %arg5: memref<2x10000x160xf32, #tpu.memory_space<hbm>>, %arg6: memref<10000x160xf32, #tpu.memory_space<vmem_shared>>, %arg7: memref<25x160xf32, #tpu.memory_space<vmem>>, %arg8: memref<80xi32, #tpu.memory_space<vmem>>, %arg9: memref<80x160xf32, #tpu.memory_space<vmem>>, %arg10: memref<!tpu.dma_semaphore, #tpu.memory_space<semaphore_mem>>) attributes {dimension_semantics = [#tpu.dimension_semantics<core_parallel>, #tpu.dimension_semantics<subcore_parallel>], iteration_bounds = array<i64: 2, 16>, scalar_prefetch = 0 : i64, scratch_operands = 5 : i64, tpu.core_type = #tpu.core_type<sc_vector_subcore>, window_params = [{transform_indices = #map}, {transform_indices = #map1}, {transform_indices = #map}, {transform_indices = #map2}]} {
    %mul3A = arith.constant 2 : i32
    %mul3A_0 = arith.muli %arg1, %mul3A : i32
    %add3A = arith.addi %mul3A_0, %arg0 : i32
    "tpu.region"() ({
      %run_scoped3A = tpu.sem_alloc : memref<!tpu.dma_semaphore, #tpu.memory_space<semaphore_mem>>
      tpu.enqueue_dma source(%arg4 : memref<25x160xf32, #tpu.memory_space<hbm>>) target(%arg7 : memref<25x160xf32, #tpu.memory_space<vmem>>) target_semaphore(%run_scoped3A : memref<!tpu.dma_semaphore, #tpu.memory_space<semaphore_mem>>)
      tpu.wait_dma2 semaphore(%run_scoped3A : memref<!tpu.dma_semaphore, #tpu.memory_space<semaphore_mem>>) src(%arg4 : memref<25x160xf32, #tpu.memory_space<hbm>>) dst(%arg7 : memref<25x160xf32, #tpu.memory_space<vmem>>)
      tpu.yield
    }) : () -> ()
    %scan3A = arith.constant 0 : i32
    %scan3A_1 = arith.constant 0 : i32
    %scan3A_2 = arith.constant 25 : i32
    %scan3A_3 = arith.addi %scan3A_1, %scan3A_2 : i32
    %scan3A_4 = arith.constant 1 : i32
    scf.for %scan3A_19 = %scan3A_1 to %scan3A_3 step %scan3A_4  : i32 {
      %mul3A_20 = arith.constant 625 : i32
      %mul3A_21 = arith.muli %arg1, %mul3A_20 : i32
      %mul3A_22 = arith.constant 25 : i32
      %mul3A_23 = arith.muli %scan3A_19, %mul3A_22 : i32
      %add3A_24 = arith.addi %mul3A_21, %mul3A_23 : i32
      "tpu.region"() ({
        %run_scoped3A = tpu.sem_alloc : memref<!tpu.dma_semaphore, #tpu.memory_space<semaphore_mem>>
        %dma_start3A = arith.constant 0 : i32
        %dma_start3A_25 = tpu.memref_slice %arg6[%add3A_24, %dma_start3A] : memref<10000x160xf32, #tpu.memory_space<vmem_shared>> -> memref<25x160xf32, #tpu.memory_space<vmem_shared>>
        %dma_start3A_26 = arith.constant 0 : i32
        %dma_start3A_27 = tpu.memref_slice %arg6[%add3A_24, %dma_start3A_26] : memref<10000x160xf32, #tpu.memory_space<vmem_shared>> -> memref<25x160xf32, #tpu.memory_space<vmem_shared>>
        tpu.enqueue_dma source(%arg7 : memref<25x160xf32, #tpu.memory_space<vmem>>) target(%dma_start3A_27 : memref<25x160xf32, #tpu.memory_space<vmem_shared>>) target_semaphore(%run_scoped3A : memref<!tpu.dma_semaphore, #tpu.memory_space<semaphore_mem>>)
        %dma_wait3A = arith.constant 0 : i32
        %dma_wait3A_28 = tpu.memref_slice %arg6[%add3A_24, %dma_wait3A] : memref<10000x160xf32, #tpu.memory_space<vmem_shared>> -> memref<25x160xf32, #tpu.memory_space<vmem_shared>>
        %dma_wait3A_29 = arith.constant 0 : i32
        %dma_wait3A_30 = tpu.memref_slice %arg6[%add3A_24, %dma_wait3A_29] : memref<10000x160xf32, #tpu.memory_space<vmem_shared>> -> memref<25x160xf32, #tpu.memory_space<vmem_shared>>
        tpu.wait_dma2 semaphore(%run_scoped3A : memref<!tpu.dma_semaphore, #tpu.memory_space<semaphore_mem>>) src(%arg7 : memref<25x160xf32, #tpu.memory_space<vmem>>) dst(%dma_wait3A_30 : memref<25x160xf32, #tpu.memory_space<vmem_shared>>)
        tpu.yield
      }) : () -> ()
    }
    %scan3A_5 = arith.constant 25 : i32
    %barrier3A = arith.constant 0 : index
    tpu.barrier barrier_id(%barrier3A)
    %scan3A_6 = arith.constant 0 : i32
    %scan3A_7 = arith.constant 0 : i32
    %scan3A_8 = arith.constant 125 : i32
    %scan3A_9 = arith.addi %scan3A_7, %scan3A_8 : i32
    %scan3A_10 = arith.constant 1 : i32
    scf.for %scan3A_19 = %scan3A_7 to %scan3A_9 step %scan3A_10  : i32 {
      %mul3A_20 = arith.constant 10000 : i32
      %mul3A_21 = arith.muli %add3A, %mul3A_20 : i32
      %mul3A_22 = arith.constant 80 : i32
      %mul3A_23 = arith.muli %scan3A_19, %mul3A_22 : i32
      %add3A_24 = arith.addi %mul3A_21, %mul3A_23 : i32
      "tpu.region"() ({
        %run_scoped3A = tpu.sem_alloc : memref<!tpu.dma_semaphore, #tpu.memory_space<semaphore_mem>>
        %dma_start3A = tpu.memref_slice %arg3[%add3A_24] : memref<320000xi32, #tpu.memory_space<hbm>> -> memref<80xi32, #tpu.memory_space<hbm>>
        %dma_start3A_25 = tpu.memref_slice %arg3[%add3A_24] : memref<320000xi32, #tpu.memory_space<hbm>> -> memref<80xi32, #tpu.memory_space<hbm>>
        tpu.enqueue_dma source(%dma_start3A_25 : memref<80xi32, #tpu.memory_space<hbm>>) target(%arg8 : memref<80xi32, #tpu.memory_space<vmem>>) target_semaphore(%run_scoped3A : memref<!tpu.dma_semaphore, #tpu.memory_space<semaphore_mem>>)
        %dma_wait3A = tpu.memref_slice %arg3[%add3A_24] : memref<320000xi32, #tpu.memory_space<hbm>> -> memref<80xi32, #tpu.memory_space<hbm>>
        %dma_wait3A_26 = tpu.memref_slice %arg3[%add3A_24] : memref<320000xi32, #tpu.memory_space<hbm>> -> memref<80xi32, #tpu.memory_space<hbm>>
        tpu.wait_dma2 semaphore(%run_scoped3A : memref<!tpu.dma_semaphore, #tpu.memory_space<semaphore_mem>>) src(%dma_wait3A_26 : memref<80xi32, #tpu.memory_space<hbm>>) dst(%arg8 : memref<80xi32, #tpu.memory_space<vmem>>)
        tpu.yield
      }) : () -> ()
      "tpu.region"() ({
        %run_scoped3A = tpu.sem_alloc : memref<!tpu.dma_semaphore, #tpu.memory_space<semaphore_mem>>
        %dma_start3A = arith.constant 0 : i32
        %dma_start3A_25 = tpu.memref_slice %arg2[%add3A_24, %dma_start3A] : memref<320000x160xf32, #tpu.memory_space<hbm>> -> memref<80x160xf32, #tpu.memory_space<hbm>>
        %dma_start3A_26 = arith.constant 0 : i32
        %dma_start3A_27 = tpu.memref_slice %arg2[%add3A_24, %dma_start3A_26] : memref<320000x160xf32, #tpu.memory_space<hbm>> -> memref<80x160xf32, #tpu.memory_space<hbm>>
        tpu.enqueue_dma source(%dma_start3A_27 : memref<80x160xf32, #tpu.memory_space<hbm>>) target(%arg9 : memref<80x160xf32, #tpu.memory_space<vmem>>) target_semaphore(%run_scoped3A : memref<!tpu.dma_semaphore, #tpu.memory_space<semaphore_mem>>)
        %dma_wait3A = arith.constant 0 : i32
        %dma_wait3A_28 = tpu.memref_slice %arg2[%add3A_24, %dma_wait3A] : memref<320000x160xf32, #tpu.memory_space<hbm>> -> memref<80x160xf32, #tpu.memory_space<hbm>>
        %dma_wait3A_29 = arith.constant 0 : i32
        %dma_wait3A_30 = tpu.memref_slice %arg2[%add3A_24, %dma_wait3A_29] : memref<320000x160xf32, #tpu.memory_space<hbm>> -> memref<80x160xf32, #tpu.memory_space<hbm>>
        tpu.wait_dma2 semaphore(%run_scoped3A : memref<!tpu.dma_semaphore, #tpu.memory_space<semaphore_mem>>) src(%dma_wait3A_30 : memref<80x160xf32, #tpu.memory_space<hbm>>) dst(%arg9 : memref<80x160xf32, #tpu.memory_space<vmem>>)
        tpu.yield
      }) : () -> ()
      "tpu.region"() ({
        %run_scoped3A = tpu.sem_alloc : memref<!tpu.dma_semaphore, #tpu.memory_space<semaphore_mem>>
        %dma_start3A = arith.constant 0 : i32
        %dma_start3A_25 = arith.constant 0 : i32
        %dma_start3A_26 = tpu.memref_slice %arg6[%dma_start3A, %dma_start3A_25] : memref<10000x160xf32, #tpu.memory_space<vmem_shared>> -> memref<10000x160xf32, #tpu.memory_space<vmem_shared>>
        tpu.enqueue_indirect_dma source(%arg9 : memref<80x160xf32, #tpu.memory_space<vmem>>) target(%dma_start3A_26 : memref<10000x160xf32, #tpu.memory_space<vmem_shared>>) offsets(%arg8 : memref<80xi32, #tpu.memory_space<vmem>>) semaphore(%run_scoped3A : memref<!tpu.dma_semaphore, #tpu.memory_space<semaphore_mem>>) {add = true}
        %dma_wait3A = arith.constant 0 : i32
        %dma_wait3A_27 = arith.constant 0 : i32
        %dma_wait3A_28 = tpu.memref_slice %arg6[%dma_wait3A, %dma_wait3A_27] : memref<10000x160xf32, #tpu.memory_space<vmem_shared>> -> memref<10000x160xf32, #tpu.memory_space<vmem_shared>>
        tpu.wait_indirect_dma semaphore(%run_scoped3A : memref<!tpu.dma_semaphore, #tpu.memory_space<semaphore_mem>>) src(%arg9 : memref<80x160xf32, #tpu.memory_space<vmem>>) dst(%dma_wait3A_28 : memref<10000x160xf32, #tpu.memory_space<vmem_shared>>)
        tpu.yield
      }) : () -> ()
    }
    %scan3A_11 = arith.constant 125 : i32
    %barrier3A_12 = arith.constant 0 : index
    tpu.barrier barrier_id(%barrier3A_12)
    %scan3A_13 = arith.constant 0 : i32
    %scan3A_14 = arith.constant 0 : i32
    %scan3A_15 = arith.constant 25 : i32
    %scan3A_16 = arith.addi %scan3A_14, %scan3A_15 : i32
    %scan3A_17 = arith.constant 1 : i32
    scf.for %scan3A_19 = %scan3A_14 to %scan3A_16 step %scan3A_17  : i32 {
      %mul3A_20 = arith.constant 625 : i32
      %mul3A_21 = arith.muli %arg1, %mul3A_20 : i32
      %mul3A_22 = arith.constant 25 : i32
      %mul3A_23 = arith.muli %scan3A_19, %mul3A_22 : i32
      %add3A_24 = arith.addi %mul3A_21, %mul3A_23 : i32
      "tpu.region"() ({
        %run_scoped3A = tpu.sem_alloc : memref<!tpu.dma_semaphore, #tpu.memory_space<semaphore_mem>>
        %dma_start3A = arith.constant 0 : i32
        %dma_start3A_25 = tpu.memref_slice %arg6[%add3A_24, %dma_start3A] : memref<10000x160xf32, #tpu.memory_space<vmem_shared>> -> memref<25x160xf32, #tpu.memory_space<vmem_shared>>
        %dma_start3A_26 = arith.constant 0 : i32
        %dma_start3A_27 = tpu.memref_slice %arg6[%add3A_24, %dma_start3A_26] : memref<10000x160xf32, #tpu.memory_space<vmem_shared>> -> memref<25x160xf32, #tpu.memory_space<vmem_shared>>
        tpu.enqueue_dma source(%dma_start3A_27 : memref<25x160xf32, #tpu.memory_space<vmem_shared>>) target(%arg7 : memref<25x160xf32, #tpu.memory_space<vmem>>) target_semaphore(%run_scoped3A : memref<!tpu.dma_semaphore, #tpu.memory_space<semaphore_mem>>)
        %dma_wait3A = arith.constant 0 : i32
        %dma_wait3A_28 = tpu.memref_slice %arg6[%add3A_24, %dma_wait3A] : memref<10000x160xf32, #tpu.memory_space<vmem_shared>> -> memref<25x160xf32, #tpu.memory_space<vmem_shared>>
        %dma_wait3A_29 = arith.constant 0 : i32
        %dma_wait3A_30 = tpu.memref_slice %arg6[%add3A_24, %dma_wait3A_29] : memref<10000x160xf32, #tpu.memory_space<vmem_shared>> -> memref<25x160xf32, #tpu.memory_space<vmem_shared>>
        tpu.wait_dma2 semaphore(%run_scoped3A : memref<!tpu.dma_semaphore, #tpu.memory_space<semaphore_mem>>) src(%dma_wait3A_30 : memref<25x160xf32, #tpu.memory_space<vmem_shared>>) dst(%arg7 : memref<25x160xf32, #tpu.memory_space<vmem>>)
        tpu.yield
      }) : () -> ()
      "tpu.region"() ({
        %run_scoped3A = tpu.sem_alloc : memref<!tpu.dma_semaphore, #tpu.memory_space<semaphore_mem>>
        %dma_start3A = arith.constant 0 : i32
        %dma_start3A_25 = tpu.memref_slice %arg5[%arg0, %add3A_24, %dma_start3A] : memref<2x10000x160xf32, #tpu.memory_space<hbm>> -> memref<1x25x160xf32, #tpu.memory_space<hbm>>
        %dma_start3A_26 = tpu.memref_squeeze %dma_start3A_25 : memref<1x25x160xf32, #tpu.memory_space<hbm>> -> memref<25x160xf32, #tpu.memory_space<hbm>>
        %dma_start3A_27 = arith.constant 0 : i32
        %dma_start3A_28 = tpu.memref_slice %arg5[%arg0, %add3A_24, %dma_start3A_27] : memref<2x10000x160xf32, #tpu.memory_space<hbm>> -> memref<1x25x160xf32, #tpu.memory_space<hbm>>
        %dma_start3A_29 = tpu.memref_squeeze %dma_start3A_28 : memref<1x25x160xf32, #tpu.memory_space<hbm>> -> memref<25x160xf32, #tpu.memory_space<hbm>>
        tpu.enqueue_dma source(%arg7 : memref<25x160xf32, #tpu.memory_space<vmem>>) target(%dma_start3A_29 : memref<25x160xf32, #tpu.memory_space<hbm>>) target_semaphore(%run_scoped3A : memref<!tpu.dma_semaphore, #tpu.memory_space<semaphore_mem>>)
        %dma_wait3A = arith.constant 0 : i32
        %dma_wait3A_30 = tpu.memref_slice %arg5[%arg0, %add3A_24, %dma_wait3A] : memref<2x10000x160xf32, #tpu.memory_space<hbm>> -> memref<1x25x160xf32, #tpu.memory_space<hbm>>
        %dma_wait3A_31 = tpu.memref_squeeze %dma_wait3A_30 : memref<1x25x160xf32, #tpu.memory_space<hbm>> -> memref<25x160xf32, #tpu.memory_space<hbm>>
        %dma_wait3A_32 = arith.constant 0 : i32
        %dma_wait3A_33 = tpu.memref_slice %arg5[%arg0, %add3A_24, %dma_wait3A_32] : memref<2x10000x160xf32, #tpu.memory_space<hbm>> -> memref<1x25x160xf32, #tpu.memory_space<hbm>>
        %dma_wait3A_34 = tpu.memref_squeeze %dma_wait3A_33 : memref<1x25x160xf32, #tpu.memory_space<hbm>> -> memref<25x160xf32, #tpu.memory_space<hbm>>
        tpu.wait_dma2 semaphore(%run_scoped3A : memref<!tpu.dma_semaphore, #tpu.memory_space<semaphore_mem>>) src(%arg7 : memref<25x160xf32, #tpu.memory_space<vmem>>) dst(%dma_wait3A_34 : memref<25x160xf32, #tpu.memory_space<hbm>>)
        tpu.yield
      }) : () -> ()
    }
    %scan3A_18 = arith.constant 25 : i32
    return
  }
}

module attributes {stable_mosaic.version = 14 : i64} {
  func.func @_node_init_body(%arg0: i32, %arg1: memref<1000x6xf32, #tpu.memory_space<vmem>>, %arg2: memref<1000x3xf32, #tpu.memory_space<vmem>>, %arg3: memref<1000x3xf32, #tpu.memory_space<vmem>>, %arg4: memref<1000x3xf32, #tpu.memory_space<vmem>>, %arg5: memref<3x16xf32, #tpu.memory_space<vmem>>, %arg6: memref<6x100xf32, #tpu.memory_space<vmem>>, %arg7: memref<16x100xf32, #tpu.memory_space<vmem>>, %arg8: memref<1x100xf32, #tpu.memory_space<vmem>>, %arg9: memref<16x16xf32, #tpu.memory_space<vmem>>, %arg10: memref<1x100xf32, #tpu.memory_space<vmem>>, %arg11: memref<1x100xf32, #tpu.memory_space<vmem>>, %arg12: memref<1000x160xf32, #tpu.memory_space<vmem>>) attributes {dimension_semantics = [#tpu.dimension_semantics<arbitrary>], iteration_bounds = array<i64: 10>, scalar_prefetch = 0 : i64, scratch_operands = 0 : i64, tpu.core_type = #tpu.core_type<tc>, window_params = [{transform_indices = @transform_0, window_bounds = array<i64: 1000, 6>}, {transform_indices = @transform_1, window_bounds = array<i64: 1000, 3>}, {transform_indices = @transform_2, window_bounds = array<i64: 1000, 3>}, {transform_indices = @transform_3, window_bounds = array<i64: 1000, 3>}, {pipeline_mode = #tpu.pipeline_mode<synchronous>, transform_indices = @transform_4, window_bounds = array<i64: 3, 16>}, {pipeline_mode = #tpu.pipeline_mode<synchronous>, transform_indices = @transform_5, window_bounds = array<i64: 6, 100>}, {pipeline_mode = #tpu.pipeline_mode<synchronous>, transform_indices = @transform_6, window_bounds = array<i64: 16, 100>}, {pipeline_mode = #tpu.pipeline_mode<synchronous>, transform_indices = @transform_7, window_bounds = array<i64: 1, 100>}, {pipeline_mode = #tpu.pipeline_mode<synchronous>, transform_indices = @transform_8, window_bounds = array<i64: 16, 16>}, {pipeline_mode = #tpu.pipeline_mode<synchronous>, transform_indices = @transform_9, window_bounds = array<i64: 1, 100>}, {pipeline_mode = #tpu.pipeline_mode<synchronous>, transform_indices = @transform_10, window_bounds = array<i64: 1, 100>}, {transform_indices = @transform_11, window_bounds = array<i64: 1000, 160>}]} {
    %get3A = arith.constant 0 : index
    %get3A_0 = arith.constant 0 : index
    %get3A_1 = vector.load %arg2[%get3A, %get3A_0] : memref<1000x3xf32, #tpu.memory_space<vmem>>, vector<1000x3xf32>
    %get3A_2 = arith.constant 0 : index
    %get3A_3 = arith.constant 0 : index
    %get3A_4 = vector.load %arg5[%get3A_2, %get3A_3] : memref<3x16xf32, #tpu.memory_space<vmem>>, vector<3x16xf32>
    %dot_general3A = arith.constant dense<0.000000e+00> : vector<1000x16xf32>
    %dot_general3A_5 = tpu.matmul %get3A_1, %get3A_4, %dot_general3A {dimension_numbers = #tpu.dot_dimension_numbers<[1], [0], [0], [1], [0, 0, 1, 1], [], []>, transpose_lhs_hint = false} : vector<1000x3xf32>, vector<3x16xf32>, vector<1000x16xf32> -> vector<1000x16xf32>
    %get3A_6 = arith.constant 0 : index
    %get3A_7 = arith.constant 0 : index
    %get3A_8 = vector.load %arg3[%get3A_6, %get3A_7] : memref<1000x3xf32, #tpu.memory_space<vmem>>, vector<1000x3xf32>
    %get3A_9 = arith.constant 0 : index
    %get3A_10 = arith.constant 0 : index
    %get3A_11 = vector.load %arg5[%get3A_9, %get3A_10] : memref<3x16xf32, #tpu.memory_space<vmem>>, vector<3x16xf32>
    %dot_general3A_12 = arith.constant dense<0.000000e+00> : vector<1000x16xf32>
    %dot_general3A_13 = tpu.matmul %get3A_8, %get3A_11, %dot_general3A_12 {dimension_numbers = #tpu.dot_dimension_numbers<[1], [0], [0], [1], [0, 0, 1, 1], [], []>, transpose_lhs_hint = false} : vector<1000x3xf32>, vector<3x16xf32>, vector<1000x16xf32> -> vector<1000x16xf32>
    %get3A_14 = arith.constant 0 : index
    %get3A_15 = arith.constant 0 : index
    %get3A_16 = vector.load %arg4[%get3A_14, %get3A_15] : memref<1000x3xf32, #tpu.memory_space<vmem>>, vector<1000x3xf32>
    %get3A_17 = arith.constant 0 : index
    %get3A_18 = arith.constant 0 : index
    %get3A_19 = vector.load %arg5[%get3A_17, %get3A_18] : memref<3x16xf32, #tpu.memory_space<vmem>>, vector<3x16xf32>
    %dot_general3A_20 = arith.constant dense<0.000000e+00> : vector<1000x16xf32>
    %dot_general3A_21 = tpu.matmul %get3A_16, %get3A_19, %dot_general3A_20 {dimension_numbers = #tpu.dot_dimension_numbers<[1], [0], [0], [1], [0, 0, 1, 1], [], []>, transpose_lhs_hint = false} : vector<1000x3xf32>, vector<3x16xf32>, vector<1000x16xf32> -> vector<1000x16xf32>
    %mul3A = arith.mulf %dot_general3A_5, %dot_general3A_5 : vector<1000x16xf32>
    %mul3A_22 = arith.mulf %dot_general3A_13, %dot_general3A_13 : vector<1000x16xf32>
    %add3A = arith.addf %mul3A, %mul3A_22 : vector<1000x16xf32>
    %mul3A_23 = arith.mulf %dot_general3A_21, %dot_general3A_21 : vector<1000x16xf32>
    %add3A_24 = arith.addf %add3A, %mul3A_23 : vector<1000x16xf32>
    %max3A = arith.constant 9.99999993E-9 : f32
    %max3A_25 = vector.broadcast %max3A : f32 to vector<1000x16xf32>
    %max3A_26 = arith.maximumf %add3A_24, %max3A_25 : vector<1000x16xf32>
    %sqrt3A = math.sqrt %max3A_26 : vector<1000x16xf32>
    %get3A_27 = arith.constant 0 : index
    %get3A_28 = arith.constant 0 : index
    %get3A_29 = vector.load %arg1[%get3A_27, %get3A_28] : memref<1000x6xf32, #tpu.memory_space<vmem>>, vector<1000x6xf32>
    %get3A_30 = arith.constant 0 : index
    %get3A_31 = arith.constant 0 : index
    %get3A_32 = vector.load %arg6[%get3A_30, %get3A_31] : memref<6x100xf32, #tpu.memory_space<vmem>>, vector<6x100xf32>
    %dot_general3A_33 = arith.constant dense<0.000000e+00> : vector<1000x100xf32>
    %dot_general3A_34 = tpu.matmul %get3A_29, %get3A_32, %dot_general3A_33 {dimension_numbers = #tpu.dot_dimension_numbers<[1], [0], [0], [1], [0, 0, 1, 1], [], []>, transpose_lhs_hint = false} : vector<1000x6xf32>, vector<6x100xf32>, vector<1000x100xf32> -> vector<1000x100xf32>
    %get3A_35 = arith.constant 0 : index
    %get3A_36 = arith.constant 0 : index
    %get3A_37 = vector.load %arg7[%get3A_35, %get3A_36] : memref<16x100xf32, #tpu.memory_space<vmem>>, vector<16x100xf32>
    %dot_general3A_38 = arith.constant dense<0.000000e+00> : vector<1000x100xf32>
    %dot_general3A_39 = tpu.matmul %sqrt3A, %get3A_37, %dot_general3A_38 {dimension_numbers = #tpu.dot_dimension_numbers<[1], [0], [0], [1], [0, 0, 1, 1], [], []>, transpose_lhs_hint = false} : vector<1000x16xf32>, vector<16x100xf32>, vector<1000x100xf32> -> vector<1000x100xf32>
    %add3A_40 = arith.addf %dot_general3A_34, %dot_general3A_39 : vector<1000x100xf32>
    %get3A_41 = arith.constant 0 : index
    %get3A_42 = arith.constant 0 : index
    %get3A_43 = vector.load %arg8[%get3A_41, %get3A_42] : memref<1x100xf32, #tpu.memory_space<vmem>>, vector<1x100xf32>
    %add3A_44 = vector.broadcast %get3A_43 : vector<1x100xf32> to vector<1000x100xf32>
    %add3A_45 = arith.addf %add3A_40, %add3A_44 : vector<1000x100xf32>
    %get3A_46 = arith.constant 0 : index
    %get3A_47 = arith.constant 0 : index
    %get3A_48 = vector.load %arg9[%get3A_46, %get3A_47] : memref<16x16xf32, #tpu.memory_space<vmem>>, vector<16x16xf32>
    %dot_general3A_49 = arith.constant dense<0.000000e+00> : vector<1000x16xf32>
    %dot_general3A_50 = tpu.matmul %dot_general3A_5, %get3A_48, %dot_general3A_49 {dimension_numbers = #tpu.dot_dimension_numbers<[1], [0], [0], [1], [0, 0, 1, 1], [], []>, transpose_lhs_hint = false} : vector<1000x16xf32>, vector<16x16xf32>, vector<1000x16xf32> -> vector<1000x16xf32>
    %get3A_51 = arith.constant 0 : index
    %get3A_52 = arith.constant 0 : index
    %get3A_53 = vector.load %arg9[%get3A_51, %get3A_52] : memref<16x16xf32, #tpu.memory_space<vmem>>, vector<16x16xf32>
    %dot_general3A_54 = arith.constant dense<0.000000e+00> : vector<1000x16xf32>
    %dot_general3A_55 = tpu.matmul %dot_general3A_13, %get3A_53, %dot_general3A_54 {dimension_numbers = #tpu.dot_dimension_numbers<[1], [0], [0], [1], [0, 0, 1, 1], [], []>, transpose_lhs_hint = false} : vector<1000x16xf32>, vector<16x16xf32>, vector<1000x16xf32> -> vector<1000x16xf32>
    %get3A_56 = arith.constant 0 : index
    %get3A_57 = arith.constant 0 : index
    %get3A_58 = vector.load %arg9[%get3A_56, %get3A_57] : memref<16x16xf32, #tpu.memory_space<vmem>>, vector<16x16xf32>
    %dot_general3A_59 = arith.constant dense<0.000000e+00> : vector<1000x16xf32>
    %dot_general3A_60 = tpu.matmul %dot_general3A_21, %get3A_58, %dot_general3A_59 {dimension_numbers = #tpu.dot_dimension_numbers<[1], [0], [0], [1], [0, 0, 1, 1], [], []>, transpose_lhs_hint = false} : vector<1000x16xf32>, vector<16x16xf32>, vector<1000x16xf32> -> vector<1000x16xf32>
    %get3A_61 = arith.constant 0 : index
    %get3A_62 = arith.constant 0 : index
    %get3A_63 = vector.load %arg10[%get3A_61, %get3A_62] : memref<1x100xf32, #tpu.memory_space<vmem>>, vector<1x100xf32>
    %get3A_64 = arith.constant 0 : index
    %get3A_65 = arith.constant 0 : index
    %get3A_66 = vector.load %arg11[%get3A_64, %get3A_65] : memref<1x100xf32, #tpu.memory_space<vmem>>, vector<1x100xf32>
    %reduce_sum3A = arith.constant dense<0.000000e+00> : vector<1000xf32>
    %reduce_sum3A_67 = vector.multi_reduction <add>, %add3A_45, %reduce_sum3A [1] : vector<1000x100xf32> to vector<1000xf32>
    %broadcast_in_dim3A = vector.shape_cast %reduce_sum3A_67 : vector<1000xf32> to vector<1000x1xf32>
    %div3A = arith.constant 1.000000e+02 : f32
    %div3A_68 = vector.broadcast %div3A : f32 to vector<1000x1xf32>
    %div3A_69 = arith.divf %broadcast_in_dim3A, %div3A_68 : vector<1000x1xf32>
    %sub3A = vector.broadcast %div3A_69 : vector<1000x1xf32> to vector<1000x100xf32>
    %sub3A_70 = arith.subf %add3A_45, %sub3A : vector<1000x100xf32>
    %square3A = arith.mulf %sub3A_70, %sub3A_70 : vector<1000x100xf32>
    %reduce_sum3A_71 = arith.constant dense<0.000000e+00> : vector<1000xf32>
    %reduce_sum3A_72 = vector.multi_reduction <add>, %square3A, %reduce_sum3A_71 [1] : vector<1000x100xf32> to vector<1000xf32>
    %broadcast_in_dim3A_73 = vector.shape_cast %reduce_sum3A_72 : vector<1000xf32> to vector<1000x1xf32>
    %div3A_74 = arith.constant 1.000000e+02 : f32
    %div3A_75 = vector.broadcast %div3A_74 : f32 to vector<1000x1xf32>
    %div3A_76 = arith.divf %broadcast_in_dim3A_73, %div3A_75 : vector<1000x1xf32>
    %sub3A_77 = vector.broadcast %div3A_69 : vector<1000x1xf32> to vector<1000x100xf32>
    %sub3A_78 = arith.subf %add3A_45, %sub3A_77 : vector<1000x100xf32>
    %add3A_79 = arith.constant 9.99999974E-6 : f32
    %add3A_80 = vector.broadcast %add3A_79 : f32 to vector<1000x1xf32>
    %add3A_81 = arith.addf %div3A_76, %add3A_80 : vector<1000x1xf32>
    %rsqrt3A = math.rsqrt %add3A_81 : vector<1000x1xf32>
    %mul3A_82 = vector.broadcast %rsqrt3A : vector<1000x1xf32> to vector<1000x100xf32>
    %mul3A_83 = arith.mulf %sub3A_78, %mul3A_82 : vector<1000x100xf32>
    %mul3A_84 = vector.broadcast %get3A_63 : vector<1x100xf32> to vector<1000x100xf32>
    %mul3A_85 = arith.mulf %mul3A_83, %mul3A_84 : vector<1000x100xf32>
    %add3A_86 = vector.broadcast %get3A_66 : vector<1x100xf32> to vector<1000x100xf32>
    %add3A_87 = arith.addf %mul3A_85, %add3A_86 : vector<1000x100xf32>
    %mul3A_88 = arith.mulf %dot_general3A_50, %dot_general3A_50 : vector<1000x16xf32>
    %mul3A_89 = arith.mulf %dot_general3A_55, %dot_general3A_55 : vector<1000x16xf32>
    %add3A_90 = arith.addf %mul3A_88, %mul3A_89 : vector<1000x16xf32>
    %mul3A_91 = arith.mulf %dot_general3A_60, %dot_general3A_60 : vector<1000x16xf32>
    %add3A_92 = arith.addf %add3A_90, %mul3A_91 : vector<1000x16xf32>
    %max3A_93 = arith.constant 9.99999993E-9 : f32
    %max3A_94 = vector.broadcast %max3A_93 : f32 to vector<1000x16xf32>
    %max3A_95 = arith.maximumf %add3A_92, %max3A_94 : vector<1000x16xf32>
    %reduce_sum3A_96 = arith.constant dense<0.000000e+00> : vector<1000xf32>
    %reduce_sum3A_97 = vector.multi_reduction <add>, %max3A_95, %reduce_sum3A_96 [1] : vector<1000x16xf32> to vector<1000xf32>
    %broadcast_in_dim3A_98 = vector.shape_cast %reduce_sum3A_97 : vector<1000xf32> to vector<1000x1xf32>
    %div3A_99 = arith.constant 1.600000e+01 : f32
    %div3A_100 = vector.broadcast %div3A_99 : f32 to vector<1000x1xf32>
    %div3A_101 = arith.divf %broadcast_in_dim3A_98, %div3A_100 : vector<1000x1xf32>
    %rsqrt3A_102 = math.rsqrt %div3A_101 : vector<1000x1xf32>
    %mul3A_103 = vector.broadcast %rsqrt3A_102 : vector<1000x1xf32> to vector<1000x16xf32>
    %mul3A_104 = arith.mulf %dot_general3A_50, %mul3A_103 : vector<1000x16xf32>
    %mul3A_105 = vector.broadcast %rsqrt3A_102 : vector<1000x1xf32> to vector<1000x16xf32>
    %mul3A_106 = arith.mulf %dot_general3A_55, %mul3A_105 : vector<1000x16xf32>
    %mul3A_107 = vector.broadcast %rsqrt3A_102 : vector<1000x1xf32> to vector<1000x16xf32>
    %mul3A_108 = arith.mulf %dot_general3A_60, %mul3A_107 : vector<1000x16xf32>
    %broadcast_in_dim3A_109 = arith.constant 0.000000e+00 : f32
    %broadcast_in_dim3A_110 = vector.broadcast %broadcast_in_dim3A_109 : f32 to vector<1000x12xf32>
    %concatenate3A = tpu.concatenate %add3A_87, %mul3A_104, %mul3A_106, %mul3A_108, %broadcast_in_dim3A_110 in 1 : vector<1000x100xf32>, vector<1000x16xf32>, vector<1000x16xf32>, vector<1000x16xf32>, vector<1000x12xf32> -> vector<1000x160xf32>
    %swap3A = arith.constant 0 : index
    %swap3A_111 = arith.constant 0 : index
    %swap3A_112 = vector.load %arg12[%swap3A, %swap3A_111] : memref<1000x160xf32, #tpu.memory_space<vmem>>, vector<1000x160xf32>
    tpu.vector_store %arg12[%swap3A, %swap3A_111], %concatenate3A {strides = array<i32>} : memref<1000x160xf32, #tpu.memory_space<vmem>>, vector<1000x160xf32>,
    return
  }
  func.func @transform_0(%arg0: i32) -> (i32, i32) {
    %c0_i32 = arith.constant 0 : i32
    %c0_i32_0 = arith.constant 0 : i32
    return %arg0, %c0_i32 : i32, i32
  }
  func.func @transform_1(%arg0: i32) -> (i32, i32) {
    %c0_i32 = arith.constant 0 : i32
    %c0_i32_0 = arith.constant 0 : i32
    return %arg0, %c0_i32 : i32, i32
  }
  func.func @transform_2(%arg0: i32) -> (i32, i32) {
    %c0_i32 = arith.constant 0 : i32
    %c0_i32_0 = arith.constant 0 : i32
    return %arg0, %c0_i32 : i32, i32
  }
  func.func @transform_3(%arg0: i32) -> (i32, i32) {
    %c0_i32 = arith.constant 0 : i32
    %c0_i32_0 = arith.constant 0 : i32
    return %arg0, %c0_i32 : i32, i32
  }
  func.func @transform_4(%arg0: i32) -> (i32, i32) {
    %c0_i32 = arith.constant 0 : i32
    %c0_i32_0 = arith.constant 0 : i32
    %c0_i32_1 = arith.constant 0 : i32
    return %c0_i32, %c0_i32_0 : i32, i32
  }
  func.func @transform_5(%arg0: i32) -> (i32, i32) {
    %c0_i32 = arith.constant 0 : i32
    %c0_i32_0 = arith.constant 0 : i32
    %c0_i32_1 = arith.constant 0 : i32
    return %c0_i32, %c0_i32_0 : i32, i32
  }
  func.func @transform_6(%arg0: i32) -> (i32, i32) {
    %c0_i32 = arith.constant 0 : i32
    %c0_i32_0 = arith.constant 0 : i32
    %c0_i32_1 = arith.constant 0 : i32
    return %c0_i32, %c0_i32_0 : i32, i32
  }
  func.func @transform_7(%arg0: i32) -> (i32, i32) {
    %c0_i32 = arith.constant 0 : i32
    %c0_i32_0 = arith.constant 0 : i32
    %c0_i32_1 = arith.constant 0 : i32
    return %c0_i32, %c0_i32_0 : i32, i32
  }
  func.func @transform_8(%arg0: i32) -> (i32, i32) {
    %c0_i32 = arith.constant 0 : i32
    %c0_i32_0 = arith.constant 0 : i32
    %c0_i32_1 = arith.constant 0 : i32
    return %c0_i32, %c0_i32_0 : i32, i32
  }
  func.func @transform_9(%arg0: i32) -> (i32, i32) {
    %c0_i32 = arith.constant 0 : i32
    %c0_i32_0 = arith.constant 0 : i32
    %c0_i32_1 = arith.constant 0 : i32
    return %c0_i32, %c0_i32_0 : i32, i32
  }
  func.func @transform_10(%arg0: i32) -> (i32, i32) {
    %c0_i32 = arith.constant 0 : i32
    %c0_i32_0 = arith.constant 0 : i32
    %c0_i32_1 = arith.constant 0 : i32
    return %c0_i32, %c0_i32_0 : i32, i32
  }
  func.func @transform_11(%arg0: i32) -> (i32, i32) {
    %c0_i32 = arith.constant 0 : i32
    %c0_i32_0 = arith.constant 0 : i32
    return %arg0, %c0_i32 : i32, i32
  }
}

module attributes {stable_mosaic.version = 14 : i64} {
  func.func @_edge_init_body(%arg0: i32, %arg1: memref<2000x32xf32, #tpu.memory_space<vmem>>, %arg2: memref<2000x1xf32, #tpu.memory_space<vmem>>, %arg3: memref<2000x1xf32, #tpu.memory_space<vmem>>, %arg4: memref<2000x1xf32, #tpu.memory_space<vmem>>, %arg5: memref<1x1xf32, #tpu.memory_space<vmem>>, %arg6: memref<32x32xf32, #tpu.memory_space<vmem>>, %arg7: memref<1x32xf32, #tpu.memory_space<vmem>>, %arg8: memref<1x32xf32, #tpu.memory_space<vmem>>, %arg9: memref<1x1xf32, #tpu.memory_space<vmem>>, %arg10: memref<1x32xf32, #tpu.memory_space<vmem>>, %arg11: memref<1x32xf32, #tpu.memory_space<vmem>>, %arg12: memref<2000x48xf32, #tpu.memory_space<vmem>>) attributes {dimension_semantics = [#tpu.dimension_semantics<arbitrary>], iteration_bounds = array<i64: 160>, scalar_prefetch = 0 : i64, scratch_operands = 0 : i64, tpu.core_type = #tpu.core_type<tc>, window_params = [{transform_indices = @transform_0, window_bounds = array<i64: 2000, 32>}, {transform_indices = @transform_1, window_bounds = array<i64: 2000, 1>}, {transform_indices = @transform_2, window_bounds = array<i64: 2000, 1>}, {transform_indices = @transform_3, window_bounds = array<i64: 2000, 1>}, {pipeline_mode = #tpu.pipeline_mode<synchronous>, transform_indices = @transform_4, window_bounds = array<i64: 1, 1>}, {pipeline_mode = #tpu.pipeline_mode<synchronous>, transform_indices = @transform_5, window_bounds = array<i64: 32, 32>}, {pipeline_mode = #tpu.pipeline_mode<synchronous>, transform_indices = @transform_6, window_bounds = array<i64: 1, 32>}, {pipeline_mode = #tpu.pipeline_mode<synchronous>, transform_indices = @transform_7, window_bounds = array<i64: 1, 32>}, {pipeline_mode = #tpu.pipeline_mode<synchronous>, transform_indices = @transform_8, window_bounds = array<i64: 1, 1>}, {pipeline_mode = #tpu.pipeline_mode<synchronous>, transform_indices = @transform_9, window_bounds = array<i64: 1, 32>}, {pipeline_mode = #tpu.pipeline_mode<synchronous>, transform_indices = @transform_10, window_bounds = array<i64: 1, 32>}, {transform_indices = @transform_11, window_bounds = array<i64: 2000, 48>}]} {
    %get3A = arith.constant 0 : index
    %get3A_0 = arith.constant 0 : index
    %get3A_1 = vector.load %arg2[%get3A, %get3A_0] : memref<2000x1xf32, #tpu.memory_space<vmem>>, vector<2000x1xf32>
    %get3A_2 = arith.constant 0 : index
    %get3A_3 = arith.constant 0 : index
    %get3A_4 = vector.load %arg5[%get3A_2, %get3A_3] : memref<1x1xf32, #tpu.memory_space<vmem>>, vector<1x1xf32>
    %mul3A = vector.broadcast %get3A_4 : vector<1x1xf32> to vector<2000x1xf32>
    %mul3A_5 = arith.mulf %get3A_1, %mul3A : vector<2000x1xf32>
    %get3A_6 = arith.constant 0 : index
    %get3A_7 = arith.constant 0 : index
    %get3A_8 = vector.load %arg3[%get3A_6, %get3A_7] : memref<2000x1xf32, #tpu.memory_space<vmem>>, vector<2000x1xf32>
    %get3A_9 = arith.constant 0 : index
    %get3A_10 = arith.constant 0 : index
    %get3A_11 = vector.load %arg5[%get3A_9, %get3A_10] : memref<1x1xf32, #tpu.memory_space<vmem>>, vector<1x1xf32>
    %mul3A_12 = vector.broadcast %get3A_11 : vector<1x1xf32> to vector<2000x1xf32>
    %mul3A_13 = arith.mulf %get3A_8, %mul3A_12 : vector<2000x1xf32>
    %get3A_14 = arith.constant 0 : index
    %get3A_15 = arith.constant 0 : index
    %get3A_16 = vector.load %arg4[%get3A_14, %get3A_15] : memref<2000x1xf32, #tpu.memory_space<vmem>>, vector<2000x1xf32>
    %get3A_17 = arith.constant 0 : index
    %get3A_18 = arith.constant 0 : index
    %get3A_19 = vector.load %arg5[%get3A_17, %get3A_18] : memref<1x1xf32, #tpu.memory_space<vmem>>, vector<1x1xf32>
    %mul3A_20 = vector.broadcast %get3A_19 : vector<1x1xf32> to vector<2000x1xf32>
    %mul3A_21 = arith.mulf %get3A_16, %mul3A_20 : vector<2000x1xf32>
    %mul3A_22 = arith.mulf %mul3A_5, %mul3A_5 : vector<2000x1xf32>
    %mul3A_23 = arith.mulf %mul3A_13, %mul3A_13 : vector<2000x1xf32>
    %add3A = arith.addf %mul3A_22, %mul3A_23 : vector<2000x1xf32>
    %mul3A_24 = arith.mulf %mul3A_21, %mul3A_21 : vector<2000x1xf32>
    %add3A_25 = arith.addf %add3A, %mul3A_24 : vector<2000x1xf32>
    %max3A = arith.constant 9.99999993E-9 : f32
    %max3A_26 = vector.broadcast %max3A : f32 to vector<2000x1xf32>
    %max3A_27 = arith.maximumf %add3A_25, %max3A_26 : vector<2000x1xf32>
    %sqrt3A = math.sqrt %max3A_27 : vector<2000x1xf32>
    %get3A_28 = arith.constant 0 : index
    %get3A_29 = arith.constant 0 : index
    %get3A_30 = vector.load %arg1[%get3A_28, %get3A_29] : memref<2000x32xf32, #tpu.memory_space<vmem>>, vector<2000x32xf32>
    %get3A_31 = arith.constant 0 : index
    %get3A_32 = arith.constant 0 : index
    %get3A_33 = vector.load %arg6[%get3A_31, %get3A_32] : memref<32x32xf32, #tpu.memory_space<vmem>>, vector<32x32xf32>
    %dot_general3A = arith.constant dense<0.000000e+00> : vector<2000x32xf32>
    %dot_general3A_34 = tpu.matmul %get3A_30, %get3A_33, %dot_general3A {dimension_numbers = #tpu.dot_dimension_numbers<[1], [0], [0], [1], [0, 0, 1, 1], [], []>, transpose_lhs_hint = false} : vector<2000x32xf32>, vector<32x32xf32>, vector<2000x32xf32> -> vector<2000x32xf32>
    %get3A_35 = arith.constant 0 : index
    %get3A_36 = arith.constant 0 : index
    %get3A_37 = vector.load %arg7[%get3A_35, %get3A_36] : memref<1x32xf32, #tpu.memory_space<vmem>>, vector<1x32xf32>
    %dot_general3A_38 = arith.constant dense<0.000000e+00> : vector<2000x32xf32>
    %dot_general3A_39 = tpu.matmul %sqrt3A, %get3A_37, %dot_general3A_38 {dimension_numbers = #tpu.dot_dimension_numbers<[1], [0], [0], [1], [0, 0, 1, 1], [], []>, transpose_lhs_hint = false} : vector<2000x1xf32>, vector<1x32xf32>, vector<2000x32xf32> -> vector<2000x32xf32>
    %add3A_40 = arith.addf %dot_general3A_34, %dot_general3A_39 : vector<2000x32xf32>
    %get3A_41 = arith.constant 0 : index
    %get3A_42 = arith.constant 0 : index
    %get3A_43 = vector.load %arg8[%get3A_41, %get3A_42] : memref<1x32xf32, #tpu.memory_space<vmem>>, vector<1x32xf32>
    %add3A_44 = vector.broadcast %get3A_43 : vector<1x32xf32> to vector<2000x32xf32>
    %add3A_45 = arith.addf %add3A_40, %add3A_44 : vector<2000x32xf32>
    %get3A_46 = arith.constant 0 : index
    %get3A_47 = arith.constant 0 : index
    %get3A_48 = vector.load %arg9[%get3A_46, %get3A_47] : memref<1x1xf32, #tpu.memory_space<vmem>>, vector<1x1xf32>
    %mul3A_49 = vector.broadcast %get3A_48 : vector<1x1xf32> to vector<2000x1xf32>
    %mul3A_50 = arith.mulf %mul3A_5, %mul3A_49 : vector<2000x1xf32>
    %get3A_51 = arith.constant 0 : index
    %get3A_52 = arith.constant 0 : index
    %get3A_53 = vector.load %arg9[%get3A_51, %get3A_52] : memref<1x1xf32, #tpu.memory_space<vmem>>, vector<1x1xf32>
    %mul3A_54 = vector.broadcast %get3A_53 : vector<1x1xf32> to vector<2000x1xf32>
    %mul3A_55 = arith.mulf %mul3A_13, %mul3A_54 : vector<2000x1xf32>
    %get3A_56 = arith.constant 0 : index
    %get3A_57 = arith.constant 0 : index
    %get3A_58 = vector.load %arg9[%get3A_56, %get3A_57] : memref<1x1xf32, #tpu.memory_space<vmem>>, vector<1x1xf32>
    %mul3A_59 = vector.broadcast %get3A_58 : vector<1x1xf32> to vector<2000x1xf32>
    %mul3A_60 = arith.mulf %mul3A_21, %mul3A_59 : vector<2000x1xf32>
    %get3A_61 = arith.constant 0 : index
    %get3A_62 = arith.constant 0 : index
    %get3A_63 = vector.load %arg10[%get3A_61, %get3A_62] : memref<1x32xf32, #tpu.memory_space<vmem>>, vector<1x32xf32>
    %get3A_64 = arith.constant 0 : index
    %get3A_65 = arith.constant 0 : index
    %get3A_66 = vector.load %arg11[%get3A_64, %get3A_65] : memref<1x32xf32, #tpu.memory_space<vmem>>, vector<1x32xf32>
    %reduce_sum3A = arith.constant dense<0.000000e+00> : vector<2000xf32>
    %reduce_sum3A_67 = vector.multi_reduction <add>, %add3A_45, %reduce_sum3A [1] : vector<2000x32xf32> to vector<2000xf32>
    %broadcast_in_dim3A = vector.shape_cast %reduce_sum3A_67 : vector<2000xf32> to vector<2000x1xf32>
    %div3A = arith.constant 3.200000e+01 : f32
    %div3A_68 = vector.broadcast %div3A : f32 to vector<2000x1xf32>
    %div3A_69 = arith.divf %broadcast_in_dim3A, %div3A_68 : vector<2000x1xf32>
    %sub3A = vector.broadcast %div3A_69 : vector<2000x1xf32> to vector<2000x32xf32>
    %sub3A_70 = arith.subf %add3A_45, %sub3A : vector<2000x32xf32>
    %square3A = arith.mulf %sub3A_70, %sub3A_70 : vector<2000x32xf32>
    %reduce_sum3A_71 = arith.constant dense<0.000000e+00> : vector<2000xf32>
    %reduce_sum3A_72 = vector.multi_reduction <add>, %square3A, %reduce_sum3A_71 [1] : vector<2000x32xf32> to vector<2000xf32>
    %broadcast_in_dim3A_73 = vector.shape_cast %reduce_sum3A_72 : vector<2000xf32> to vector<2000x1xf32>
    %div3A_74 = arith.constant 3.200000e+01 : f32
    %div3A_75 = vector.broadcast %div3A_74 : f32 to vector<2000x1xf32>
    %div3A_76 = arith.divf %broadcast_in_dim3A_73, %div3A_75 : vector<2000x1xf32>
    %sub3A_77 = vector.broadcast %div3A_69 : vector<2000x1xf32> to vector<2000x32xf32>
    %sub3A_78 = arith.subf %add3A_45, %sub3A_77 : vector<2000x32xf32>
    %add3A_79 = arith.constant 9.99999974E-6 : f32
    %add3A_80 = vector.broadcast %add3A_79 : f32 to vector<2000x1xf32>
    %add3A_81 = arith.addf %div3A_76, %add3A_80 : vector<2000x1xf32>
    %rsqrt3A = math.rsqrt %add3A_81 : vector<2000x1xf32>
    %mul3A_82 = vector.broadcast %rsqrt3A : vector<2000x1xf32> to vector<2000x32xf32>
    %mul3A_83 = arith.mulf %sub3A_78, %mul3A_82 : vector<2000x32xf32>
    %mul3A_84 = vector.broadcast %get3A_63 : vector<1x32xf32> to vector<2000x32xf32>
    %mul3A_85 = arith.mulf %mul3A_83, %mul3A_84 : vector<2000x32xf32>
    %add3A_86 = vector.broadcast %get3A_66 : vector<1x32xf32> to vector<2000x32xf32>
    %add3A_87 = arith.addf %mul3A_85, %add3A_86 : vector<2000x32xf32>
    %mul3A_88 = arith.mulf %mul3A_50, %mul3A_50 : vector<2000x1xf32>
    %mul3A_89 = arith.mulf %mul3A_55, %mul3A_55 : vector<2000x1xf32>
    %add3A_90 = arith.addf %mul3A_88, %mul3A_89 : vector<2000x1xf32>
    %mul3A_91 = arith.mulf %mul3A_60, %mul3A_60 : vector<2000x1xf32>
    %add3A_92 = arith.addf %add3A_90, %mul3A_91 : vector<2000x1xf32>
    %max3A_93 = arith.constant 9.99999993E-9 : f32
    %max3A_94 = vector.broadcast %max3A_93 : f32 to vector<2000x1xf32>
    %max3A_95 = arith.maximumf %add3A_92, %max3A_94 : vector<2000x1xf32>
    %rsqrt3A_96 = math.rsqrt %max3A_95 : vector<2000x1xf32>
    %mul3A_97 = arith.mulf %mul3A_50, %rsqrt3A_96 : vector<2000x1xf32>
    %mul3A_98 = arith.mulf %mul3A_55, %rsqrt3A_96 : vector<2000x1xf32>
    %mul3A_99 = arith.mulf %mul3A_60, %rsqrt3A_96 : vector<2000x1xf32>
    %broadcast_in_dim3A_100 = arith.constant 0.000000e+00 : f32
    %broadcast_in_dim3A_101 = vector.broadcast %broadcast_in_dim3A_100 : f32 to vector<2000x13xf32>
    %concatenate3A = tpu.concatenate %add3A_87, %mul3A_97, %mul3A_98, %mul3A_99, %broadcast_in_dim3A_101 in 1 : vector<2000x32xf32>, vector<2000x1xf32>, vector<2000x1xf32>, vector<2000x1xf32>, vector<2000x13xf32> -> vector<2000x48xf32>
    %swap3A = arith.constant 0 : index
    %swap3A_102 = arith.constant 0 : index
    %swap3A_103 = vector.load %arg12[%swap3A, %swap3A_102] : memref<2000x48xf32, #tpu.memory_space<vmem>>, vector<2000x48xf32>
    tpu.vector_store %arg12[%swap3A, %swap3A_102], %concatenate3A {strides = array<i32>} : memref<2000x48xf32, #tpu.memory_space<vmem>>, vector<2000x48xf32>,
    return
  }
  func.func @transform_0(%arg0: i32) -> (i32, i32) {
    %c0_i32 = arith.constant 0 : i32
    %c0_i32_0 = arith.constant 0 : i32
    return %arg0, %c0_i32 : i32, i32
  }
  func.func @transform_1(%arg0: i32) -> (i32, i32) {
    %c0_i32 = arith.constant 0 : i32
    %c0_i32_0 = arith.constant 0 : i32
    return %arg0, %c0_i32 : i32, i32
  }
  func.func @transform_2(%arg0: i32) -> (i32, i32) {
    %c0_i32 = arith.constant 0 : i32
    %c0_i32_0 = arith.constant 0 : i32
    return %arg0, %c0_i32 : i32, i32
  }
  func.func @transform_3(%arg0: i32) -> (i32, i32) {
    %c0_i32 = arith.constant 0 : i32
    %c0_i32_0 = arith.constant 0 : i32
    return %arg0, %c0_i32 : i32, i32
  }
  func.func @transform_4(%arg0: i32) -> (i32, i32) {
    %c0_i32 = arith.constant 0 : i32
    %c0_i32_0 = arith.constant 0 : i32
    %c0_i32_1 = arith.constant 0 : i32
    return %c0_i32, %c0_i32_0 : i32, i32
  }
  func.func @transform_5(%arg0: i32) -> (i32, i32) {
    %c0_i32 = arith.constant 0 : i32
    %c0_i32_0 = arith.constant 0 : i32
    %c0_i32_1 = arith.constant 0 : i32
    return %c0_i32, %c0_i32_0 : i32, i32
  }
  func.func @transform_6(%arg0: i32) -> (i32, i32) {
    %c0_i32 = arith.constant 0 : i32
    %c0_i32_0 = arith.constant 0 : i32
    %c0_i32_1 = arith.constant 0 : i32
    return %c0_i32, %c0_i32_0 : i32, i32
  }
  func.func @transform_7(%arg0: i32) -> (i32, i32) {
    %c0_i32 = arith.constant 0 : i32
    %c0_i32_0 = arith.constant 0 : i32
    %c0_i32_1 = arith.constant 0 : i32
    return %c0_i32, %c0_i32_0 : i32, i32
  }
  func.func @transform_8(%arg0: i32) -> (i32, i32) {
    %c0_i32 = arith.constant 0 : i32
    %c0_i32_0 = arith.constant 0 : i32
    %c0_i32_1 = arith.constant 0 : i32
    return %c0_i32, %c0_i32_0 : i32, i32
  }
  func.func @transform_9(%arg0: i32) -> (i32, i32) {
    %c0_i32 = arith.constant 0 : i32
    %c0_i32_0 = arith.constant 0 : i32
    %c0_i32_1 = arith.constant 0 : i32
    return %c0_i32, %c0_i32_0 : i32, i32
  }
  func.func @transform_10(%arg0: i32) -> (i32, i32) {
    %c0_i32 = arith.constant 0 : i32
    %c0_i32_0 = arith.constant 0 : i32
    %c0_i32_1 = arith.constant 0 : i32
    return %c0_i32, %c0_i32_0 : i32, i32
  }
  func.func @transform_11(%arg0: i32) -> (i32, i32) {
    %c0_i32 = arith.constant 0 : i32
    %c0_i32_0 = arith.constant 0 : i32
    return %arg0, %c0_i32 : i32, i32
  }
}

module attributes {stable_mosaic.version = 14 : i64} {
  func.func @_msg_body(%arg0: i32, %arg1: memref<512x160xf32, #tpu.memory_space<vmem>>, %arg2: memref<512x160xf32, #tpu.memory_space<vmem>>, %arg3: memref<512x48xf32, #tpu.memory_space<vmem>>, %arg4: memref<16x33xf32, #tpu.memory_space<vmem>>, %arg5: memref<1x33xf32, #tpu.memory_space<vmem>>, %arg6: memref<16x33xf32, #tpu.memory_space<vmem>>, %arg7: memref<100x100xf32, #tpu.memory_space<vmem>>, %arg8: memref<32x100xf32, #tpu.memory_space<vmem>>, %arg9: memref<100x100xf32, #tpu.memory_space<vmem>>, %arg10: memref<33x100xf32, #tpu.memory_space<vmem>>, %arg11: memref<1x100xf32, #tpu.memory_space<vmem>>, %arg12: memref<33x16xf32, #tpu.memory_space<vmem>>, %arg13: memref<16x16xf32, #tpu.memory_space<vmem>>, %arg14: memref<100x100xf32, #tpu.memory_space<vmem>>, %arg15: memref<16x100xf32, #tpu.memory_space<vmem>>, %arg16: memref<1x100xf32, #tpu.memory_space<vmem>>, %arg17: memref<16x16xf32, #tpu.memory_space<vmem>>, %arg18: memref<16x16xf32, #tpu.memory_space<vmem>>, %arg19: memref<100x100xf32, #tpu.memory_space<vmem>>, %arg20: memref<16x100xf32, #tpu.memory_space<vmem>>, %arg21: memref<1x100xf32, #tpu.memory_space<vmem>>, %arg22: memref<16x16xf32, #tpu.memory_space<vmem>>, %arg23: memref<512x160xf32, #tpu.memory_space<vmem>>) attributes {dimension_semantics = [#tpu.dimension_semantics<arbitrary>], iteration_bounds = array<i64: 625>, scalar_prefetch = 0 : i64, scratch_operands = 0 : i64, tpu.core_type = #tpu.core_type<tc>, window_params = [{transform_indices = @transform_0, window_bounds = array<i64: 512, 160>}, {transform_indices = @transform_1, window_bounds = array<i64: 512, 160>}, {transform_indices = @transform_2, window_bounds = array<i64: 512, 48>}, {pipeline_mode = #tpu.pipeline_mode<synchronous>, transform_indices = @transform_3, window_bounds = array<i64: 16, 33>}, {pipeline_mode = #tpu.pipeline_mode<synchronous>, transform_indices = @transform_4, window_bounds = array<i64: 1, 33>}, {pipeline_mode = #tpu.pipeline_mode<synchronous>, transform_indices = @transform_5, window_bounds = array<i64: 16, 33>}, {pipeline_mode = #tpu.pipeline_mode<synchronous>, transform_indices = @transform_6, window_bounds = array<i64: 100, 100>}, {pipeline_mode = #tpu.pipeline_mode<synchronous>, transform_indices = @transform_7, window_bounds = array<i64: 32, 100>}, {pipeline_mode = #tpu.pipeline_mode<synchronous>, transform_indices = @transform_8, window_bounds = array<i64: 100, 100>}, {pipeline_mode = #tpu.pipeline_mode<synchronous>, transform_indices = @transform_9, window_bounds = array<i64: 33, 100>}, {pipeline_mode = #tpu.pipeline_mode<synchronous>, transform_indices = @transform_10, window_bounds = array<i64: 1, 100>}, {pipeline_mode = #tpu.pipeline_mode<synchronous>, transform_indices = @transform_11, window_bounds = array<i64: 33, 16>}, {pipeline_mode = #tpu.pipeline_mode<synchronous>, transform_indices = @transform_12, window_bounds = array<i64: 16, 16>}, {pipeline_mode = #tpu.pipeline_mode<synchronous>, transform_indices = @transform_13, window_bounds = array<i64: 100, 100>}, {pipeline_mode = #tpu.pipeline_mode<synchronous>, transform_indices = @transform_14, window_bounds = array<i64: 16, 100>}, {pipeline_mode = #tpu.pipeline_mode<synchronous>, transform_indices = @transform_15, window_bounds = array<i64: 1, 100>}, {pipeline_mode = #tpu.pipeline_mode<synchronous>, transform_indices = @transform_16, window_bounds = array<i64: 16, 16>}, {pipeline_mode = #tpu.pipeline_mode<synchronous>, transform_indices = @transform_17, window_bounds = array<i64: 16, 16>}, {pipeline_mode = #tpu.pipeline_mode<synchronous>, transform_indices = @transform_18, window_bounds = array<i64: 100, 100>}, {pipeline_mode = #tpu.pipeline_mode<synchronous>, transform_indices = @transform_19, window_bounds = array<i64: 16, 100>}, {pipeline_mode = #tpu.pipeline_mode<synchronous>, transform_indices = @transform_20, window_bounds = array<i64: 1, 100>}, {pipeline_mode = #tpu.pipeline_mode<synchronous>, transform_indices = @transform_21, window_bounds = array<i64: 16, 16>}, {transform_indices = @transform_22, window_bounds = array<i64: 512, 160>}]} {
    %get3A = arith.constant 0 : index
    %get3A_0 = arith.constant 0 : index
    %get3A_1 = vector.load %arg1[%get3A, %get3A_0] : memref<512x160xf32, #tpu.memory_space<vmem>>, vector<512x100xf32>
    %get3A_2 = arith.constant 0 : index
    %get3A_3 = arith.constant 100 : index
    %get3A_4 = vector.load %arg1[%get3A_2, %get3A_3] : memref<512x160xf32, #tpu.memory_space<vmem>>, vector<512x16xf32>
    %get3A_5 = arith.constant 0 : index
    %get3A_6 = arith.constant 116 : index
    %get3A_7 = vector.load %arg1[%get3A_5, %get3A_6] : memref<512x160xf32, #tpu.memory_space<vmem>>, vector<512x16xf32>
    %get3A_8 = arith.constant 0 : index
    %get3A_9 = arith.constant 132 : index
    %get3A_10 = vector.load %arg1[%get3A_8, %get3A_9] : memref<512x160xf32, #tpu.memory_space<vmem>>, vector<512x16xf32>
    %get3A_11 = arith.constant 0 : index
    %get3A_12 = arith.constant 0 : index
    %get3A_13 = vector.load %arg2[%get3A_11, %get3A_12] : memref<512x160xf32, #tpu.memory_space<vmem>>, vector<512x100xf32>
    %get3A_14 = arith.constant 0 : index
    %get3A_15 = arith.constant 100 : index
    %get3A_16 = vector.load %arg2[%get3A_14, %get3A_15] : memref<512x160xf32, #tpu.memory_space<vmem>>, vector<512x16xf32>
    %get3A_17 = arith.constant 0 : index
    %get3A_18 = arith.constant 116 : index
    %get3A_19 = vector.load %arg2[%get3A_17, %get3A_18] : memref<512x160xf32, #tpu.memory_space<vmem>>, vector<512x16xf32>
    %get3A_20 = arith.constant 0 : index
    %get3A_21 = arith.constant 132 : index
    %get3A_22 = vector.load %arg2[%get3A_20, %get3A_21] : memref<512x160xf32, #tpu.memory_space<vmem>>, vector<512x16xf32>
    %get3A_23 = arith.constant 0 : index
    %get3A_24 = arith.constant 0 : index
    %get3A_25 = vector.load %arg3[%get3A_23, %get3A_24] : memref<512x48xf32, #tpu.memory_space<vmem>>, vector<512x32xf32>
    %get3A_26 = arith.constant 0 : index
    %get3A_27 = arith.constant 32 : index
    %get3A_28 = vector.load %arg3[%get3A_26, %get3A_27] : memref<512x48xf32, #tpu.memory_space<vmem>>, vector<512x1xf32>
    %get3A_29 = arith.constant 0 : index
    %get3A_30 = arith.constant 33 : index
    %get3A_31 = vector.load %arg3[%get3A_29, %get3A_30] : memref<512x48xf32, #tpu.memory_space<vmem>>, vector<512x1xf32>
    %get3A_32 = arith.constant 0 : index
    %get3A_33 = arith.constant 34 : index
    %get3A_34 = vector.load %arg3[%get3A_32, %get3A_33] : memref<512x48xf32, #tpu.memory_space<vmem>>, vector<512x1xf32>
    %get3A_35 = arith.constant 0 : index
    %get3A_36 = arith.constant 0 : index
    %get3A_37 = vector.load %arg4[%get3A_35, %get3A_36] : memref<16x33xf32, #tpu.memory_space<vmem>>, vector<16x33xf32>
    %dot_general3A = arith.constant dense<0.000000e+00> : vector<512x33xf32>
    %dot_general3A_38 = tpu.matmul %get3A_4, %get3A_37, %dot_general3A {dimension_numbers = #tpu.dot_dimension_numbers<[1], [0], [0], [1], [0, 0, 1, 1], [], []>, transpose_lhs_hint = false} : vector<512x16xf32>, vector<16x33xf32>, vector<512x33xf32> -> vector<512x33xf32>
    %get3A_39 = arith.constant 0 : index
    %get3A_40 = arith.constant 0 : index
    %get3A_41 = vector.load %arg5[%get3A_39, %get3A_40] : memref<1x33xf32, #tpu.memory_space<vmem>>, vector<1x33xf32>
    %mul3A = vector.broadcast %get3A_28 : vector<512x1xf32> to vector<512x33xf32>
    %mul3A_42 = vector.broadcast %get3A_41 : vector<1x33xf32> to vector<512x33xf32>
    %mul3A_43 = arith.mulf %mul3A, %mul3A_42 : vector<512x33xf32>
    %add3A = arith.addf %dot_general3A_38, %mul3A_43 : vector<512x33xf32>
    %get3A_44 = arith.constant 0 : index
    %get3A_45 = arith.constant 0 : index
    %get3A_46 = vector.load %arg6[%get3A_44, %get3A_45] : memref<16x33xf32, #tpu.memory_space<vmem>>, vector<16x33xf32>
    %dot_general3A_47 = arith.constant dense<0.000000e+00> : vector<512x33xf32>
    %dot_general3A_48 = tpu.matmul %get3A_16, %get3A_46, %dot_general3A_47 {dimension_numbers = #tpu.dot_dimension_numbers<[1], [0], [0], [1], [0, 0, 1, 1], [], []>, transpose_lhs_hint = false} : vector<512x16xf32>, vector<16x33xf32>, vector<512x33xf32> -> vector<512x33xf32>
    %add3A_49 = arith.addf %add3A, %dot_general3A_48 : vector<512x33xf32>
    %get3A_50 = arith.constant 0 : index
    %get3A_51 = arith.constant 0 : index
    %get3A_52 = vector.load %arg4[%get3A_50, %get3A_51] : memref<16x33xf32, #tpu.memory_space<vmem>>, vector<16x33xf32>
    %dot_general3A_53 = arith.constant dense<0.000000e+00> : vector<512x33xf32>
    %dot_general3A_54 = tpu.matmul %get3A_7, %get3A_52, %dot_general3A_53 {dimension_numbers = #tpu.dot_dimension_numbers<[1], [0], [0], [1], [0, 0, 1, 1], [], []>, transpose_lhs_hint = false} : vector<512x16xf32>, vector<16x33xf32>, vector<512x33xf32> -> vector<512x33xf32>
    %get3A_55 = arith.constant 0 : index
    %get3A_56 = arith.constant 0 : index
    %get3A_57 = vector.load %arg5[%get3A_55, %get3A_56] : memref<1x33xf32, #tpu.memory_space<vmem>>, vector<1x33xf32>
    %mul3A_58 = vector.broadcast %get3A_31 : vector<512x1xf32> to vector<512x33xf32>
    %mul3A_59 = vector.broadcast %get3A_57 : vector<1x33xf32> to vector<512x33xf32>
    %mul3A_60 = arith.mulf %mul3A_58, %mul3A_59 : vector<512x33xf32>
    %add3A_61 = arith.addf %dot_general3A_54, %mul3A_60 : vector<512x33xf32>
    %get3A_62 = arith.constant 0 : index
    %get3A_63 = arith.constant 0 : index
    %get3A_64 = vector.load %arg6[%get3A_62, %get3A_63] : memref<16x33xf32, #tpu.memory_space<vmem>>, vector<16x33xf32>
    %dot_general3A_65 = arith.constant dense<0.000000e+00> : vector<512x33xf32>
    %dot_general3A_66 = tpu.matmul %get3A_19, %get3A_64, %dot_general3A_65 {dimension_numbers = #tpu.dot_dimension_numbers<[1], [0], [0], [1], [0, 0, 1, 1], [], []>, transpose_lhs_hint = false} : vector<512x16xf32>, vector<16x33xf32>, vector<512x33xf32> -> vector<512x33xf32>
    %add3A_67 = arith.addf %add3A_61, %dot_general3A_66 : vector<512x33xf32>
    %get3A_68 = arith.constant 0 : index
    %get3A_69 = arith.constant 0 : index
    %get3A_70 = vector.load %arg4[%get3A_68, %get3A_69] : memref<16x33xf32, #tpu.memory_space<vmem>>, vector<16x33xf32>
    %dot_general3A_71 = arith.constant dense<0.000000e+00> : vector<512x33xf32>
    %dot_general3A_72 = tpu.matmul %get3A_10, %get3A_70, %dot_general3A_71 {dimension_numbers = #tpu.dot_dimension_numbers<[1], [0], [0], [1], [0, 0, 1, 1], [], []>, transpose_lhs_hint = false} : vector<512x16xf32>, vector<16x33xf32>, vector<512x33xf32> -> vector<512x33xf32>
    %get3A_73 = arith.constant 0 : index
    %get3A_74 = arith.constant 0 : index
    %get3A_75 = vector.load %arg5[%get3A_73, %get3A_74] : memref<1x33xf32, #tpu.memory_space<vmem>>, vector<1x33xf32>
    %mul3A_76 = vector.broadcast %get3A_34 : vector<512x1xf32> to vector<512x33xf32>
    %mul3A_77 = vector.broadcast %get3A_75 : vector<1x33xf32> to vector<512x33xf32>
    %mul3A_78 = arith.mulf %mul3A_76, %mul3A_77 : vector<512x33xf32>
    %add3A_79 = arith.addf %dot_general3A_72, %mul3A_78 : vector<512x33xf32>
    %get3A_80 = arith.constant 0 : index
    %get3A_81 = arith.constant 0 : index
    %get3A_82 = vector.load %arg6[%get3A_80, %get3A_81] : memref<16x33xf32, #tpu.memory_space<vmem>>, vector<16x33xf32>
    %dot_general3A_83 = arith.constant dense<0.000000e+00> : vector<512x33xf32>
    %dot_general3A_84 = tpu.matmul %get3A_22, %get3A_82, %dot_general3A_83 {dimension_numbers = #tpu.dot_dimension_numbers<[1], [0], [0], [1], [0, 0, 1, 1], [], []>, transpose_lhs_hint = false} : vector<512x16xf32>, vector<16x33xf32>, vector<512x33xf32> -> vector<512x33xf32>
    %add3A_85 = arith.addf %add3A_79, %dot_general3A_84 : vector<512x33xf32>
    %mul3A_86 = arith.mulf %add3A_49, %add3A_49 : vector<512x33xf32>
    %mul3A_87 = arith.mulf %add3A_67, %add3A_67 : vector<512x33xf32>
    %add3A_88 = arith.addf %mul3A_86, %mul3A_87 : vector<512x33xf32>
    %mul3A_89 = arith.mulf %add3A_85, %add3A_85 : vector<512x33xf32>
    %add3A_90 = arith.addf %add3A_88, %mul3A_89 : vector<512x33xf32>
    %max3A = arith.constant 9.99999993E-9 : f32
    %max3A_91 = vector.broadcast %max3A : f32 to vector<512x33xf32>
    %max3A_92 = arith.maximumf %add3A_90, %max3A_91 : vector<512x33xf32>
    %sqrt3A = math.sqrt %max3A_92 : vector<512x33xf32>
    %get3A_93 = arith.constant 0 : index
    %get3A_94 = arith.constant 0 : index
    %get3A_95 = vector.load %arg7[%get3A_93, %get3A_94] : memref<100x100xf32, #tpu.memory_space<vmem>>, vector<100x100xf32>
    %dot_general3A_96 = arith.constant dense<0.000000e+00> : vector<512x100xf32>
    %dot_general3A_97 = tpu.matmul %get3A_1, %get3A_95, %dot_general3A_96 {dimension_numbers = #tpu.dot_dimension_numbers<[1], [0], [0], [1], [0, 0, 1, 1], [], []>, transpose_lhs_hint = false} : vector<512x100xf32>, vector<100x100xf32>, vector<512x100xf32> -> vector<512x100xf32>
    %get3A_98 = arith.constant 0 : index
    %get3A_99 = arith.constant 0 : index
    %get3A_100 = vector.load %arg8[%get3A_98, %get3A_99] : memref<32x100xf32, #tpu.memory_space<vmem>>, vector<32x100xf32>
    %dot_general3A_101 = arith.constant dense<0.000000e+00> : vector<512x100xf32>
    %dot_general3A_102 = tpu.matmul %get3A_25, %get3A_100, %dot_general3A_101 {dimension_numbers = #tpu.dot_dimension_numbers<[1], [0], [0], [1], [0, 0, 1, 1], [], []>, transpose_lhs_hint = false} : vector<512x32xf32>, vector<32x100xf32>, vector<512x100xf32> -> vector<512x100xf32>
    %add3A_103 = arith.addf %dot_general3A_97, %dot_general3A_102 : vector<512x100xf32>
    %get3A_104 = arith.constant 0 : index
    %get3A_105 = arith.constant 0 : index
    %get3A_106 = vector.load %arg9[%get3A_104, %get3A_105] : memref<100x100xf32, #tpu.memory_space<vmem>>, vector<100x100xf32>
    %dot_general3A_107 = arith.constant dense<0.000000e+00> : vector<512x100xf32>
    %dot_general3A_108 = tpu.matmul %get3A_13, %get3A_106, %dot_general3A_107 {dimension_numbers = #tpu.dot_dimension_numbers<[1], [0], [0], [1], [0, 0, 1, 1], [], []>, transpose_lhs_hint = false} : vector<512x100xf32>, vector<100x100xf32>, vector<512x100xf32> -> vector<512x100xf32>
    %add3A_109 = arith.addf %add3A_103, %dot_general3A_108 : vector<512x100xf32>
    %get3A_110 = arith.constant 0 : index
    %get3A_111 = arith.constant 0 : index
    %get3A_112 = vector.load %arg10[%get3A_110, %get3A_111] : memref<33x100xf32, #tpu.memory_space<vmem>>, vector<33x100xf32>
    %dot_general3A_113 = arith.constant dense<0.000000e+00> : vector<512x100xf32>
    %dot_general3A_114 = tpu.matmul %sqrt3A, %get3A_112, %dot_general3A_113 {dimension_numbers = #tpu.dot_dimension_numbers<[1], [0], [0], [1], [0, 0, 1, 1], [], []>, transpose_lhs_hint = false} : vector<512x33xf32>, vector<33x100xf32>, vector<512x100xf32> -> vector<512x100xf32>
    %add3A_115 = arith.addf %add3A_109, %dot_general3A_114 : vector<512x100xf32>
    %get3A_116 = arith.constant 0 : index
    %get3A_117 = arith.constant 0 : index
    %get3A_118 = vector.load %arg11[%get3A_116, %get3A_117] : memref<1x100xf32, #tpu.memory_space<vmem>>, vector<1x100xf32>
    %add3A_119 = vector.broadcast %get3A_118 : vector<1x100xf32> to vector<512x100xf32>
    %add3A_120 = arith.addf %add3A_115, %add3A_119 : vector<512x100xf32>
    %max3A_121 = arith.constant 0.000000e+00 : f32
    %max3A_122 = vector.broadcast %max3A_121 : f32 to vector<512x100xf32>
    %max3A_123 = arith.maximumf %add3A_120, %max3A_122 : vector<512x100xf32>
    %get3A_124 = arith.constant 0 : index
    %get3A_125 = arith.constant 0 : index
    %get3A_126 = vector.load %arg12[%get3A_124, %get3A_125] : memref<33x16xf32, #tpu.memory_space<vmem>>, vector<33x16xf32>
    %dot_general3A_127 = arith.constant dense<0.000000e+00> : vector<512x16xf32>
    %dot_general3A_128 = tpu.matmul %add3A_49, %get3A_126, %dot_general3A_127 {dimension_numbers = #tpu.dot_dimension_numbers<[1], [0], [0], [1], [0, 0, 1, 1], [], []>, transpose_lhs_hint = false} : vector<512x33xf32>, vector<33x16xf32>, vector<512x16xf32> -> vector<512x16xf32>
    %get3A_129 = arith.constant 0 : index
    %get3A_130 = arith.constant 0 : index
    %get3A_131 = vector.load %arg12[%get3A_129, %get3A_130] : memref<33x16xf32, #tpu.memory_space<vmem>>, vector<33x16xf32>
    %dot_general3A_132 = arith.constant dense<0.000000e+00> : vector<512x16xf32>
    %dot_general3A_133 = tpu.matmul %add3A_67, %get3A_131, %dot_general3A_132 {dimension_numbers = #tpu.dot_dimension_numbers<[1], [0], [0], [1], [0, 0, 1, 1], [], []>, transpose_lhs_hint = false} : vector<512x33xf32>, vector<33x16xf32>, vector<512x16xf32> -> vector<512x16xf32>
    %get3A_134 = arith.constant 0 : index
    %get3A_135 = arith.constant 0 : index
    %get3A_136 = vector.load %arg12[%get3A_134, %get3A_135] : memref<33x16xf32, #tpu.memory_space<vmem>>, vector<33x16xf32>
    %dot_general3A_137 = arith.constant dense<0.000000e+00> : vector<512x16xf32>
    %dot_general3A_138 = tpu.matmul %add3A_85, %get3A_136, %dot_general3A_137 {dimension_numbers = #tpu.dot_dimension_numbers<[1], [0], [0], [1], [0, 0, 1, 1], [], []>, transpose_lhs_hint = false} : vector<512x33xf32>, vector<33x16xf32>, vector<512x16xf32> -> vector<512x16xf32>
    %mul3A_139 = arith.mulf %dot_general3A_128, %dot_general3A_128 : vector<512x16xf32>
    %mul3A_140 = arith.mulf %dot_general3A_133, %dot_general3A_133 : vector<512x16xf32>
    %add3A_141 = arith.addf %mul3A_139, %mul3A_140 : vector<512x16xf32>
    %mul3A_142 = arith.mulf %dot_general3A_138, %dot_general3A_138 : vector<512x16xf32>
    %add3A_143 = arith.addf %add3A_141, %mul3A_142 : vector<512x16xf32>
    %max3A_144 = arith.constant 9.99999993E-9 : f32
    %max3A_145 = vector.broadcast %max3A_144 : f32 to vector<512x16xf32>
    %max3A_146 = arith.maximumf %add3A_143, %max3A_145 : vector<512x16xf32>
    %sqrt3A_147 = math.sqrt %max3A_146 : vector<512x16xf32>
    %logistic3A = arith.negf %sqrt3A_147 : vector<512x16xf32>
    %logistic3A_148 = math.exp %logistic3A : vector<512x16xf32>
    %logistic3A_149 = arith.constant 1.000000e+00 : f32
    %logistic3A_150 = vector.broadcast %logistic3A_149 : f32 to vector<512x16xf32>
    %logistic3A_151 = arith.addf %logistic3A_150, %logistic3A_148 : vector<512x16xf32>
    %logistic3A_152 = arith.divf %logistic3A_150, %logistic3A_151 : vector<512x16xf32>
    %mul3A_153 = arith.mulf %dot_general3A_128, %logistic3A_152 : vector<512x16xf32>
    %mul3A_154 = arith.mulf %dot_general3A_133, %logistic3A_152 : vector<512x16xf32>
    %mul3A_155 = arith.mulf %dot_general3A_138, %logistic3A_152 : vector<512x16xf32>
    %get3A_156 = arith.constant 0 : index
    %get3A_157 = arith.constant 0 : index
    %get3A_158 = vector.load %arg13[%get3A_156, %get3A_157] : memref<16x16xf32, #tpu.memory_space<vmem>>, vector<16x16xf32>
    %dot_general3A_159 = arith.constant dense<0.000000e+00> : vector<512x16xf32>
    %dot_general3A_160 = tpu.matmul %mul3A_153, %get3A_158, %dot_general3A_159 {dimension_numbers = #tpu.dot_dimension_numbers<[1], [0], [0], [1], [0, 0, 1, 1], [], []>, transpose_lhs_hint = false} : vector<512x16xf32>, vector<16x16xf32>, vector<512x16xf32> -> vector<512x16xf32>
    %get3A_161 = arith.constant 0 : index
    %get3A_162 = arith.constant 0 : index
    %get3A_163 = vector.load %arg13[%get3A_161, %get3A_162] : memref<16x16xf32, #tpu.memory_space<vmem>>, vector<16x16xf32>
    %dot_general3A_164 = arith.constant dense<0.000000e+00> : vector<512x16xf32>
    %dot_general3A_165 = tpu.matmul %mul3A_154, %get3A_163, %dot_general3A_164 {dimension_numbers = #tpu.dot_dimension_numbers<[1], [0], [0], [1], [0, 0, 1, 1], [], []>, transpose_lhs_hint = false} : vector<512x16xf32>, vector<16x16xf32>, vector<512x16xf32> -> vector<512x16xf32>
    %get3A_166 = arith.constant 0 : index
    %get3A_167 = arith.constant 0 : index
    %get3A_168 = vector.load %arg13[%get3A_166, %get3A_167] : memref<16x16xf32, #tpu.memory_space<vmem>>, vector<16x16xf32>
    %dot_general3A_169 = arith.constant dense<0.000000e+00> : vector<512x16xf32>
    %dot_general3A_170 = tpu.matmul %mul3A_155, %get3A_168, %dot_general3A_169 {dimension_numbers = #tpu.dot_dimension_numbers<[1], [0], [0], [1], [0, 0, 1, 1], [], []>, transpose_lhs_hint = false} : vector<512x16xf32>, vector<16x16xf32>, vector<512x16xf32> -> vector<512x16xf32>
    %mul3A_171 = arith.mulf %dot_general3A_160, %dot_general3A_160 : vector<512x16xf32>
    %mul3A_172 = arith.mulf %dot_general3A_165, %dot_general3A_165 : vector<512x16xf32>
    %add3A_173 = arith.addf %mul3A_171, %mul3A_172 : vector<512x16xf32>
    %mul3A_174 = arith.mulf %dot_general3A_170, %dot_general3A_170 : vector<512x16xf32>
    %add3A_175 = arith.addf %add3A_173, %mul3A_174 : vector<512x16xf32>
    %max3A_176 = arith.constant 9.99999993E-9 : f32
    %max3A_177 = vector.broadcast %max3A_176 : f32 to vector<512x16xf32>
    %max3A_178 = arith.maximumf %add3A_175, %max3A_177 : vector<512x16xf32>
    %sqrt3A_179 = math.sqrt %max3A_178 : vector<512x16xf32>
    %get3A_180 = arith.constant 0 : index
    %get3A_181 = arith.constant 0 : index
    %get3A_182 = vector.load %arg14[%get3A_180, %get3A_181] : memref<100x100xf32, #tpu.memory_space<vmem>>, vector<100x100xf32>
    %dot_general3A_183 = arith.constant dense<0.000000e+00> : vector<512x100xf32>
    %dot_general3A_184 = tpu.matmul %max3A_123, %get3A_182, %dot_general3A_183 {dimension_numbers = #tpu.dot_dimension_numbers<[1], [0], [0], [1], [0, 0, 1, 1], [], []>, transpose_lhs_hint = false} : vector<512x100xf32>, vector<100x100xf32>, vector<512x100xf32> -> vector<512x100xf32>
    %get3A_185 = arith.constant 0 : index
    %get3A_186 = arith.constant 0 : index
    %get3A_187 = vector.load %arg15[%get3A_185, %get3A_186] : memref<16x100xf32, #tpu.memory_space<vmem>>, vector<16x100xf32>
    %dot_general3A_188 = arith.constant dense<0.000000e+00> : vector<512x100xf32>
    %dot_general3A_189 = tpu.matmul %sqrt3A_179, %get3A_187, %dot_general3A_188 {dimension_numbers = #tpu.dot_dimension_numbers<[1], [0], [0], [1], [0, 0, 1, 1], [], []>, transpose_lhs_hint = false} : vector<512x16xf32>, vector<16x100xf32>, vector<512x100xf32> -> vector<512x100xf32>
    %add3A_190 = arith.addf %dot_general3A_184, %dot_general3A_189 : vector<512x100xf32>
    %get3A_191 = arith.constant 0 : index
    %get3A_192 = arith.constant 0 : index
    %get3A_193 = vector.load %arg16[%get3A_191, %get3A_192] : memref<1x100xf32, #tpu.memory_space<vmem>>, vector<1x100xf32>
    %add3A_194 = vector.broadcast %get3A_193 : vector<1x100xf32> to vector<512x100xf32>
    %add3A_195 = arith.addf %add3A_190, %add3A_194 : vector<512x100xf32>
    %max3A_196 = arith.constant 0.000000e+00 : f32
    %max3A_197 = vector.broadcast %max3A_196 : f32 to vector<512x100xf32>
    %max3A_198 = arith.maximumf %add3A_195, %max3A_197 : vector<512x100xf32>
    %get3A_199 = arith.constant 0 : index
    %get3A_200 = arith.constant 0 : index
    %get3A_201 = vector.load %arg17[%get3A_199, %get3A_200] : memref<16x16xf32, #tpu.memory_space<vmem>>, vector<16x16xf32>
    %dot_general3A_202 = arith.constant dense<0.000000e+00> : vector<512x16xf32>
    %dot_general3A_203 = tpu.matmul %dot_general3A_160, %get3A_201, %dot_general3A_202 {dimension_numbers = #tpu.dot_dimension_numbers<[1], [0], [0], [1], [0, 0, 1, 1], [], []>, transpose_lhs_hint = false} : vector<512x16xf32>, vector<16x16xf32>, vector<512x16xf32> -> vector<512x16xf32>
    %get3A_204 = arith.constant 0 : index
    %get3A_205 = arith.constant 0 : index
    %get3A_206 = vector.load %arg17[%get3A_204, %get3A_205] : memref<16x16xf32, #tpu.memory_space<vmem>>, vector<16x16xf32>
    %dot_general3A_207 = arith.constant dense<0.000000e+00> : vector<512x16xf32>
    %dot_general3A_208 = tpu.matmul %dot_general3A_165, %get3A_206, %dot_general3A_207 {dimension_numbers = #tpu.dot_dimension_numbers<[1], [0], [0], [1], [0, 0, 1, 1], [], []>, transpose_lhs_hint = false} : vector<512x16xf32>, vector<16x16xf32>, vector<512x16xf32> -> vector<512x16xf32>
    %get3A_209 = arith.constant 0 : index
    %get3A_210 = arith.constant 0 : index
    %get3A_211 = vector.load %arg17[%get3A_209, %get3A_210] : memref<16x16xf32, #tpu.memory_space<vmem>>, vector<16x16xf32>
    %dot_general3A_212 = arith.constant dense<0.000000e+00> : vector<512x16xf32>
    %dot_general3A_213 = tpu.matmul %dot_general3A_170, %get3A_211, %dot_general3A_212 {dimension_numbers = #tpu.dot_dimension_numbers<[1], [0], [0], [1], [0, 0, 1, 1], [], []>, transpose_lhs_hint = false} : vector<512x16xf32>, vector<16x16xf32>, vector<512x16xf32> -> vector<512x16xf32>
    %mul3A_214 = arith.mulf %dot_general3A_203, %dot_general3A_203 : vector<512x16xf32>
    %mul3A_215 = arith.mulf %dot_general3A_208, %dot_general3A_208 : vector<512x16xf32>
    %add3A_216 = arith.addf %mul3A_214, %mul3A_215 : vector<512x16xf32>
    %mul3A_217 = arith.mulf %dot_general3A_213, %dot_general3A_213 : vector<512x16xf32>
    %add3A_218 = arith.addf %add3A_216, %mul3A_217 : vector<512x16xf32>
    %max3A_219 = arith.constant 9.99999993E-9 : f32
    %max3A_220 = vector.broadcast %max3A_219 : f32 to vector<512x16xf32>
    %max3A_221 = arith.maximumf %add3A_218, %max3A_220 : vector<512x16xf32>
    %sqrt3A_222 = math.sqrt %max3A_221 : vector<512x16xf32>
    %logistic3A_223 = arith.negf %sqrt3A_222 : vector<512x16xf32>
    %logistic3A_224 = math.exp %logistic3A_223 : vector<512x16xf32>
    %logistic3A_225 = arith.constant 1.000000e+00 : f32
    %logistic3A_226 = vector.broadcast %logistic3A_225 : f32 to vector<512x16xf32>
    %logistic3A_227 = arith.addf %logistic3A_226, %logistic3A_224 : vector<512x16xf32>
    %logistic3A_228 = arith.divf %logistic3A_226, %logistic3A_227 : vector<512x16xf32>
    %mul3A_229 = arith.mulf %dot_general3A_203, %logistic3A_228 : vector<512x16xf32>
    %mul3A_230 = arith.mulf %dot_general3A_208, %logistic3A_228 : vector<512x16xf32>
    %mul3A_231 = arith.mulf %dot_general3A_213, %logistic3A_228 : vector<512x16xf32>
    %get3A_232 = arith.constant 0 : index
    %get3A_233 = arith.constant 0 : index
    %get3A_234 = vector.load %arg18[%get3A_232, %get3A_233] : memref<16x16xf32, #tpu.memory_space<vmem>>, vector<16x16xf32>
    %dot_general3A_235 = arith.constant dense<0.000000e+00> : vector<512x16xf32>
    %dot_general3A_236 = tpu.matmul %mul3A_229, %get3A_234, %dot_general3A_235 {dimension_numbers = #tpu.dot_dimension_numbers<[1], [0], [0], [1], [0, 0, 1, 1], [], []>, transpose_lhs_hint = false} : vector<512x16xf32>, vector<16x16xf32>, vector<512x16xf32> -> vector<512x16xf32>
    %get3A_237 = arith.constant 0 : index
    %get3A_238 = arith.constant 0 : index
    %get3A_239 = vector.load %arg18[%get3A_237, %get3A_238] : memref<16x16xf32, #tpu.memory_space<vmem>>, vector<16x16xf32>
    %dot_general3A_240 = arith.constant dense<0.000000e+00> : vector<512x16xf32>
    %dot_general3A_241 = tpu.matmul %mul3A_230, %get3A_239, %dot_general3A_240 {dimension_numbers = #tpu.dot_dimension_numbers<[1], [0], [0], [1], [0, 0, 1, 1], [], []>, transpose_lhs_hint = false} : vector<512x16xf32>, vector<16x16xf32>, vector<512x16xf32> -> vector<512x16xf32>
    %get3A_242 = arith.constant 0 : index
    %get3A_243 = arith.constant 0 : index
    %get3A_244 = vector.load %arg18[%get3A_242, %get3A_243] : memref<16x16xf32, #tpu.memory_space<vmem>>, vector<16x16xf32>
    %dot_general3A_245 = arith.constant dense<0.000000e+00> : vector<512x16xf32>
    %dot_general3A_246 = tpu.matmul %mul3A_231, %get3A_244, %dot_general3A_245 {dimension_numbers = #tpu.dot_dimension_numbers<[1], [0], [0], [1], [0, 0, 1, 1], [], []>, transpose_lhs_hint = false} : vector<512x16xf32>, vector<16x16xf32>, vector<512x16xf32> -> vector<512x16xf32>
    %mul3A_247 = arith.mulf %dot_general3A_236, %dot_general3A_236 : vector<512x16xf32>
    %mul3A_248 = arith.mulf %dot_general3A_241, %dot_general3A_241 : vector<512x16xf32>
    %add3A_249 = arith.addf %mul3A_247, %mul3A_248 : vector<512x16xf32>
    %mul3A_250 = arith.mulf %dot_general3A_246, %dot_general3A_246 : vector<512x16xf32>
    %add3A_251 = arith.addf %add3A_249, %mul3A_250 : vector<512x16xf32>
    %max3A_252 = arith.constant 9.99999993E-9 : f32
    %max3A_253 = vector.broadcast %max3A_252 : f32 to vector<512x16xf32>
    %max3A_254 = arith.maximumf %add3A_251, %max3A_253 : vector<512x16xf32>
    %sqrt3A_255 = math.sqrt %max3A_254 : vector<512x16xf32>
    %get3A_256 = arith.constant 0 : index
    %get3A_257 = arith.constant 0 : index
    %get3A_258 = vector.load %arg19[%get3A_256, %get3A_257] : memref<100x100xf32, #tpu.memory_space<vmem>>, vector<100x100xf32>
    %dot_general3A_259 = arith.constant dense<0.000000e+00> : vector<512x100xf32>
    %dot_general3A_260 = tpu.matmul %max3A_198, %get3A_258, %dot_general3A_259 {dimension_numbers = #tpu.dot_dimension_numbers<[1], [0], [0], [1], [0, 0, 1, 1], [], []>, transpose_lhs_hint = false} : vector<512x100xf32>, vector<100x100xf32>, vector<512x100xf32> -> vector<512x100xf32>
    %get3A_261 = arith.constant 0 : index
    %get3A_262 = arith.constant 0 : index
    %get3A_263 = vector.load %arg20[%get3A_261, %get3A_262] : memref<16x100xf32, #tpu.memory_space<vmem>>, vector<16x100xf32>
    %dot_general3A_264 = arith.constant dense<0.000000e+00> : vector<512x100xf32>
    %dot_general3A_265 = tpu.matmul %sqrt3A_255, %get3A_263, %dot_general3A_264 {dimension_numbers = #tpu.dot_dimension_numbers<[1], [0], [0], [1], [0, 0, 1, 1], [], []>, transpose_lhs_hint = false} : vector<512x16xf32>, vector<16x100xf32>, vector<512x100xf32> -> vector<512x100xf32>
    %add3A_266 = arith.addf %dot_general3A_260, %dot_general3A_265 : vector<512x100xf32>
    %get3A_267 = arith.constant 0 : index
    %get3A_268 = arith.constant 0 : index
    %get3A_269 = vector.load %arg21[%get3A_267, %get3A_268] : memref<1x100xf32, #tpu.memory_space<vmem>>, vector<1x100xf32>
    %add3A_270 = vector.broadcast %get3A_269 : vector<1x100xf32> to vector<512x100xf32>
    %add3A_271 = arith.addf %add3A_266, %add3A_270 : vector<512x100xf32>
    %get3A_272 = arith.constant 0 : index
    %get3A_273 = arith.constant 0 : index
    %get3A_274 = vector.load %arg22[%get3A_272, %get3A_273] : memref<16x16xf32, #tpu.memory_space<vmem>>, vector<16x16xf32>
    %dot_general3A_275 = arith.constant dense<0.000000e+00> : vector<512x16xf32>
    %dot_general3A_276 = tpu.matmul %dot_general3A_236, %get3A_274, %dot_general3A_275 {dimension_numbers = #tpu.dot_dimension_numbers<[1], [0], [0], [1], [0, 0, 1, 1], [], []>, transpose_lhs_hint = false} : vector<512x16xf32>, vector<16x16xf32>, vector<512x16xf32> -> vector<512x16xf32>
    %get3A_277 = arith.constant 0 : index
    %get3A_278 = arith.constant 0 : index
    %get3A_279 = vector.load %arg22[%get3A_277, %get3A_278] : memref<16x16xf32, #tpu.memory_space<vmem>>, vector<16x16xf32>
    %dot_general3A_280 = arith.constant dense<0.000000e+00> : vector<512x16xf32>
    %dot_general3A_281 = tpu.matmul %dot_general3A_241, %get3A_279, %dot_general3A_280 {dimension_numbers = #tpu.dot_dimension_numbers<[1], [0], [0], [1], [0, 0, 1, 1], [], []>, transpose_lhs_hint = false} : vector<512x16xf32>, vector<16x16xf32>, vector<512x16xf32> -> vector<512x16xf32>
    %get3A_282 = arith.constant 0 : index
    %get3A_283 = arith.constant 0 : index
    %get3A_284 = vector.load %arg22[%get3A_282, %get3A_283] : memref<16x16xf32, #tpu.memory_space<vmem>>, vector<16x16xf32>
    %dot_general3A_285 = arith.constant dense<0.000000e+00> : vector<512x16xf32>
    %dot_general3A_286 = tpu.matmul %dot_general3A_246, %get3A_284, %dot_general3A_285 {dimension_numbers = #tpu.dot_dimension_numbers<[1], [0], [0], [1], [0, 0, 1, 1], [], []>, transpose_lhs_hint = false} : vector<512x16xf32>, vector<16x16xf32>, vector<512x16xf32> -> vector<512x16xf32>
    %broadcast_in_dim3A = arith.constant 1.000000e+00 : f32
    %broadcast_in_dim3A_287 = vector.broadcast %broadcast_in_dim3A : f32 to vector<512x1xf32>
    %broadcast_in_dim3A_288 = arith.constant 0.000000e+00 : f32
    %broadcast_in_dim3A_289 = vector.broadcast %broadcast_in_dim3A_288 : f32 to vector<512x11xf32>
    %concatenate3A = tpu.concatenate %add3A_271, %dot_general3A_276, %dot_general3A_281, %dot_general3A_286, %broadcast_in_dim3A_287, %broadcast_in_dim3A_289 in 1 : vector<512x100xf32>, vector<512x16xf32>, vector<512x16xf32>, vector<512x16xf32>, vector<512x1xf32>, vector<512x11xf32> -> vector<512x160xf32>
    %swap3A = arith.constant 0 : index
    %swap3A_290 = arith.constant 0 : index
    %swap3A_291 = vector.load %arg23[%swap3A, %swap3A_290] : memref<512x160xf32, #tpu.memory_space<vmem>>, vector<512x160xf32>
    tpu.vector_store %arg23[%swap3A, %swap3A_290], %concatenate3A {strides = array<i32>} : memref<512x160xf32, #tpu.memory_space<vmem>>, vector<512x160xf32>,
    return
  }
  func.func @transform_0(%arg0: i32) -> (i32, i32) {
    %c0_i32 = arith.constant 0 : i32
    %c0_i32_0 = arith.constant 0 : i32
    return %arg0, %c0_i32 : i32, i32
  }
  func.func @transform_1(%arg0: i32) -> (i32, i32) {
    %c0_i32 = arith.constant 0 : i32
    %c0_i32_0 = arith.constant 0 : i32
    return %arg0, %c0_i32 : i32, i32
  }
  func.func @transform_2(%arg0: i32) -> (i32, i32) {
    %c0_i32 = arith.constant 0 : i32
    %c0_i32_0 = arith.constant 0 : i32
    return %arg0, %c0_i32 : i32, i32
  }
  func.func @transform_3(%arg0: i32) -> (i32, i32) {
    %c0_i32 = arith.constant 0 : i32
    %c0_i32_0 = arith.constant 0 : i32
    %c0_i32_1 = arith.constant 0 : i32
    return %c0_i32, %c0_i32_0 : i32, i32
  }
  func.func @transform_4(%arg0: i32) -> (i32, i32) {
    %c0_i32 = arith.constant 0 : i32
    %c0_i32_0 = arith.constant 0 : i32
    %c0_i32_1 = arith.constant 0 : i32
    return %c0_i32, %c0_i32_0 : i32, i32
  }
  func.func @transform_5(%arg0: i32) -> (i32, i32) {
    %c0_i32 = arith.constant 0 : i32
    %c0_i32_0 = arith.constant 0 : i32
    %c0_i32_1 = arith.constant 0 : i32
    return %c0_i32, %c0_i32_0 : i32, i32
  }
  func.func @transform_6(%arg0: i32) -> (i32, i32) {
    %c0_i32 = arith.constant 0 : i32
    %c0_i32_0 = arith.constant 0 : i32
    %c0_i32_1 = arith.constant 0 : i32
    return %c0_i32, %c0_i32_0 : i32, i32
  }
  func.func @transform_7(%arg0: i32) -> (i32, i32) {
    %c0_i32 = arith.constant 0 : i32
    %c0_i32_0 = arith.constant 0 : i32
    %c0_i32_1 = arith.constant 0 : i32
    return %c0_i32, %c0_i32_0 : i32, i32
  }
  func.func @transform_8(%arg0: i32) -> (i32, i32) {
    %c0_i32 = arith.constant 0 : i32
    %c0_i32_0 = arith.constant 0 : i32
    %c0_i32_1 = arith.constant 0 : i32
    return %c0_i32, %c0_i32_0 : i32, i32
  }
  func.func @transform_9(%arg0: i32) -> (i32, i32) {
    %c0_i32 = arith.constant 0 : i32
    %c0_i32_0 = arith.constant 0 : i32
    %c0_i32_1 = arith.constant 0 : i32
    return %c0_i32, %c0_i32_0 : i32, i32
  }
  func.func @transform_10(%arg0: i32) -> (i32, i32) {
    %c0_i32 = arith.constant 0 : i32
    %c0_i32_0 = arith.constant 0 : i32
    %c0_i32_1 = arith.constant 0 : i32
    return %c0_i32, %c0_i32_0 : i32, i32
  }
  func.func @transform_11(%arg0: i32) -> (i32, i32) {
    %c0_i32 = arith.constant 0 : i32
    %c0_i32_0 = arith.constant 0 : i32
    %c0_i32_1 = arith.constant 0 : i32
    return %c0_i32, %c0_i32_0 : i32, i32
  }
  func.func @transform_12(%arg0: i32) -> (i32, i32) {
    %c0_i32 = arith.constant 0 : i32
    %c0_i32_0 = arith.constant 0 : i32
    %c0_i32_1 = arith.constant 0 : i32
    return %c0_i32, %c0_i32_0 : i32, i32
  }
  func.func @transform_13(%arg0: i32) -> (i32, i32) {
    %c0_i32 = arith.constant 0 : i32
    %c0_i32_0 = arith.constant 0 : i32
    %c0_i32_1 = arith.constant 0 : i32
    return %c0_i32, %c0_i32_0 : i32, i32
  }
  func.func @transform_14(%arg0: i32) -> (i32, i32) {
    %c0_i32 = arith.constant 0 : i32
    %c0_i32_0 = arith.constant 0 : i32
    %c0_i32_1 = arith.constant 0 : i32
    return %c0_i32, %c0_i32_0 : i32, i32
  }
  func.func @transform_15(%arg0: i32) -> (i32, i32) {
    %c0_i32 = arith.constant 0 : i32
    %c0_i32_0 = arith.constant 0 : i32
    %c0_i32_1 = arith.constant 0 : i32
    return %c0_i32, %c0_i32_0 : i32, i32
  }
  func.func @transform_16(%arg0: i32) -> (i32, i32) {
    %c0_i32 = arith.constant 0 : i32
    %c0_i32_0 = arith.constant 0 : i32
    %c0_i32_1 = arith.constant 0 : i32
    return %c0_i32, %c0_i32_0 : i32, i32
  }
  func.func @transform_17(%arg0: i32) -> (i32, i32) {
    %c0_i32 = arith.constant 0 : i32
    %c0_i32_0 = arith.constant 0 : i32
    %c0_i32_1 = arith.constant 0 : i32
    return %c0_i32, %c0_i32_0 : i32, i32
  }
  func.func @transform_18(%arg0: i32) -> (i32, i32) {
    %c0_i32 = arith.constant 0 : i32
    %c0_i32_0 = arith.constant 0 : i32
    %c0_i32_1 = arith.constant 0 : i32
    return %c0_i32, %c0_i32_0 : i32, i32
  }
  func.func @transform_19(%arg0: i32) -> (i32, i32) {
    %c0_i32 = arith.constant 0 : i32
    %c0_i32_0 = arith.constant 0 : i32
    %c0_i32_1 = arith.constant 0 : i32
    return %c0_i32, %c0_i32_0 : i32, i32
  }
  func.func @transform_20(%arg0: i32) -> (i32, i32) {
    %c0_i32 = arith.constant 0 : i32
    %c0_i32_0 = arith.constant 0 : i32
    %c0_i32_1 = arith.constant 0 : i32
    return %c0_i32, %c0_i32_0 : i32, i32
  }
  func.func @transform_21(%arg0: i32) -> (i32, i32) {
    %c0_i32 = arith.constant 0 : i32
    %c0_i32_0 = arith.constant 0 : i32
    %c0_i32_1 = arith.constant 0 : i32
    return %c0_i32, %c0_i32_0 : i32, i32
  }
  func.func @transform_22(%arg0: i32) -> (i32, i32) {
    %c0_i32 = arith.constant 0 : i32
    %c0_i32_0 = arith.constant 0 : i32
    return %arg0, %c0_i32 : i32, i32
  }
}

module attributes {stable_mosaic.version = 14 : i64} {
  func.func @_node_update_body(%arg0: i32, %arg1: memref<1000x160xf32, #tpu.memory_space<vmem>>, %arg2: memref<1000x160xf32, #tpu.memory_space<vmem>>, %arg3: memref<1000x160xf32, #tpu.memory_space<vmem>>, %arg4: memref<1x100xf32, #tpu.memory_space<vmem>>, %arg5: memref<1x100xf32, #tpu.memory_space<vmem>>, %arg6: memref<16x32xf32, #tpu.memory_space<vmem>>, %arg7: memref<100x400xf32, #tpu.memory_space<vmem>>, %arg8: memref<32x400xf32, #tpu.memory_space<vmem>>, %arg9: memref<1x400xf32, #tpu.memory_space<vmem>>, %arg10: memref<32x32xf32, #tpu.memory_space<vmem>>, %arg11: memref<32x32xf32, #tpu.memory_space<vmem>>, %arg12: memref<400x100xf32, #tpu.memory_space<vmem>>, %arg13: memref<32x100xf32, #tpu.memory_space<vmem>>, %arg14: memref<1x100xf32, #tpu.memory_space<vmem>>, %arg15: memref<32x16xf32, #tpu.memory_space<vmem>>, %arg16: memref<1x100xf32, #tpu.memory_space<vmem>>, %arg17: memref<1x100xf32, #tpu.memory_space<vmem>>, %arg18: memref<1000x160xf32, #tpu.memory_space<vmem>>) attributes {dimension_semantics = [#tpu.dimension_semantics<arbitrary>], iteration_bounds = array<i64: 10>, scalar_prefetch = 0 : i64, scratch_operands = 0 : i64, tpu.core_type = #tpu.core_type<tc>, window_params = [{transform_indices = @transform_0, window_bounds = array<i64: 1000, 160>}, {transform_indices = @transform_1, window_bounds = array<i64: 1000, 160>}, {transform_indices = @transform_2, window_bounds = array<i64: 1000, 160>}, {pipeline_mode = #tpu.pipeline_mode<synchronous>, transform_indices = @transform_3, window_bounds = array<i64: 1, 100>}, {pipeline_mode = #tpu.pipeline_mode<synchronous>, transform_indices = @transform_4, window_bounds = array<i64: 1, 100>}, {pipeline_mode = #tpu.pipeline_mode<synchronous>, transform_indices = @transform_5, window_bounds = array<i64: 16, 32>}, {pipeline_mode = #tpu.pipeline_mode<synchronous>, transform_indices = @transform_6, window_bounds = array<i64: 100, 400>}, {pipeline_mode = #tpu.pipeline_mode<synchronous>, transform_indices = @transform_7, window_bounds = array<i64: 32, 400>}, {pipeline_mode = #tpu.pipeline_mode<synchronous>, transform_indices = @transform_8, window_bounds = array<i64: 1, 400>}, {pipeline_mode = #tpu.pipeline_mode<synchronous>, transform_indices = @transform_9, window_bounds = array<i64: 32, 32>}, {pipeline_mode = #tpu.pipeline_mode<synchronous>, transform_indices = @transform_10, window_bounds = array<i64: 32, 32>}, {pipeline_mode = #tpu.pipeline_mode<synchronous>, transform_indices = @transform_11, window_bounds = array<i64: 400, 100>}, {pipeline_mode = #tpu.pipeline_mode<synchronous>, transform_indices = @transform_12, window_bounds = array<i64: 32, 100>}, {pipeline_mode = #tpu.pipeline_mode<synchronous>, transform_indices = @transform_13, window_bounds = array<i64: 1, 100>}, {pipeline_mode = #tpu.pipeline_mode<synchronous>, transform_indices = @transform_14, window_bounds = array<i64: 32, 16>}, {pipeline_mode = #tpu.pipeline_mode<synchronous>, transform_indices = @transform_15, window_bounds = array<i64: 1, 100>}, {pipeline_mode = #tpu.pipeline_mode<synchronous>, transform_indices = @transform_16, window_bounds = array<i64: 1, 100>}, {transform_indices = @transform_17, window_bounds = array<i64: 1000, 160>}]} {
    %get3A = arith.constant 0 : index
    %get3A_0 = arith.constant 0 : index
    %get3A_1 = vector.load %arg2[%get3A, %get3A_0] : memref<1000x160xf32, #tpu.memory_space<vmem>>, vector<1000x160xf32>
    %get3A_2 = arith.constant 0 : index
    %get3A_3 = arith.constant 0 : index
    %get3A_4 = vector.load %arg3[%get3A_2, %get3A_3] : memref<1000x160xf32, #tpu.memory_space<vmem>>, vector<1000x160xf32>
    %add3A = arith.addf %get3A_1, %get3A_4 : vector<1000x160xf32>
    %slice3A = vector.extract_strided_slice %add3A {offsets = [0, 148], sizes = [1000, 1], strides = [1, 1]} : vector<1000x160xf32> to vector<1000x1xf32>
    %max3A = arith.constant 1.000000e+00 : f32
    %max3A_5 = vector.broadcast %max3A : f32 to vector<1000x1xf32>
    %max3A_6 = arith.maximumf %slice3A, %max3A_5 : vector<1000x1xf32>
    %div3A = arith.constant 1.000000e+00 : f32
    %div3A_7 = vector.broadcast %div3A : f32 to vector<1000x1xf32>
    %div3A_8 = arith.divf %div3A_7, %max3A_6 : vector<1000x1xf32>
    %get3A_9 = arith.constant 0 : index
    %get3A_10 = arith.constant 0 : index
    %get3A_11 = vector.load %arg1[%get3A_9, %get3A_10] : memref<1000x160xf32, #tpu.memory_space<vmem>>, vector<1000x100xf32>
    %slice3A_12 = vector.extract_strided_slice %add3A {offsets = [0, 0], sizes = [1000, 100], strides = [1, 1]} : vector<1000x160xf32> to vector<1000x100xf32>
    %mul3A = vector.broadcast %div3A_8 : vector<1000x1xf32> to vector<1000x100xf32>
    %mul3A_13 = arith.mulf %slice3A_12, %mul3A : vector<1000x100xf32>
    %add3A_14 = arith.addf %get3A_11, %mul3A_13 : vector<1000x100xf32>
    %get3A_15 = arith.constant 0 : index
    %get3A_16 = arith.constant 100 : index
    %get3A_17 = vector.load %arg1[%get3A_15, %get3A_16] : memref<1000x160xf32, #tpu.memory_space<vmem>>, vector<1000x16xf32>
    %slice3A_18 = vector.extract_strided_slice %add3A {offsets = [0, 100], sizes = [1000, 16], strides = [1, 1]} : vector<1000x160xf32> to vector<1000x16xf32>
    %mul3A_19 = vector.broadcast %div3A_8 : vector<1000x1xf32> to vector<1000x16xf32>
    %mul3A_20 = arith.mulf %slice3A_18, %mul3A_19 : vector<1000x16xf32>
    %add3A_21 = arith.addf %get3A_17, %mul3A_20 : vector<1000x16xf32>
    %get3A_22 = arith.constant 0 : index
    %get3A_23 = arith.constant 116 : index
    %get3A_24 = vector.load %arg1[%get3A_22, %get3A_23] : memref<1000x160xf32, #tpu.memory_space<vmem>>, vector<1000x16xf32>
    %slice3A_25 = vector.extract_strided_slice %add3A {offsets = [0, 116], sizes = [1000, 16], strides = [1, 1]} : vector<1000x160xf32> to vector<1000x16xf32>
    %mul3A_26 = vector.broadcast %div3A_8 : vector<1000x1xf32> to vector<1000x16xf32>
    %mul3A_27 = arith.mulf %slice3A_25, %mul3A_26 : vector<1000x16xf32>
    %add3A_28 = arith.addf %get3A_24, %mul3A_27 : vector<1000x16xf32>
    %get3A_29 = arith.constant 0 : index
    %get3A_30 = arith.constant 132 : index
    %get3A_31 = vector.load %arg1[%get3A_29, %get3A_30] : memref<1000x160xf32, #tpu.memory_space<vmem>>, vector<1000x16xf32>
    %slice3A_32 = vector.extract_strided_slice %add3A {offsets = [0, 132], sizes = [1000, 16], strides = [1, 1]} : vector<1000x160xf32> to vector<1000x16xf32>
    %mul3A_33 = vector.broadcast %div3A_8 : vector<1000x1xf32> to vector<1000x16xf32>
    %mul3A_34 = arith.mulf %slice3A_32, %mul3A_33 : vector<1000x16xf32>
    %add3A_35 = arith.addf %get3A_31, %mul3A_34 : vector<1000x16xf32>
    %get3A_36 = arith.constant 0 : index
    %get3A_37 = arith.constant 0 : index
    %get3A_38 = vector.load %arg4[%get3A_36, %get3A_37] : memref<1x100xf32, #tpu.memory_space<vmem>>, vector<1x100xf32>
    %get3A_39 = arith.constant 0 : index
    %get3A_40 = arith.constant 0 : index
    %get3A_41 = vector.load %arg5[%get3A_39, %get3A_40] : memref<1x100xf32, #tpu.memory_space<vmem>>, vector<1x100xf32>
    %reduce_sum3A = arith.constant dense<0.000000e+00> : vector<1000xf32>
    %reduce_sum3A_42 = vector.multi_reduction <add>, %add3A_14, %reduce_sum3A [1] : vector<1000x100xf32> to vector<1000xf32>
    %broadcast_in_dim3A = vector.shape_cast %reduce_sum3A_42 : vector<1000xf32> to vector<1000x1xf32>
    %div3A_43 = arith.constant 1.000000e+02 : f32
    %div3A_44 = vector.broadcast %div3A_43 : f32 to vector<1000x1xf32>
    %div3A_45 = arith.divf %broadcast_in_dim3A, %div3A_44 : vector<1000x1xf32>
    %sub3A = vector.broadcast %div3A_45 : vector<1000x1xf32> to vector<1000x100xf32>
    %sub3A_46 = arith.subf %add3A_14, %sub3A : vector<1000x100xf32>
    %square3A = arith.mulf %sub3A_46, %sub3A_46 : vector<1000x100xf32>
    %reduce_sum3A_47 = arith.constant dense<0.000000e+00> : vector<1000xf32>
    %reduce_sum3A_48 = vector.multi_reduction <add>, %square3A, %reduce_sum3A_47 [1] : vector<1000x100xf32> to vector<1000xf32>
    %broadcast_in_dim3A_49 = vector.shape_cast %reduce_sum3A_48 : vector<1000xf32> to vector<1000x1xf32>
    %div3A_50 = arith.constant 1.000000e+02 : f32
    %div3A_51 = vector.broadcast %div3A_50 : f32 to vector<1000x1xf32>
    %div3A_52 = arith.divf %broadcast_in_dim3A_49, %div3A_51 : vector<1000x1xf32>
    %sub3A_53 = vector.broadcast %div3A_45 : vector<1000x1xf32> to vector<1000x100xf32>
    %sub3A_54 = arith.subf %add3A_14, %sub3A_53 : vector<1000x100xf32>
    %add3A_55 = arith.constant 9.99999974E-6 : f32
    %add3A_56 = vector.broadcast %add3A_55 : f32 to vector<1000x1xf32>
    %add3A_57 = arith.addf %div3A_52, %add3A_56 : vector<1000x1xf32>
    %rsqrt3A = math.rsqrt %add3A_57 : vector<1000x1xf32>
    %mul3A_58 = vector.broadcast %rsqrt3A : vector<1000x1xf32> to vector<1000x100xf32>
    %mul3A_59 = arith.mulf %sub3A_54, %mul3A_58 : vector<1000x100xf32>
    %mul3A_60 = vector.broadcast %get3A_38 : vector<1x100xf32> to vector<1000x100xf32>
    %mul3A_61 = arith.mulf %mul3A_59, %mul3A_60 : vector<1000x100xf32>
    %add3A_62 = vector.broadcast %get3A_41 : vector<1x100xf32> to vector<1000x100xf32>
    %add3A_63 = arith.addf %mul3A_61, %add3A_62 : vector<1000x100xf32>
    %mul3A_64 = arith.mulf %add3A_21, %add3A_21 : vector<1000x16xf32>
    %mul3A_65 = arith.mulf %add3A_28, %add3A_28 : vector<1000x16xf32>
    %add3A_66 = arith.addf %mul3A_64, %mul3A_65 : vector<1000x16xf32>
    %mul3A_67 = arith.mulf %add3A_35, %add3A_35 : vector<1000x16xf32>
    %add3A_68 = arith.addf %add3A_66, %mul3A_67 : vector<1000x16xf32>
    %max3A_69 = arith.constant 9.99999993E-9 : f32
    %max3A_70 = vector.broadcast %max3A_69 : f32 to vector<1000x16xf32>
    %max3A_71 = arith.maximumf %add3A_68, %max3A_70 : vector<1000x16xf32>
    %reduce_sum3A_72 = arith.constant dense<0.000000e+00> : vector<1000xf32>
    %reduce_sum3A_73 = vector.multi_reduction <add>, %max3A_71, %reduce_sum3A_72 [1] : vector<1000x16xf32> to vector<1000xf32>
    %broadcast_in_dim3A_74 = vector.shape_cast %reduce_sum3A_73 : vector<1000xf32> to vector<1000x1xf32>
    %div3A_75 = arith.constant 1.600000e+01 : f32
    %div3A_76 = vector.broadcast %div3A_75 : f32 to vector<1000x1xf32>
    %div3A_77 = arith.divf %broadcast_in_dim3A_74, %div3A_76 : vector<1000x1xf32>
    %rsqrt3A_78 = math.rsqrt %div3A_77 : vector<1000x1xf32>
    %mul3A_79 = vector.broadcast %rsqrt3A_78 : vector<1000x1xf32> to vector<1000x16xf32>
    %mul3A_80 = arith.mulf %add3A_21, %mul3A_79 : vector<1000x16xf32>
    %mul3A_81 = vector.broadcast %rsqrt3A_78 : vector<1000x1xf32> to vector<1000x16xf32>
    %mul3A_82 = arith.mulf %add3A_28, %mul3A_81 : vector<1000x16xf32>
    %mul3A_83 = vector.broadcast %rsqrt3A_78 : vector<1000x1xf32> to vector<1000x16xf32>
    %mul3A_84 = arith.mulf %add3A_35, %mul3A_83 : vector<1000x16xf32>
    %get3A_85 = arith.constant 0 : index
    %get3A_86 = arith.constant 0 : index
    %get3A_87 = vector.load %arg6[%get3A_85, %get3A_86] : memref<16x32xf32, #tpu.memory_space<vmem>>, vector<16x32xf32>
    %dot_general3A = arith.constant dense<0.000000e+00> : vector<1000x32xf32>
    %dot_general3A_88 = tpu.matmul %mul3A_80, %get3A_87, %dot_general3A {dimension_numbers = #tpu.dot_dimension_numbers<[1], [0], [0], [1], [0, 0, 1, 1], [], []>, transpose_lhs_hint = false} : vector<1000x16xf32>, vector<16x32xf32>, vector<1000x32xf32> -> vector<1000x32xf32>
    %get3A_89 = arith.constant 0 : index
    %get3A_90 = arith.constant 0 : index
    %get3A_91 = vector.load %arg6[%get3A_89, %get3A_90] : memref<16x32xf32, #tpu.memory_space<vmem>>, vector<16x32xf32>
    %dot_general3A_92 = arith.constant dense<0.000000e+00> : vector<1000x32xf32>
    %dot_general3A_93 = tpu.matmul %mul3A_82, %get3A_91, %dot_general3A_92 {dimension_numbers = #tpu.dot_dimension_numbers<[1], [0], [0], [1], [0, 0, 1, 1], [], []>, transpose_lhs_hint = false} : vector<1000x16xf32>, vector<16x32xf32>, vector<1000x32xf32> -> vector<1000x32xf32>
    %get3A_94 = arith.constant 0 : index
    %get3A_95 = arith.constant 0 : index
    %get3A_96 = vector.load %arg6[%get3A_94, %get3A_95] : memref<16x32xf32, #tpu.memory_space<vmem>>, vector<16x32xf32>
    %dot_general3A_97 = arith.constant dense<0.000000e+00> : vector<1000x32xf32>
    %dot_general3A_98 = tpu.matmul %mul3A_84, %get3A_96, %dot_general3A_97 {dimension_numbers = #tpu.dot_dimension_numbers<[1], [0], [0], [1], [0, 0, 1, 1], [], []>, transpose_lhs_hint = false} : vector<1000x16xf32>, vector<16x32xf32>, vector<1000x32xf32> -> vector<1000x32xf32>
    %mul3A_99 = arith.mulf %dot_general3A_88, %dot_general3A_88 : vector<1000x32xf32>
    %mul3A_100 = arith.mulf %dot_general3A_93, %dot_general3A_93 : vector<1000x32xf32>
    %add3A_101 = arith.addf %mul3A_99, %mul3A_100 : vector<1000x32xf32>
    %mul3A_102 = arith.mulf %dot_general3A_98, %dot_general3A_98 : vector<1000x32xf32>
    %add3A_103 = arith.addf %add3A_101, %mul3A_102 : vector<1000x32xf32>
    %max3A_104 = arith.constant 9.99999993E-9 : f32
    %max3A_105 = vector.broadcast %max3A_104 : f32 to vector<1000x32xf32>
    %max3A_106 = arith.maximumf %add3A_103, %max3A_105 : vector<1000x32xf32>
    %sqrt3A = math.sqrt %max3A_106 : vector<1000x32xf32>
    %get3A_107 = arith.constant 0 : index
    %get3A_108 = arith.constant 0 : index
    %get3A_109 = vector.load %arg7[%get3A_107, %get3A_108] : memref<100x400xf32, #tpu.memory_space<vmem>>, vector<100x400xf32>
    %dot_general3A_110 = arith.constant dense<0.000000e+00> : vector<1000x400xf32>
    %dot_general3A_111 = tpu.matmul %add3A_63, %get3A_109, %dot_general3A_110 {dimension_numbers = #tpu.dot_dimension_numbers<[1], [0], [0], [1], [0, 0, 1, 1], [], []>, transpose_lhs_hint = false} : vector<1000x100xf32>, vector<100x400xf32>, vector<1000x400xf32> -> vector<1000x400xf32>
    %get3A_112 = arith.constant 0 : index
    %get3A_113 = arith.constant 0 : index
    %get3A_114 = vector.load %arg8[%get3A_112, %get3A_113] : memref<32x400xf32, #tpu.memory_space<vmem>>, vector<32x400xf32>
    %dot_general3A_115 = arith.constant dense<0.000000e+00> : vector<1000x400xf32>
    %dot_general3A_116 = tpu.matmul %sqrt3A, %get3A_114, %dot_general3A_115 {dimension_numbers = #tpu.dot_dimension_numbers<[1], [0], [0], [1], [0, 0, 1, 1], [], []>, transpose_lhs_hint = false} : vector<1000x32xf32>, vector<32x400xf32>, vector<1000x400xf32> -> vector<1000x400xf32>
    %add3A_117 = arith.addf %dot_general3A_111, %dot_general3A_116 : vector<1000x400xf32>
    %get3A_118 = arith.constant 0 : index
    %get3A_119 = arith.constant 0 : index
    %get3A_120 = vector.load %arg9[%get3A_118, %get3A_119] : memref<1x400xf32, #tpu.memory_space<vmem>>, vector<1x400xf32>
    %add3A_121 = vector.broadcast %get3A_120 : vector<1x400xf32> to vector<1000x400xf32>
    %add3A_122 = arith.addf %add3A_117, %add3A_121 : vector<1000x400xf32>
    %max3A_123 = arith.constant 0.000000e+00 : f32
    %max3A_124 = vector.broadcast %max3A_123 : f32 to vector<1000x400xf32>
    %max3A_125 = arith.maximumf %add3A_122, %max3A_124 : vector<1000x400xf32>
    %get3A_126 = arith.constant 0 : index
    %get3A_127 = arith.constant 0 : index
    %get3A_128 = vector.load %arg10[%get3A_126, %get3A_127] : memref<32x32xf32, #tpu.memory_space<vmem>>, vector<32x32xf32>
    %dot_general3A_129 = arith.constant dense<0.000000e+00> : vector<1000x32xf32>
    %dot_general3A_130 = tpu.matmul %dot_general3A_88, %get3A_128, %dot_general3A_129 {dimension_numbers = #tpu.dot_dimension_numbers<[1], [0], [0], [1], [0, 0, 1, 1], [], []>, transpose_lhs_hint = false} : vector<1000x32xf32>, vector<32x32xf32>, vector<1000x32xf32> -> vector<1000x32xf32>
    %get3A_131 = arith.constant 0 : index
    %get3A_132 = arith.constant 0 : index
    %get3A_133 = vector.load %arg10[%get3A_131, %get3A_132] : memref<32x32xf32, #tpu.memory_space<vmem>>, vector<32x32xf32>
    %dot_general3A_134 = arith.constant dense<0.000000e+00> : vector<1000x32xf32>
    %dot_general3A_135 = tpu.matmul %dot_general3A_93, %get3A_133, %dot_general3A_134 {dimension_numbers = #tpu.dot_dimension_numbers<[1], [0], [0], [1], [0, 0, 1, 1], [], []>, transpose_lhs_hint = false} : vector<1000x32xf32>, vector<32x32xf32>, vector<1000x32xf32> -> vector<1000x32xf32>
    %get3A_136 = arith.constant 0 : index
    %get3A_137 = arith.constant 0 : index
    %get3A_138 = vector.load %arg10[%get3A_136, %get3A_137] : memref<32x32xf32, #tpu.memory_space<vmem>>, vector<32x32xf32>
    %dot_general3A_139 = arith.constant dense<0.000000e+00> : vector<1000x32xf32>
    %dot_general3A_140 = tpu.matmul %dot_general3A_98, %get3A_138, %dot_general3A_139 {dimension_numbers = #tpu.dot_dimension_numbers<[1], [0], [0], [1], [0, 0, 1, 1], [], []>, transpose_lhs_hint = false} : vector<1000x32xf32>, vector<32x32xf32>, vector<1000x32xf32> -> vector<1000x32xf32>
    %mul3A_141 = arith.mulf %dot_general3A_130, %dot_general3A_130 : vector<1000x32xf32>
    %mul3A_142 = arith.mulf %dot_general3A_135, %dot_general3A_135 : vector<1000x32xf32>
    %add3A_143 = arith.addf %mul3A_141, %mul3A_142 : vector<1000x32xf32>
    %mul3A_144 = arith.mulf %dot_general3A_140, %dot_general3A_140 : vector<1000x32xf32>
    %add3A_145 = arith.addf %add3A_143, %mul3A_144 : vector<1000x32xf32>
    %max3A_146 = arith.constant 9.99999993E-9 : f32
    %max3A_147 = vector.broadcast %max3A_146 : f32 to vector<1000x32xf32>
    %max3A_148 = arith.maximumf %add3A_145, %max3A_147 : vector<1000x32xf32>
    %sqrt3A_149 = math.sqrt %max3A_148 : vector<1000x32xf32>
    %logistic3A = arith.negf %sqrt3A_149 : vector<1000x32xf32>
    %logistic3A_150 = math.exp %logistic3A : vector<1000x32xf32>
    %logistic3A_151 = arith.constant 1.000000e+00 : f32
    %logistic3A_152 = vector.broadcast %logistic3A_151 : f32 to vector<1000x32xf32>
    %logistic3A_153 = arith.addf %logistic3A_152, %logistic3A_150 : vector<1000x32xf32>
    %logistic3A_154 = arith.divf %logistic3A_152, %logistic3A_153 : vector<1000x32xf32>
    %mul3A_155 = arith.mulf %dot_general3A_130, %logistic3A_154 : vector<1000x32xf32>
    %mul3A_156 = arith.mulf %dot_general3A_135, %logistic3A_154 : vector<1000x32xf32>
    %mul3A_157 = arith.mulf %dot_general3A_140, %logistic3A_154 : vector<1000x32xf32>
    %get3A_158 = arith.constant 0 : index
    %get3A_159 = arith.constant 0 : index
    %get3A_160 = vector.load %arg11[%get3A_158, %get3A_159] : memref<32x32xf32, #tpu.memory_space<vmem>>, vector<32x32xf32>
    %dot_general3A_161 = arith.constant dense<0.000000e+00> : vector<1000x32xf32>
    %dot_general3A_162 = tpu.matmul %mul3A_155, %get3A_160, %dot_general3A_161 {dimension_numbers = #tpu.dot_dimension_numbers<[1], [0], [0], [1], [0, 0, 1, 1], [], []>, transpose_lhs_hint = false} : vector<1000x32xf32>, vector<32x32xf32>, vector<1000x32xf32> -> vector<1000x32xf32>
    %get3A_163 = arith.constant 0 : index
    %get3A_164 = arith.constant 0 : index
    %get3A_165 = vector.load %arg11[%get3A_163, %get3A_164] : memref<32x32xf32, #tpu.memory_space<vmem>>, vector<32x32xf32>
    %dot_general3A_166 = arith.constant dense<0.000000e+00> : vector<1000x32xf32>
    %dot_general3A_167 = tpu.matmul %mul3A_156, %get3A_165, %dot_general3A_166 {dimension_numbers = #tpu.dot_dimension_numbers<[1], [0], [0], [1], [0, 0, 1, 1], [], []>, transpose_lhs_hint = false} : vector<1000x32xf32>, vector<32x32xf32>, vector<1000x32xf32> -> vector<1000x32xf32>
    %get3A_168 = arith.constant 0 : index
    %get3A_169 = arith.constant 0 : index
    %get3A_170 = vector.load %arg11[%get3A_168, %get3A_169] : memref<32x32xf32, #tpu.memory_space<vmem>>, vector<32x32xf32>
    %dot_general3A_171 = arith.constant dense<0.000000e+00> : vector<1000x32xf32>
    %dot_general3A_172 = tpu.matmul %mul3A_157, %get3A_170, %dot_general3A_171 {dimension_numbers = #tpu.dot_dimension_numbers<[1], [0], [0], [1], [0, 0, 1, 1], [], []>, transpose_lhs_hint = false} : vector<1000x32xf32>, vector<32x32xf32>, vector<1000x32xf32> -> vector<1000x32xf32>
    %mul3A_173 = arith.mulf %dot_general3A_162, %dot_general3A_162 : vector<1000x32xf32>
    %mul3A_174 = arith.mulf %dot_general3A_167, %dot_general3A_167 : vector<1000x32xf32>
    %add3A_175 = arith.addf %mul3A_173, %mul3A_174 : vector<1000x32xf32>
    %mul3A_176 = arith.mulf %dot_general3A_172, %dot_general3A_172 : vector<1000x32xf32>
    %add3A_177 = arith.addf %add3A_175, %mul3A_176 : vector<1000x32xf32>
    %max3A_178 = arith.constant 9.99999993E-9 : f32
    %max3A_179 = vector.broadcast %max3A_178 : f32 to vector<1000x32xf32>
    %max3A_180 = arith.maximumf %add3A_177, %max3A_179 : vector<1000x32xf32>
    %sqrt3A_181 = math.sqrt %max3A_180 : vector<1000x32xf32>
    %get3A_182 = arith.constant 0 : index
    %get3A_183 = arith.constant 0 : index
    %get3A_184 = vector.load %arg12[%get3A_182, %get3A_183] : memref<400x100xf32, #tpu.memory_space<vmem>>, vector<400x100xf32>
    %dot_general3A_185 = arith.constant dense<0.000000e+00> : vector<1000x100xf32>
    %dot_general3A_186 = tpu.matmul %max3A_125, %get3A_184, %dot_general3A_185 {dimension_numbers = #tpu.dot_dimension_numbers<[1], [0], [0], [1], [0, 0, 1, 1], [], []>, transpose_lhs_hint = false} : vector<1000x400xf32>, vector<400x100xf32>, vector<1000x100xf32> -> vector<1000x100xf32>
    %get3A_187 = arith.constant 0 : index
    %get3A_188 = arith.constant 0 : index
    %get3A_189 = vector.load %arg13[%get3A_187, %get3A_188] : memref<32x100xf32, #tpu.memory_space<vmem>>, vector<32x100xf32>
    %dot_general3A_190 = arith.constant dense<0.000000e+00> : vector<1000x100xf32>
    %dot_general3A_191 = tpu.matmul %sqrt3A_181, %get3A_189, %dot_general3A_190 {dimension_numbers = #tpu.dot_dimension_numbers<[1], [0], [0], [1], [0, 0, 1, 1], [], []>, transpose_lhs_hint = false} : vector<1000x32xf32>, vector<32x100xf32>, vector<1000x100xf32> -> vector<1000x100xf32>
    %add3A_192 = arith.addf %dot_general3A_186, %dot_general3A_191 : vector<1000x100xf32>
    %get3A_193 = arith.constant 0 : index
    %get3A_194 = arith.constant 0 : index
    %get3A_195 = vector.load %arg14[%get3A_193, %get3A_194] : memref<1x100xf32, #tpu.memory_space<vmem>>, vector<1x100xf32>
    %add3A_196 = vector.broadcast %get3A_195 : vector<1x100xf32> to vector<1000x100xf32>
    %add3A_197 = arith.addf %add3A_192, %add3A_196 : vector<1000x100xf32>
    %get3A_198 = arith.constant 0 : index
    %get3A_199 = arith.constant 0 : index
    %get3A_200 = vector.load %arg15[%get3A_198, %get3A_199] : memref<32x16xf32, #tpu.memory_space<vmem>>, vector<32x16xf32>
    %dot_general3A_201 = arith.constant dense<0.000000e+00> : vector<1000x16xf32>
    %dot_general3A_202 = tpu.matmul %dot_general3A_162, %get3A_200, %dot_general3A_201 {dimension_numbers = #tpu.dot_dimension_numbers<[1], [0], [0], [1], [0, 0, 1, 1], [], []>, transpose_lhs_hint = false} : vector<1000x32xf32>, vector<32x16xf32>, vector<1000x16xf32> -> vector<1000x16xf32>
    %get3A_203 = arith.constant 0 : index
    %get3A_204 = arith.constant 0 : index
    %get3A_205 = vector.load %arg15[%get3A_203, %get3A_204] : memref<32x16xf32, #tpu.memory_space<vmem>>, vector<32x16xf32>
    %dot_general3A_206 = arith.constant dense<0.000000e+00> : vector<1000x16xf32>
    %dot_general3A_207 = tpu.matmul %dot_general3A_167, %get3A_205, %dot_general3A_206 {dimension_numbers = #tpu.dot_dimension_numbers<[1], [0], [0], [1], [0, 0, 1, 1], [], []>, transpose_lhs_hint = false} : vector<1000x32xf32>, vector<32x16xf32>, vector<1000x16xf32> -> vector<1000x16xf32>
    %get3A_208 = arith.constant 0 : index
    %get3A_209 = arith.constant 0 : index
    %get3A_210 = vector.load %arg15[%get3A_208, %get3A_209] : memref<32x16xf32, #tpu.memory_space<vmem>>, vector<32x16xf32>
    %dot_general3A_211 = arith.constant dense<0.000000e+00> : vector<1000x16xf32>
    %dot_general3A_212 = tpu.matmul %dot_general3A_172, %get3A_210, %dot_general3A_211 {dimension_numbers = #tpu.dot_dimension_numbers<[1], [0], [0], [1], [0, 0, 1, 1], [], []>, transpose_lhs_hint = false} : vector<1000x32xf32>, vector<32x16xf32>, vector<1000x16xf32> -> vector<1000x16xf32>
    %add3A_213 = arith.addf %add3A_63, %add3A_197 : vector<1000x100xf32>
    %get3A_214 = arith.constant 0 : index
    %get3A_215 = arith.constant 0 : index
    %get3A_216 = vector.load %arg16[%get3A_214, %get3A_215] : memref<1x100xf32, #tpu.memory_space<vmem>>, vector<1x100xf32>
    %get3A_217 = arith.constant 0 : index
    %get3A_218 = arith.constant 0 : index
    %get3A_219 = vector.load %arg17[%get3A_217, %get3A_218] : memref<1x100xf32, #tpu.memory_space<vmem>>, vector<1x100xf32>
    %reduce_sum3A_220 = arith.constant dense<0.000000e+00> : vector<1000xf32>
    %reduce_sum3A_221 = vector.multi_reduction <add>, %add3A_213, %reduce_sum3A_220 [1] : vector<1000x100xf32> to vector<1000xf32>
    %broadcast_in_dim3A_222 = vector.shape_cast %reduce_sum3A_221 : vector<1000xf32> to vector<1000x1xf32>
    %div3A_223 = arith.constant 1.000000e+02 : f32
    %div3A_224 = vector.broadcast %div3A_223 : f32 to vector<1000x1xf32>
    %div3A_225 = arith.divf %broadcast_in_dim3A_222, %div3A_224 : vector<1000x1xf32>
    %sub3A_226 = vector.broadcast %div3A_225 : vector<1000x1xf32> to vector<1000x100xf32>
    %sub3A_227 = arith.subf %add3A_213, %sub3A_226 : vector<1000x100xf32>
    %square3A_228 = arith.mulf %sub3A_227, %sub3A_227 : vector<1000x100xf32>
    %reduce_sum3A_229 = arith.constant dense<0.000000e+00> : vector<1000xf32>
    %reduce_sum3A_230 = vector.multi_reduction <add>, %square3A_228, %reduce_sum3A_229 [1] : vector<1000x100xf32> to vector<1000xf32>
    %broadcast_in_dim3A_231 = vector.shape_cast %reduce_sum3A_230 : vector<1000xf32> to vector<1000x1xf32>
    %div3A_232 = arith.constant 1.000000e+02 : f32
    %div3A_233 = vector.broadcast %div3A_232 : f32 to vector<1000x1xf32>
    %div3A_234 = arith.divf %broadcast_in_dim3A_231, %div3A_233 : vector<1000x1xf32>
    %sub3A_235 = vector.broadcast %div3A_225 : vector<1000x1xf32> to vector<1000x100xf32>
    %sub3A_236 = arith.subf %add3A_213, %sub3A_235 : vector<1000x100xf32>
    %add3A_237 = arith.constant 9.99999974E-6 : f32
    %add3A_238 = vector.broadcast %add3A_237 : f32 to vector<1000x1xf32>
    %add3A_239 = arith.addf %div3A_234, %add3A_238 : vector<1000x1xf32>
    %rsqrt3A_240 = math.rsqrt %add3A_239 : vector<1000x1xf32>
    %mul3A_241 = vector.broadcast %rsqrt3A_240 : vector<1000x1xf32> to vector<1000x100xf32>
    %mul3A_242 = arith.mulf %sub3A_236, %mul3A_241 : vector<1000x100xf32>
    %mul3A_243 = vector.broadcast %get3A_216 : vector<1x100xf32> to vector<1000x100xf32>
    %mul3A_244 = arith.mulf %mul3A_242, %mul3A_243 : vector<1000x100xf32>
    %add3A_245 = vector.broadcast %get3A_219 : vector<1x100xf32> to vector<1000x100xf32>
    %add3A_246 = arith.addf %mul3A_244, %add3A_245 : vector<1000x100xf32>
    %add3A_247 = arith.addf %mul3A_80, %dot_general3A_202 : vector<1000x16xf32>
    %add3A_248 = arith.addf %mul3A_82, %dot_general3A_207 : vector<1000x16xf32>
    %add3A_249 = arith.addf %mul3A_84, %dot_general3A_212 : vector<1000x16xf32>
    %mul3A_250 = arith.mulf %add3A_247, %add3A_247 : vector<1000x16xf32>
    %mul3A_251 = arith.mulf %add3A_248, %add3A_248 : vector<1000x16xf32>
    %add3A_252 = arith.addf %mul3A_250, %mul3A_251 : vector<1000x16xf32>
    %mul3A_253 = arith.mulf %add3A_249, %add3A_249 : vector<1000x16xf32>
    %add3A_254 = arith.addf %add3A_252, %mul3A_253 : vector<1000x16xf32>
    %max3A_255 = arith.constant 9.99999993E-9 : f32
    %max3A_256 = vector.broadcast %max3A_255 : f32 to vector<1000x16xf32>
    %max3A_257 = arith.maximumf %add3A_254, %max3A_256 : vector<1000x16xf32>
    %reduce_sum3A_258 = arith.constant dense<0.000000e+00> : vector<1000xf32>
    %reduce_sum3A_259 = vector.multi_reduction <add>, %max3A_257, %reduce_sum3A_258 [1] : vector<1000x16xf32> to vector<1000xf32>
    %broadcast_in_dim3A_260 = vector.shape_cast %reduce_sum3A_259 : vector<1000xf32> to vector<1000x1xf32>
    %div3A_261 = arith.constant 1.600000e+01 : f32
    %div3A_262 = vector.broadcast %div3A_261 : f32 to vector<1000x1xf32>
    %div3A_263 = arith.divf %broadcast_in_dim3A_260, %div3A_262 : vector<1000x1xf32>
    %rsqrt3A_264 = math.rsqrt %div3A_263 : vector<1000x1xf32>
    %mul3A_265 = vector.broadcast %rsqrt3A_264 : vector<1000x1xf32> to vector<1000x16xf32>
    %mul3A_266 = arith.mulf %add3A_247, %mul3A_265 : vector<1000x16xf32>
    %mul3A_267 = vector.broadcast %rsqrt3A_264 : vector<1000x1xf32> to vector<1000x16xf32>
    %mul3A_268 = arith.mulf %add3A_248, %mul3A_267 : vector<1000x16xf32>
    %mul3A_269 = vector.broadcast %rsqrt3A_264 : vector<1000x1xf32> to vector<1000x16xf32>
    %mul3A_270 = arith.mulf %add3A_249, %mul3A_269 : vector<1000x16xf32>
    %broadcast_in_dim3A_271 = arith.constant 0.000000e+00 : f32
    %broadcast_in_dim3A_272 = vector.broadcast %broadcast_in_dim3A_271 : f32 to vector<1000x12xf32>
    %concatenate3A = tpu.concatenate %add3A_246, %mul3A_266, %mul3A_268, %mul3A_270, %broadcast_in_dim3A_272 in 1 : vector<1000x100xf32>, vector<1000x16xf32>, vector<1000x16xf32>, vector<1000x16xf32>, vector<1000x12xf32> -> vector<1000x160xf32>
    %swap3A = arith.constant 0 : index
    %swap3A_273 = arith.constant 0 : index
    %swap3A_274 = vector.load %arg18[%swap3A, %swap3A_273] : memref<1000x160xf32, #tpu.memory_space<vmem>>, vector<1000x160xf32>
    tpu.vector_store %arg18[%swap3A, %swap3A_273], %concatenate3A {strides = array<i32>} : memref<1000x160xf32, #tpu.memory_space<vmem>>, vector<1000x160xf32>,
    return
  }
  func.func @transform_0(%arg0: i32) -> (i32, i32) {
    %c0_i32 = arith.constant 0 : i32
    %c0_i32_0 = arith.constant 0 : i32
    return %arg0, %c0_i32 : i32, i32
  }
  func.func @transform_1(%arg0: i32) -> (i32, i32) {
    %c0_i32 = arith.constant 0 : i32
    %c0_i32_0 = arith.constant 0 : i32
    return %arg0, %c0_i32 : i32, i32
  }
  func.func @transform_2(%arg0: i32) -> (i32, i32) {
    %c0_i32 = arith.constant 0 : i32
    %c0_i32_0 = arith.constant 0 : i32
    return %arg0, %c0_i32 : i32, i32
  }
  func.func @transform_3(%arg0: i32) -> (i32, i32) {
    %c0_i32 = arith.constant 0 : i32
    %c0_i32_0 = arith.constant 0 : i32
    %c0_i32_1 = arith.constant 0 : i32
    return %c0_i32, %c0_i32_0 : i32, i32
  }
  func.func @transform_4(%arg0: i32) -> (i32, i32) {
    %c0_i32 = arith.constant 0 : i32
    %c0_i32_0 = arith.constant 0 : i32
    %c0_i32_1 = arith.constant 0 : i32
    return %c0_i32, %c0_i32_0 : i32, i32
  }
  func.func @transform_5(%arg0: i32) -> (i32, i32) {
    %c0_i32 = arith.constant 0 : i32
    %c0_i32_0 = arith.constant 0 : i32
    %c0_i32_1 = arith.constant 0 : i32
    return %c0_i32, %c0_i32_0 : i32, i32
  }
  func.func @transform_6(%arg0: i32) -> (i32, i32) {
    %c0_i32 = arith.constant 0 : i32
    %c0_i32_0 = arith.constant 0 : i32
    %c0_i32_1 = arith.constant 0 : i32
    return %c0_i32, %c0_i32_0 : i32, i32
  }
  func.func @transform_7(%arg0: i32) -> (i32, i32) {
    %c0_i32 = arith.constant 0 : i32
    %c0_i32_0 = arith.constant 0 : i32
    %c0_i32_1 = arith.constant 0 : i32
    return %c0_i32, %c0_i32_0 : i32, i32
  }
  func.func @transform_8(%arg0: i32) -> (i32, i32) {
    %c0_i32 = arith.constant 0 : i32
    %c0_i32_0 = arith.constant 0 : i32
    %c0_i32_1 = arith.constant 0 : i32
    return %c0_i32, %c0_i32_0 : i32, i32
  }
  func.func @transform_9(%arg0: i32) -> (i32, i32) {
    %c0_i32 = arith.constant 0 : i32
    %c0_i32_0 = arith.constant 0 : i32
    %c0_i32_1 = arith.constant 0 : i32
    return %c0_i32, %c0_i32_0 : i32, i32
  }
  func.func @transform_10(%arg0: i32) -> (i32, i32) {
    %c0_i32 = arith.constant 0 : i32
    %c0_i32_0 = arith.constant 0 : i32
    %c0_i32_1 = arith.constant 0 : i32
    return %c0_i32, %c0_i32_0 : i32, i32
  }
  func.func @transform_11(%arg0: i32) -> (i32, i32) {
    %c0_i32 = arith.constant 0 : i32
    %c0_i32_0 = arith.constant 0 : i32
    %c0_i32_1 = arith.constant 0 : i32
    return %c0_i32, %c0_i32_0 : i32, i32
  }
  func.func @transform_12(%arg0: i32) -> (i32, i32) {
    %c0_i32 = arith.constant 0 : i32
    %c0_i32_0 = arith.constant 0 : i32
    %c0_i32_1 = arith.constant 0 : i32
    return %c0_i32, %c0_i32_0 : i32, i32
  }
  func.func @transform_13(%arg0: i32) -> (i32, i32) {
    %c0_i32 = arith.constant 0 : i32
    %c0_i32_0 = arith.constant 0 : i32
    %c0_i32_1 = arith.constant 0 : i32
    return %c0_i32, %c0_i32_0 : i32, i32
  }
  func.func @transform_14(%arg0: i32) -> (i32, i32) {
    %c0_i32 = arith.constant 0 : i32
    %c0_i32_0 = arith.constant 0 : i32
    %c0_i32_1 = arith.constant 0 : i32
    return %c0_i32, %c0_i32_0 : i32, i32
  }
  func.func @transform_15(%arg0: i32) -> (i32, i32) {
    %c0_i32 = arith.constant 0 : i32
    %c0_i32_0 = arith.constant 0 : i32
    %c0_i32_1 = arith.constant 0 : i32
    return %c0_i32, %c0_i32_0 : i32, i32
  }
  func.func @transform_16(%arg0: i32) -> (i32, i32) {
    %c0_i32 = arith.constant 0 : i32
    %c0_i32_0 = arith.constant 0 : i32
    %c0_i32_1 = arith.constant 0 : i32
    return %c0_i32, %c0_i32_0 : i32, i32
  }
  func.func @transform_17(%arg0: i32) -> (i32, i32) {
    %c0_i32 = arith.constant 0 : i32
    %c0_i32_0 = arith.constant 0 : i32
    return %arg0, %c0_i32 : i32, i32
  }
}

module attributes {stable_mosaic.version = 14 : i64} {
  func.func @_final_body(%arg0: i32, %arg1: memref<1000x160xf32, #tpu.memory_space<vmem>>, %arg2: memref<100x20xf32, #tpu.memory_space<vmem>>, %arg3: memref<16x20xf32, #tpu.memory_space<vmem>>, %arg4: memref<16x20xf32, #tpu.memory_space<vmem>>, %arg5: memref<16x20xf32, #tpu.memory_space<vmem>>, %arg6: memref<1x20xf32, #tpu.memory_space<vmem>>, %arg7: memref<1000x20xf32, #tpu.memory_space<vmem>>) attributes {dimension_semantics = [#tpu.dimension_semantics<arbitrary>], iteration_bounds = array<i64: 10>, scalar_prefetch = 0 : i64, scratch_operands = 0 : i64, tpu.core_type = #tpu.core_type<tc>, window_params = [{transform_indices = @transform_0, window_bounds = array<i64: 1000, 160>}, {pipeline_mode = #tpu.pipeline_mode<synchronous>, transform_indices = @transform_1, window_bounds = array<i64: 100, 20>}, {pipeline_mode = #tpu.pipeline_mode<synchronous>, transform_indices = @transform_2, window_bounds = array<i64: 16, 20>}, {pipeline_mode = #tpu.pipeline_mode<synchronous>, transform_indices = @transform_3, window_bounds = array<i64: 16, 20>}, {pipeline_mode = #tpu.pipeline_mode<synchronous>, transform_indices = @transform_4, window_bounds = array<i64: 16, 20>}, {pipeline_mode = #tpu.pipeline_mode<synchronous>, transform_indices = @transform_5, window_bounds = array<i64: 1, 20>}, {transform_indices = @transform_6, window_bounds = array<i64: 1000, 20>}]} {
    %get3A = arith.constant 0 : index
    %get3A_0 = arith.constant 0 : index
    %get3A_1 = vector.load %arg1[%get3A, %get3A_0] : memref<1000x160xf32, #tpu.memory_space<vmem>>, vector<1000x100xf32>
    %get3A_2 = arith.constant 0 : index
    %get3A_3 = arith.constant 0 : index
    %get3A_4 = vector.load %arg2[%get3A_2, %get3A_3] : memref<100x20xf32, #tpu.memory_space<vmem>>, vector<100x20xf32>
    %dot_general3A = arith.constant dense<0.000000e+00> : vector<1000x20xf32>
    %dot_general3A_5 = tpu.matmul %get3A_1, %get3A_4, %dot_general3A {dimension_numbers = #tpu.dot_dimension_numbers<[1], [0], [0], [1], [0, 0, 1, 1], [], []>, transpose_lhs_hint = false} : vector<1000x100xf32>, vector<100x20xf32>, vector<1000x20xf32> -> vector<1000x20xf32>
    %get3A_6 = arith.constant 0 : index
    %get3A_7 = arith.constant 100 : index
    %get3A_8 = vector.load %arg1[%get3A_6, %get3A_7] : memref<1000x160xf32, #tpu.memory_space<vmem>>, vector<1000x16xf32>
    %get3A_9 = arith.constant 0 : index
    %get3A_10 = arith.constant 0 : index
    %get3A_11 = vector.load %arg3[%get3A_9, %get3A_10] : memref<16x20xf32, #tpu.memory_space<vmem>>, vector<16x20xf32>
    %dot_general3A_12 = arith.constant dense<0.000000e+00> : vector<1000x20xf32>
    %dot_general3A_13 = tpu.matmul %get3A_8, %get3A_11, %dot_general3A_12 {dimension_numbers = #tpu.dot_dimension_numbers<[1], [0], [0], [1], [0, 0, 1, 1], [], []>, transpose_lhs_hint = false} : vector<1000x16xf32>, vector<16x20xf32>, vector<1000x20xf32> -> vector<1000x20xf32>
    %add3A = arith.addf %dot_general3A_5, %dot_general3A_13 : vector<1000x20xf32>
    %get3A_14 = arith.constant 0 : index
    %get3A_15 = arith.constant 116 : index
    %get3A_16 = vector.load %arg1[%get3A_14, %get3A_15] : memref<1000x160xf32, #tpu.memory_space<vmem>>, vector<1000x16xf32>
    %get3A_17 = arith.constant 0 : index
    %get3A_18 = arith.constant 0 : index
    %get3A_19 = vector.load %arg4[%get3A_17, %get3A_18] : memref<16x20xf32, #tpu.memory_space<vmem>>, vector<16x20xf32>
    %dot_general3A_20 = arith.constant dense<0.000000e+00> : vector<1000x20xf32>
    %dot_general3A_21 = tpu.matmul %get3A_16, %get3A_19, %dot_general3A_20 {dimension_numbers = #tpu.dot_dimension_numbers<[1], [0], [0], [1], [0, 0, 1, 1], [], []>, transpose_lhs_hint = false} : vector<1000x16xf32>, vector<16x20xf32>, vector<1000x20xf32> -> vector<1000x20xf32>
    %add3A_22 = arith.addf %add3A, %dot_general3A_21 : vector<1000x20xf32>
    %get3A_23 = arith.constant 0 : index
    %get3A_24 = arith.constant 132 : index
    %get3A_25 = vector.load %arg1[%get3A_23, %get3A_24] : memref<1000x160xf32, #tpu.memory_space<vmem>>, vector<1000x16xf32>
    %get3A_26 = arith.constant 0 : index
    %get3A_27 = arith.constant 0 : index
    %get3A_28 = vector.load %arg5[%get3A_26, %get3A_27] : memref<16x20xf32, #tpu.memory_space<vmem>>, vector<16x20xf32>
    %dot_general3A_29 = arith.constant dense<0.000000e+00> : vector<1000x20xf32>
    %dot_general3A_30 = tpu.matmul %get3A_25, %get3A_28, %dot_general3A_29 {dimension_numbers = #tpu.dot_dimension_numbers<[1], [0], [0], [1], [0, 0, 1, 1], [], []>, transpose_lhs_hint = false} : vector<1000x16xf32>, vector<16x20xf32>, vector<1000x20xf32> -> vector<1000x20xf32>
    %add3A_31 = arith.addf %add3A_22, %dot_general3A_30 : vector<1000x20xf32>
    %get3A_32 = arith.constant 0 : index
    %get3A_33 = arith.constant 0 : index
    %get3A_34 = vector.load %arg6[%get3A_32, %get3A_33] : memref<1x20xf32, #tpu.memory_space<vmem>>, vector<1x20xf32>
    %add3A_35 = vector.broadcast %get3A_34 : vector<1x20xf32> to vector<1000x20xf32>
    %add3A_36 = arith.addf %add3A_31, %add3A_35 : vector<1000x20xf32>
    %swap3A = arith.constant 0 : index
    %swap3A_37 = arith.constant 0 : index
    %swap3A_38 = vector.load %arg7[%swap3A, %swap3A_37] : memref<1000x20xf32, #tpu.memory_space<vmem>>, vector<1000x20xf32>
    tpu.vector_store %arg7[%swap3A, %swap3A_37], %add3A_36 {strides = array<i32>} : memref<1000x20xf32, #tpu.memory_space<vmem>>, vector<1000x20xf32>,
    return
  }
  func.func @transform_0(%arg0: i32) -> (i32, i32) {
    %c0_i32 = arith.constant 0 : i32
    %c0_i32_0 = arith.constant 0 : i32
    return %arg0, %c0_i32 : i32, i32
  }
  func.func @transform_1(%arg0: i32) -> (i32, i32) {
    %c0_i32 = arith.constant 0 : i32
    %c0_i32_0 = arith.constant 0 : i32
    %c0_i32_1 = arith.constant 0 : i32
    return %c0_i32, %c0_i32_0 : i32, i32
  }
  func.func @transform_2(%arg0: i32) -> (i32, i32) {
    %c0_i32 = arith.constant 0 : i32
    %c0_i32_0 = arith.constant 0 : i32
    %c0_i32_1 = arith.constant 0 : i32
    return %c0_i32, %c0_i32_0 : i32, i32
  }
  func.func @transform_3(%arg0: i32) -> (i32, i32) {
    %c0_i32 = arith.constant 0 : i32
    %c0_i32_0 = arith.constant 0 : i32
    %c0_i32_1 = arith.constant 0 : i32
    return %c0_i32, %c0_i32_0 : i32, i32
  }
  func.func @transform_4(%arg0: i32) -> (i32, i32) {
    %c0_i32 = arith.constant 0 : i32
    %c0_i32_0 = arith.constant 0 : i32
    %c0_i32_1 = arith.constant 0 : i32
    return %c0_i32, %c0_i32_0 : i32, i32
  }
  func.func @transform_5(%arg0: i32) -> (i32, i32) {
    %c0_i32 = arith.constant 0 : i32
    %c0_i32_0 = arith.constant 0 : i32
    %c0_i32_1 = arith.constant 0 : i32
    return %c0_i32, %c0_i32_0 : i32, i32
  }
  func.func @transform_6(%arg0: i32) -> (i32, i32) {
    %c0_i32 = arith.constant 0 : i32
    %c0_i32_0 = arith.constant 0 : i32
    return %arg0, %c0_i32 : i32, i32
  }
}

</mosaic_0001>

<sc_bundles>
// kernel: kernel.17.cloned.1.call-start
scs
__scs_entry_jumppad:
0x0: {  	(pc) =	sbr.rel $0x88, $3  }
0x1: {  	(tag) =	ssettag $0x0;
	lr =	simm.s32 $0x1  }
0x2: {  	[smem:$0x3F46] =	sst lr;
	_ =	strace $0xD0000000  }
0x3: {  	_ = 	snop  }
0x4: {  	_ = 	snop  }
0x5: {  	_ = 	snop  }
0x6: {  	_ = 	snop  }
0x7: {  	_ = 	snop  }
__scs_overlays_trampoline_lowered:
0x8: {  	[smem:$0x3F55] =	sst s0  }
0x9: {  	[smem:$0x3F56] =	sst s1  }
0xa: {  	[smem:$0x3F57] =	sst s2  }
0xb: {  	[smem:$0x3F58] =	sst s3  }
0xc: {  	[smem:$0x3F59] =	sst s4  }
0xd: {  	[smem:$0x3F5A] =	sst s5  }
0xe: {  	[smem:$0x3F5B] =	sst s6  }
0xf: {  	[smem:$0x3F5C] =	sst s7  }
0x10: {  	[smem:$0x3F5D] =	sst s8  }
0x11: {  	[smem:$0x3F5E] =	sst s9;
	s0 =	simm.s32 @!p0 $0x0  }
0x12: {  	s1 =	sld [smem:$0x3F44];
	s0 =	simm.s32 @p0 $0x1  }
0x13: {  	[smem:$0x3F5F] =	sst s0;
	s0 =	simm.s32 @!p1 $0x0  }
0x14: {  	s2 =	sld [smem:$0x3F43];
	s0 =	simm.s32 @p1 $0x1  }
0x15: {  	[smem:$0x3F60] =	sst s0;
	s0 =	simm.s32 @!p2 $0x0  }
0x16: {  	s3 =	sld [smem:$0x3FDB];
	s0 =	simm.s32 @p2 $0x1  }
0x17: {  	s4 =	simm.s32 $0x1BF5;
	[smem:$0x3F62] =	sst s0  }
0x18: {  	s0 =	sld [smem:$0x3F45];
	_ =	swait.ge [sflag:s4], $0x0  }
0x19: {  	s7 =	sld [smem:$0x3F46]  }
0x1a: {  	s8 =	sadd.s32 $0xFFFFE003, lr  }
0x1b: {  	s9 =	sadd.s32 $0xFFFFFEF7, lr;
	s5 =	simm.s32 $0xFFFFFFFF;
	p2 =	slt.u32 s8, $0xFFFFF086  }
0x1c: {  	p1 =	slt.u32 s9, $0xF7A;
	s5 =	simm.s32 @!p2 $0x0  }
0x1d: {  	s5 =	simm.s32 @p1 $0x1;
	p0 =	seq.s32 s7, s2  }
0x1e: {  	s7 =	smul.u32 @!p0 $0xF7A, s2;
	p2 =	seq.s32 @!p0 s5, $0x0  }
0x1f: {  	s9 =	smul.u32 $0xF7A, s1;
	s8 =	simm.s32 @!p0 $0x1BF5;
	p2 =	por !p2, p0  }
0x20: {  	[sflag:s8] =	ssyncset.s32 @!p0 $0xFFFFF086;
	s6 =	sadd.s32 @!p0 s3, s7;
	s7 =	simm.s32 @!p0 $0x108  }
0x21: {  	s3 =	sadd.s32 s3, s9;
	s6 =	sadd.s32 @!p0 $0x88, s6;
	s7 =	simm.s32 @p2 $0x1082  }
0x22: {  	[simem:s7], [sflag:s8] =	dma.local @!p0 [hbm:s6], $0xF7A  }
0x23: {  	s9 =	sor.u32 $0xD0000000, s2;
	s6 =	simm.s32 $0x108;
	_ =	swait.ge @!p0 [sflag:s8], $0x0  }
0x24: {  	s3 =	sadd.s32 $0x88, s3;
	s6 =	simm.s32 @!p1 $0x1082;
	[sflag:s4] =	ssyncset.s32 $0xFFFFF086  }
0x25: {  	[simem:s6], [sflag:s4] =	dma.local [hbm:s3], $0xF7A  }
0x26: {  	[smem:$0x3F46] =	sst s1;
	(tag) =	ssettag s2;
	_ =	strace s9  }
0x27: {  	s1 =	sld [smem:$0x3F56]  }
0x28: {  	s2 =	sld [smem:$0x3F57]  }
0x29: {  	s4 =	sld [smem:$0x3F59]  }
0x2a: {  	p0 =	seq.s32 s5, $0x0;
	s5 =	sld [smem:$0x3F5A]  }
0x2b: {  	s6 =	sld [smem:$0x3F5B]  }
0x2c: {  	s7 =	sld [smem:$0x3F5C]  }
0x2d: {  	s3 =	simm.s32 $0x108;
	s8 =	sld [smem:$0x3F5D]  }
0x2e: {  	s3 =	simm.s32 @!p0 $0x1082;
	s9 =	sld [smem:$0x3F5E]  }
0x2f: {  	lr =	sadd.s32 s0, s3;
	s0 =	sld [smem:$0x3F55]  }
0x30: {  	s3 =	sld [smem:$0x3F58]  }
0x31: {  	[smem:$0x3F61] =	sst s10  }
0x32: {  	s10 =	sld [smem:$0x3F5F];
	_ =	sdelay $0x3  }
0x33: {  	p0 =	seq.s32 s10, $0x1;
	s10 =	sld [smem:$0x3F61];
	_ =	sdelay $0x3  }
0x34: {  	[smem:$0x3F61] =	sst s10  }
0x35: {  	s10 =	sld [smem:$0x3F60];
	_ =	sdelay $0x3  }
0x36: {  	p1 =	seq.s32 s10, $0x1;
	s10 =	sld [smem:$0x3F61];
	_ =	sdelay $0x3  }
0x37: {  	[smem:$0x3F61] =	sst s10  }
0x38: {  	s10 =	sld [smem:$0x3F62]  }
0x39: {  	_ = 	snop;
	(pc) =	sbr.ind lr, $3  }
0x3a: {  	_ = 	snop  }
0x3b: {  	_ = 	snop  }
0x3c: {  	p2 =	seq.s32 s10, $0x1;
	s10 =	sld [smem:$0x3F61]  }
0x3d: {  	_ =	shalt  }
0x3e: {  	_ =	shalt  }
0x3f: {  	_ =	shalt  }
0x40: {  	_ =	shalt  }
0x41: {  	_ =	shalt  }
0x42: {  	_ =	shalt  }
0x43: {  	_ =	shalt  }
0x44: {  	_ =	shalt  }
0x45: {  	_ =	shalt  }
0x46: {  	_ =	shalt  }
0x47: {  	_ =	shalt  }
0x48: {  	_ =	shalt  }
0x49: {  	_ =	shalt  }
0x4a: {  	_ =	shalt  }
0x4b: {  	_ =	shalt  }
0x4c: {  	_ =	shalt  }
0x4d: {  	_ =	shalt  }
0x4e: {  	_ =	shalt  }
0x4f: {  	_ =	shalt  }
0x50: {  	_ =	shalt  }
0x51: {  	_ =	shalt  }
0x52: {  	_ =	shalt  }
0x53: {  	_ =	shalt  }
0x54: {  	_ =	shalt  }
0x55: {  	_ =	shalt  }
0x56: {  	_ =	shalt  }
0x57: {  	_ =	shalt  }
0x58: {  	_ =	shalt  }
0x59: {  	_ =	shalt  }
0x5a: {  	_ =	shalt  }
0x5b: {  	_ =	shalt  }
0x5c: {  	_ =	shalt  }
0x5d: {  	_ =	shalt  }
0x5e: {  	_ =	shalt  }
0x5f: {  	_ =	shalt  }
0x60: {  	_ =	shalt  }
0x61: {  	_ =	shalt  }
0x62: {  	_ =	shalt  }
0x63: {  	_ =	shalt  }
0x64: {  	_ =	shalt  }
0x65: {  	_ =	shalt  }
0x66: {  	_ =	shalt  }
0x67: {  	_ =	shalt  }
0x68: {  	_ =	shalt  }
0x69: {  	_ =	shalt  }
0x6a: {  	_ =	shalt  }
0x6b: {  	_ =	shalt  }
0x6c: {  	_ =	shalt  }
0x6d: {  	_ =	shalt  }
0x6e: {  	_ =	shalt  }
0x6f: {  	_ =	shalt  }
0x70: {  	_ =	shalt  }
0x71: {  	_ =	shalt  }
0x72: {  	_ =	shalt  }
0x73: {  	_ =	shalt  }
0x74: {  	_ =	shalt  }
0x75: {  	_ =	shalt  }
0x76: {  	_ =	shalt  }
0x77: {  	_ =	shalt  }
0x78: {  	_ =	shalt  }
0x79: {  	_ =	shalt  }
0x7a: {  	_ =	shalt  }
0x7b: {  	_ =	shalt  }
0x7c: {  	_ =	shalt  }
0x7d: {  	_ =	shalt  }
0x7e: {  	_ =	shalt  }
0x7f: {  	_ =	shalt  }
0x80: {  	_ =	shalt  }
0x81: {  	_ =	shalt  }
0x82: {  	_ =	shalt  }
0x83: {  	_ =	shalt  }
0x84: {  	_ =	shalt  }
0x85: {  	_ =	shalt  }
0x86: {  	_ =	shalt  }
0x87: {  	_ =	shalt  }
.Lfunc_end0:
.L_simem_size_0:
called_computation_lowered:
.L_overlay_start_0:
0x88: {  	s2 =	sld [smem:$0x3FD9]  }
0x89: {  	s3 =	sld [smem:$0x3FFE];
	_ =	sdelay $0x1  }
0x8a: {  	s1 =	srdreg.scid  }
0x8b: {  	s0 =	sand.u32 $0x1, s1  }
0x8c: {  	s14 =	sshll.u32 s0, $0xA;
	s2 =	sadd.s32 s3, s2  }
0x8d: {  	s2 =	sadd.s32 s2, s14  }
0x8e: {  	[smem:$0x3F6D] =	sst s2  }
0x8f: {  	_ = 	snop  }
0x90: {  	s2 =	sld [smem:$0x3FD0];
	_ =	sdelay $0x2  }
0x91: {  	s15 =	simm.s32 $0xA;
	s4 =	simm.s32 $0x10  }
0x92: {  	[smem:s4], [sflag:s15] =	dma.local [hbm:s2], $0x1  }
0x93: {  	_ =	swait.eq [sflag:s15], $0x1  }
0x94: {  	[sflag:s15] =	ssyncset.done $0x0  }
0x95: {  	[sflag:s15] =	ssyncadd.s32 $0xFFFFFFFF  }
0x96: {  	s16 =	sld [smem:$0x10];
	(tm) =	ssettm $0x1  }
0x97: {  	s17 =	sld [smem:$0x3FFB];
	_ =	sdelay $0x3  }
0x98: {  	_ =	strace s17  }
0x99: {  	s3 =	sld [smem:$0x3FFC];
	_ =	sdelay $0x3  }
0x9a: {  	_ =	strace s3  }
0x9b: {  	s3 =	sld [smem:$0x3FFD];
	_ =	sdelay $0x3  }
0x9c: {  	_ =	strace s3  }
0x9d: {  	_ =	strace $0x8FFFFFFF  }
0x9e: {  	s18 =	sld [smem:$0x3FDB];
	_ =	sdelay $0x1  }
0x9f: {  	s19 =	simm.s32 $_scs_section_size  }
0xa0: {  	s5 =	simm.s32 $_size__tile_overlayer_lowered;
	s6 =	simm.s32 $_tile_overlayer_lowered  }
0xa1: {  	s22 =	simm.s32 $0x1BFF;
	s21 =	sshll.u32 s6, $0x1;
	s3 =	sadd.s32 s19, s18  }
0xa2: {  	s7 =	simm.s32 $0x0;
	s20 =	sshll.u32 s5, $0x1;
	s5 =	sadd.s32 s21, s3  }
0xa3: {  	[timem:s7], [sflag:s22] =	dma.local [hbm:s5], s20  }
0xa4: {  	_ =	swait.ge [sflag:s22], s20  }
0xa5: {  	s4 =	ssub.s32 $0x0, s20;
	[sflag:s22] =	ssyncset.done $0x0  }
0xa6: {  	[sflag:s22] =	ssyncadd.s32 s4;
	_ =	sdelay $0x1  }
0xa7: {  	s23 =	simm.s32 $0x1B8B  }
0xa8: {  	_ =	swait.ge [sflag:s23], $0x1  }
0xa9: {  	[sflag:s23] =	ssyncset.done $0x0  }
0xaa: {  	s25 =	simm.s32 $0x1B8E;
	s24 =	sld [smem:$0x3FFE];
	[sflag:s23] =	ssyncadd.s32 $0xFFFFFFFF  }
0xab: {  	s26 =	simm.s32 $execute0_lowered;
	[smem:$0x3FD2] =	sst s25  }
0xac: {  	s5 =	sshll.u32 s26, $0x1;
	_ =	strace $0x80000046;
	[dreg:$0x1] =	wrdreg $0xFFFFFFFF  }
0xad: {  	s28 =	simm.s32 $_size_execute0_lowered;
	s3 =	sadd.s32 s3, s5;
	[dreg:$0x0] =	wrdreg $0x0  }
0xae: {  	s5 =	sshll.u32 s28, $0x1;
	[dreg:$0x2] =	wrdreg s3  }
0xaf: {  	[dreg:$0x3] =	wrdreg s5  }
0xb0: {  	[dreg:$0x4] =	wrdreg $0xC0  }
0xb1: {  	_ =	task [dreg:s7], $0x5FFFF  }
0xb2: {  	[dreg:$0x1] =	wrdreg $0xFFFFFFFF  }
0xb3: {  	[dreg:$0x0] =	wrdreg $0x60  }
0xb4: {  	[dreg:$0x2] =	wrdreg s24  }
0xb5: {  	[dreg:$0x3] =	wrdreg s16  }
0xb6: {  	[dreg:$0x4] =	wrdreg $0x9  }
0xb7: {  	_ =	task.clear_ibuf [dreg:s7], $0x5FFFF;
	_ =	strace $0x90000046  }
0xb8: {  	s29 =	simm.s32 $0x9;
	_ =	strace $0x80000048  }
0xb9: {  	_ =	swait.ge [sflag:s29], $0x1  }
0xba: {  	[sflag:s29] =	ssyncadd.s32 $0xFFFFFFFF  }
0xbb: {  	_ =	strace $0x90000048  }
0xbc: {  	_ =	sfence  }
0xbd: {  	s30 =	sld [smem:$0x0];
	_ =	sdelay $0x2  }
0xbe: {  	s31 =	sshll.u32 s1, $0xD;
	s1 =	sshrl.u32 s1, $0x2  }
0xbf: {  	s3 =	sand.u32 $0x4000, s31;
	s1 =	sadd.s32 s1, s30  }
0xc0: {  	s0 =	sor.u32 s3, s0;
	s1 =	sshll.u32 s1, $0x11  }
0xc1: {  	s0 =	sor.u32 s1, s0  }
0xc2: {  	s0 =	sadd.s32 $0x8F2B, s0  }
0xc3: {  	[sflag:s0] =	ssyncadd.remote.s32 $0x1  }
0xc4: {  	_ =	sfence.sel $0xFFFF  }
0xc5: {  	[dreg:$0x0] =	wrdreg $0xFFFFFFFF;
	(pc) =	sbr.abs _section_cstart, $3  }
0xc6: {  	[dreg:$0x1] =	wrdreg $0xFFFFFFFF  }
0xc7: {  	_ =	task.clear_ibuf [dreg:s7], $0x2FFFF;
	_ =	strace $0x9FFFFFFF  }
0xc8: {  	(tm) =	ssettm $0x7FFFFFFF  }
0xc9: {  	_ =	shalt  }
tec
execute0_lowered:
.L_overlay_start_1:
0x0: {  	(tag) =	ssettag $0x1  }
0x1: {  	s4 =	rddreg [dreg:$0x0]  }
0x2: {  	s7 =	rddreg [dreg:$0x1]  }
0x3: {  	s0 =	rddreg [dreg:$0x2];
	s3 =	srdreg.scid  }
0x4: {  	s1 =	stileid.u32;
	s2 =	simm.s32 $0x0;
	s12 =	simm.s32 $0x32A0  }
0x5: {  	s13 =	simm.s32 $0x1;
	s14 =	simm.s32 $0x2;
	s6 =	smul.u32 $0x4E20, s1  }
0x6: {  	s15 =	simm.s32 $0x0;
	s5 =	sand.u32 $0x1, s3;
	s9 =	smul.u32 $0x61A80, s1  }
0x7: {  	[smem:$0x7FF] =	sst s2;
	s3 =	sadd.s32 $0x6F200, s4;
	s8 =	smul.u32 $0x2710, s5  }
0x8: {  	_ =	strace $0x80000047;
	s28 =	ssub.s32 $0x2, s5;
	s5 =	smul.u32 $0x30D40, s5  }
0x9: {  	s29 =	sadd.s32 s9, s4;
	s30 =	sshrl.u32 s28, $0x1;
	s6 =	sadd.s32 s8, s6  }
0xa: {  	s9 =	simm.s32 $0x3;
	s31 =	ssub.s32 s28, s30;
	s10 =	sshrl.u32 s6, $0x3  }
0xb: {  	s6 =	sadd.s32 s5, s29;
	s11 =	sadd.s32 s10, s4;
	s4 =	smax.u32 s31, $0x1  }
0xc: {  	s5 =	sadd.s32 $0x6BA800, s6;
	s6 =	sadd.s32 $0xA0000, s6;
	s7 =	sadd.s32 s10, s7  }
0xd: {  	s10 =	simm.s32 $0x50;
	s8 =	sadd.s32 $0x17200, s11;
	s11 =	simm.s32 $0xA0  }
.LBB2_1:
0xe: {  	s16 =	sadd.s32 $0x0, s8  }
0xf: {  	[tilespmem:s2], [sflag:$0x3] =	stream.linear.gather [hbm4b:s16+s2], $0x50, $0x38;
	[tilespmem:$0x64A0] =	vst v63  }
0x10: {  	_ =	swait.ge [sflag:s9], $0x50  }
0x11: {  	[sflag:s9] =	ssyncset.done $0x0  }
0x12: {  	s31 =	sadd.s32 $0x0, s7;
	[sflag:s9] =	ssyncadd.s32 $0xFFFFFFB0  }
0x13: {  	[tilespmem:s10], [sflag:$0x3] =	stream.linear.gather [hbm4b:s31+s2], $0x50, $0x38;
	[tilespmem:$0x64A0] =	vst v63  }
0x14: {  	_ =	swait.ge [sflag:s9], $0x50  }
0x15: {  	[sflag:s9] =	ssyncset.done $0x0  }
0x16: {  	[sflag:s9] =	ssyncadd.s32 $0xFFFFFFB0  }
0x17: {  	[tilespmem:s11], [sflag:$0x1] =	stream.indirect.gather [hbm4b:s3+s10], $0xA0, s2, s10, $0xb8;
	[tilespmem:$0x64A0] =	vst v63  }
0x18: {  	_ = 	snop  }
0x19: {  	[tilespmem:s12], [sflag:$0x2] =	stream.indirect.gather [hbm4b:s3+s10], $0xA0, s10, s10, $0xb8;
	[tilespmem:$0x64A0] =	vst v63  }
0x1a: {  	_ =	swait.ge [sflag:s13], $0x3200  }
0x1b: {  	[sflag:s13] =	ssyncset.done $0x0  }
0x1c: {  	[sflag:s13] =	ssyncadd.s32 $0xFFFFCE00  }
0x1d: {  	[hbm4b:s5+s2] =	stream.linear.scatter [tilespmem:s11], [sflag:$0x3], $0x3200, $0x38;
	[tilespmem:$0x64A0] =	vst v63  }
0x1e: {  	_ =	swait.ge [sflag:s9], $0x3200  }
0x1f: {  	[sflag:s9] =	ssyncset.done $0x0  }
0x20: {  	[sflag:s9] =	ssyncadd.s32 $0xFFFFCE00  }
0x21: {  	_ =	swait.ge [sflag:s14], $0x3200  }
0x22: {  	[sflag:s14] =	ssyncset.done $0x0  }
0x23: {  	[sflag:s14] =	ssyncadd.s32 $0xFFFFCE00  }
0x24: {  	[hbm4b:s6+s2] =	stream.linear.scatter [tilespmem:s12], [sflag:$0x3], $0x3200, $0x38;
	[tilespmem:$0x64A0] =	vst v63  }
0x25: {  	s18 =	simm.s32 $0xA;
	s19 =	simm.s32 $0x14;
	_ =	swait.ge [sflag:s9], $0x3200  }
0x26: {  	s17 =	sadd.s32 $0x640, s5;
	s16 =	sadd.s32 $0x640, s6;
	[sflag:s9] =	ssyncset.done $0x0  }
.LBB2_2:
0x27: {  	s20 =	sadd.s32 s18, s8  }
0x28: {  	[sflag:s9] =	ssyncadd.s32 $0xFFFFCE00;
	s21 =	smov.u32 s19;
	s22 =	sadd.s32 $0xA, s19  }
0x29: {  	[tilespmem:s2], [sflag:$0x3] =	stream.linear.gather [hbm4b:s20+s2], $0x50, $0x38;
	[tilespmem:$0x64A0] =	vst v63  }
0x2a: {  	p0 =	sne.s32 s19, $0x4D8;
	_ =	swait.ge [sflag:s9], $0x50  }
0x2b: {  	[sflag:s9] =	ssyncset.done $0x0  }
0x2c: {  	s19 =	sadd.s32 s18, s7;
	s18 =	smov.u32 s21;
	[sflag:s9] =	ssyncadd.s32 $0xFFFFFFB0  }
0x2d: {  	[tilespmem:s10], [sflag:$0x3] =	stream.linear.gather [hbm4b:s19+s2], $0x50, $0x38;
	[tilespmem:$0x64A0] =	vst v63  }
0x2e: {  	_ =	swait.ge [sflag:s9], $0x50  }
0x2f: {  	[sflag:s9] =	ssyncset.done $0x0  }
0x30: {  	[sflag:s9] =	ssyncadd.s32 $0xFFFFFFB0  }
0x31: {  	[tilespmem:s11], [sflag:$0x1] =	stream.indirect.gather [hbm4b:s3+s10], $0xA0, s2, s10, $0xb8;
	[tilespmem:$0x64A0] =	vst v63  }
0x32: {  	_ = 	snop  }
0x33: {  	[tilespmem:s12], [sflag:$0x2] =	stream.indirect.gather [hbm4b:s3+s10], $0xA0, s10, s10, $0xb8;
	[tilespmem:$0x64A0] =	vst v63  }
0x34: {  	_ =	swait.ge [sflag:s13], $0x3200  }
0x35: {  	[sflag:s13] =	ssyncset.done $0x0  }
0x36: {  	[sflag:s13] =	ssyncadd.s32 $0xFFFFCE00  }
0x37: {  	[hbm4b:s17+s2] =	stream.linear.scatter [tilespmem:s11], [sflag:$0x3], $0x3200, $0x38;
	[tilespmem:$0x64A0] =	vst v63  }
0x38: {  	_ =	swait.ge [sflag:s9], $0x3200  }
0x39: {  	[sflag:s9] =	ssyncset.done $0x0  }
0x3a: {  	[sflag:s9] =	ssyncadd.s32 $0xFFFFCE00  }
0x3b: {  	_ =	swait.ge [sflag:s14], $0x3200  }
.Ltmp0:
0x3c: {  	[sflag:s14] =	ssyncset.done $0x0;
	(pc) =	sbr.rel @p0 .LBB2_2-.Ltmp0, $4  }
0x3d: {  	[sflag:s14] =	ssyncadd.s32 $0xFFFFCE00  }
0x3e: {  	[hbm4b:s16+s2] =	stream.linear.scatter [tilespmem:s12], [sflag:$0x3], $0x3200, $0x38;
	[tilespmem:$0x64A0] =	vst v63  }
0x3f: {  	s19 =	smov.u32 s22;
	_ =	swait.ge [sflag:s9], $0x3200  }
0x40: {  	s17 =	sadd.s32 $0x640, s17;
	s16 =	sadd.s32 $0x640, s16;
	[sflag:s9] =	ssyncset.done $0x0  }
0x41: {  	s19 =	sadd.s32 s18, s8;
	[sflag:s9] =	ssyncadd.s32 $0xFFFFCE00  }
0x42: {  	[tilespmem:s2], [sflag:$0x3] =	stream.linear.gather [hbm4b:s19+s2], $0x50, $0x38;
	[tilespmem:$0x64A0] =	vst v63  }
0x43: {  	_ =	swait.ge [sflag:s9], $0x50  }
0x44: {  	[sflag:s9] =	ssyncset.done $0x0  }
0x45: {  	s31 =	sadd.s32 s18, s7;
	[sflag:s9] =	ssyncadd.s32 $0xFFFFFFB0  }
0x46: {  	[tilespmem:s10], [sflag:$0x3] =	stream.linear.gather [hbm4b:s31+s2], $0x50, $0x38;
	[tilespmem:$0x64A0] =	vst v63  }
0x47: {  	_ =	swait.ge [sflag:s9], $0x50  }
0x48: {  	[sflag:s9] =	ssyncset.done $0x0  }
0x49: {  	[sflag:s9] =	ssyncadd.s32 $0xFFFFFFB0  }
0x4a: {  	[tilespmem:s11], [sflag:$0x1] =	stream.indirect.gather [hbm4b:s3+s10], $0xA0, s2, s10, $0xb8;
	[tilespmem:$0x64A0] =	vst v63  }
0x4b: {  	_ = 	snop  }
0x4c: {  	[tilespmem:s12], [sflag:$0x2] =	stream.indirect.gather [hbm4b:s3+s10], $0xA0, s10, s10, $0xb8;
	[tilespmem:$0x64A0] =	vst v63  }
0x4d: {  	_ =	swait.ge [sflag:s13], $0x3200  }
0x4e: {  	[sflag:s13] =	ssyncset.done $0x0  }
0x4f: {  	[sflag:s13] =	ssyncadd.s32 $0xFFFFCE00  }
0x50: {  	[hbm4b:s17+s2] =	stream.linear.scatter [tilespmem:s11], [sflag:$0x3], $0x3200, $0x38;
	[tilespmem:$0x64A0] =	vst v63  }
0x51: {  	_ =	swait.ge [sflag:s9], $0x3200  }
0x52: {  	[sflag:s9] =	ssyncset.done $0x0  }
0x53: {  	[sflag:s9] =	ssyncadd.s32 $0xFFFFCE00  }
0x54: {  	s15 =	sadd.s32 $0x1, s15;
	_ =	swait.ge [sflag:s14], $0x3200  }
0x55: {  	p0 =	sne.s32 s15, s4;
	[sflag:s14] =	ssyncset.done $0x0  }
.Ltmp1:
0x56: {  	[sflag:s14] =	ssyncadd.s32 $0xFFFFCE00;
	(pc) =	sbr.rel @p0 .LBB2_1-.Ltmp1, $4  }
0x57: {  	[hbm4b:s16+s2] =	stream.linear.scatter [tilespmem:s12], [sflag:$0x3], $0x3200, $0x38;
	[tilespmem:$0x64A0] =	vst v63  }
0x58: {  	_ =	swait.ge [sflag:s9], $0x3200  }
0x59: {  	[sflag:s9] =	ssyncset.done $0x0  }
0x5a: {  	[sflag:s9] =	ssyncadd.s32 $0xFFFFCE00  }
0x5b: {  	_ =	sfence.sel $0x180000  }
0x5c: {  	[bflag:$0x0] =	sbarrier.arrive $0xFFFF  }
0x5d: {  	p0 =	sne.s32 s1, $0x0;
	_ =	strace $0x90000047  }
0x5e: {  	s0 =	sadd.s32 @!p0 $0x100000, s0;
	[bflag:$0x2] =	sbarrier.arrive $0xFFFF  }
0x5f: {  	[sflag:s0] =	ssyncadd.tile.s32 @!p0 $0x1;
	_ =	shalt  }
.Lfunc_end2:
_tile_overlayer_lowered:
.L_overlay_start_2:
0x60: {  	(tag) =	ssettag $0x2  }
0x61: {  	s0 =	rddreg [dreg:$0x0];
	s2 =	stileid.u32  }
0x62: {  	s1 =	rddreg [dreg:$0x1];
	p0 =	sne.s32 s2, $0x0  }
0x63: {  	s3 =	rddreg [dreg:$0x2];
	[bflag:$0x3] =	sbarrier.arrive $0xFFFF;
	s2 =	simm.s32 @!p0 $0x1C03  }
0x64: {  	[timem:s3], [sflag:s2] =	dma.local @!p0 [hbm:s0], s1  }
0x65: {  	s0 =	simm.s32 @!p0 $0x3  }
0x66: {  	_ =	swait.ge @!p0 [sflag:s0], s1  }
0x67: {  	s1 =	ssub.s32 @!p0 $0x0, s1;
	[sflag:s0] =	ssyncset.done @!p0 $0x0  }
0x68: {  	[sflag:s0] =	ssyncadd.s32 @!p0 s1  }
0x69: {  	[bflag:$0x3] =	sbarrier.arrive $0xFFFF  }
0x6a: {  	_ =	shalt  }

// kernel: kernel.20.cloned.1.call-start
scs
__scs_entry_jumppad:
0x0: {  	(pc) =	sbr.rel $0x88, $3  }
0x1: {  	(tag) =	ssettag $0x0;
	lr =	simm.s32 $0x1  }
0x2: {  	[smem:$0x3F46] =	sst lr;
	_ =	strace $0xD0000000  }
0x3: {  	_ = 	snop  }
0x4: {  	_ = 	snop  }
0x5: {  	_ = 	snop  }
0x6: {  	_ = 	snop  }
0x7: {  	_ = 	snop  }
__scs_overlays_trampoline_lowered:
0x8: {  	[smem:$0x3F55] =	sst s0  }
0x9: {  	[smem:$0x3F56] =	sst s1  }
0xa: {  	[smem:$0x3F57] =	sst s2  }
0xb: {  	[smem:$0x3F58] =	sst s3  }
0xc: {  	[smem:$0x3F59] =	sst s4  }
0xd: {  	[smem:$0x3F5A] =	sst s5  }
0xe: {  	[smem:$0x3F5B] =	sst s6  }
0xf: {  	[smem:$0x3F5C] =	sst s7  }
0x10: {  	[smem:$0x3F5D] =	sst s8  }
0x11: {  	[smem:$0x3F5E] =	sst s9;
	s0 =	simm.s32 @!p0 $0x0  }
0x12: {  	s1 =	sld [smem:$0x3F44];
	s0 =	simm.s32 @p0 $0x1  }
0x13: {  	[smem:$0x3F5F] =	sst s0;
	s0 =	simm.s32 @!p1 $0x0  }
0x14: {  	s2 =	sld [smem:$0x3F43];
	s0 =	simm.s32 @p1 $0x1  }
0x15: {  	[smem:$0x3F60] =	sst s0;
	s0 =	simm.s32 @!p2 $0x0  }
0x16: {  	s3 =	sld [smem:$0x3FDB];
	s0 =	simm.s32 @p2 $0x1  }
0x17: {  	s4 =	simm.s32 $0x1BF5;
	[smem:$0x3F62] =	sst s0  }
0x18: {  	s0 =	sld [smem:$0x3F45];
	_ =	swait.ge [sflag:s4], $0x0  }
0x19: {  	s7 =	sld [smem:$0x3F46]  }
0x1a: {  	s8 =	sadd.s32 $0xFFFFE003, lr  }
0x1b: {  	s9 =	sadd.s32 $0xFFFFFEF7, lr;
	s5 =	simm.s32 $0xFFFFFFFF;
	p2 =	slt.u32 s8, $0xFFFFF086  }
0x1c: {  	p1 =	slt.u32 s9, $0xF7A;
	s5 =	simm.s32 @!p2 $0x0  }
0x1d: {  	s5 =	simm.s32 @p1 $0x1;
	p0 =	seq.s32 s7, s2  }
0x1e: {  	s7 =	smul.u32 @!p0 $0xF7A, s2;
	p2 =	seq.s32 @!p0 s5, $0x0  }
0x1f: {  	s9 =	smul.u32 $0xF7A, s1;
	s8 =	simm.s32 @!p0 $0x1BF5;
	p2 =	por !p2, p0  }
0x20: {  	[sflag:s8] =	ssyncset.s32 @!p0 $0xFFFFF086;
	s6 =	sadd.s32 @!p0 s3, s7;
	s7 =	simm.s32 @!p0 $0x108  }
0x21: {  	s3 =	sadd.s32 s3, s9;
	s6 =	sadd.s32 @!p0 $0x88, s6;
	s7 =	simm.s32 @p2 $0x1082  }
0x22: {  	[simem:s7], [sflag:s8] =	dma.local @!p0 [hbm:s6], $0xF7A  }
0x23: {  	s9 =	sor.u32 $0xD0000000, s2;
	s6 =	simm.s32 $0x108;
	_ =	swait.ge @!p0 [sflag:s8], $0x0  }
0x24: {  	s3 =	sadd.s32 $0x88, s3;
	s6 =	simm.s32 @!p1 $0x1082;
	[sflag:s4] =	ssyncset.s32 $0xFFFFF086  }
0x25: {  	[simem:s6], [sflag:s4] =	dma.local [hbm:s3], $0xF7A  }
0x26: {  	[smem:$0x3F46] =	sst s1;
	(tag) =	ssettag s2;
	_ =	strace s9  }
0x27: {  	s1 =	sld [smem:$0x3F56]  }
0x28: {  	s2 =	sld [smem:$0x3F57]  }
0x29: {  	s4 =	sld [smem:$0x3F59]  }
0x2a: {  	p0 =	seq.s32 s5, $0x0;
	s5 =	sld [smem:$0x3F5A]  }
0x2b: {  	s6 =	sld [smem:$0x3F5B]  }
0x2c: {  	s7 =	sld [smem:$0x3F5C]  }
0x2d: {  	s3 =	simm.s32 $0x108;
	s8 =	sld [smem:$0x3F5D]  }
0x2e: {  	s3 =	simm.s32 @!p0 $0x1082;
	s9 =	sld [smem:$0x3F5E]  }
0x2f: {  	lr =	sadd.s32 s0, s3;
	s0 =	sld [smem:$0x3F55]  }
0x30: {  	s3 =	sld [smem:$0x3F58]  }
0x31: {  	[smem:$0x3F61] =	sst s10  }
0x32: {  	s10 =	sld [smem:$0x3F5F];
	_ =	sdelay $0x3  }
0x33: {  	p0 =	seq.s32 s10, $0x1;
	s10 =	sld [smem:$0x3F61];
	_ =	sdelay $0x3  }
0x34: {  	[smem:$0x3F61] =	sst s10  }
0x35: {  	s10 =	sld [smem:$0x3F60];
	_ =	sdelay $0x3  }
0x36: {  	p1 =	seq.s32 s10, $0x1;
	s10 =	sld [smem:$0x3F61];
	_ =	sdelay $0x3  }
0x37: {  	[smem:$0x3F61] =	sst s10  }
0x38: {  	s10 =	sld [smem:$0x3F62]  }
0x39: {  	_ = 	snop;
	(pc) =	sbr.ind lr, $3  }
0x3a: {  	_ = 	snop  }
0x3b: {  	_ = 	snop  }
0x3c: {  	p2 =	seq.s32 s10, $0x1;
	s10 =	sld [smem:$0x3F61]  }
0x3d: {  	_ =	shalt  }
0x3e: {  	_ =	shalt  }
0x3f: {  	_ =	shalt  }
0x40: {  	_ =	shalt  }
0x41: {  	_ =	shalt  }
0x42: {  	_ =	shalt  }
0x43: {  	_ =	shalt  }
0x44: {  	_ =	shalt  }
0x45: {  	_ =	shalt  }
0x46: {  	_ =	shalt  }
0x47: {  	_ =	shalt  }
0x48: {  	_ =	shalt  }
0x49: {  	_ =	shalt  }
0x4a: {  	_ =	shalt  }
0x4b: {  	_ =	shalt  }
0x4c: {  	_ =	shalt  }
0x4d: {  	_ =	shalt  }
0x4e: {  	_ =	shalt  }
0x4f: {  	_ =	shalt  }
0x50: {  	_ =	shalt  }
0x51: {  	_ =	shalt  }
0x52: {  	_ =	shalt  }
0x53: {  	_ =	shalt  }
0x54: {  	_ =	shalt  }
0x55: {  	_ =	shalt  }
0x56: {  	_ =	shalt  }
0x57: {  	_ =	shalt  }
0x58: {  	_ =	shalt  }
0x59: {  	_ =	shalt  }
0x5a: {  	_ =	shalt  }
0x5b: {  	_ =	shalt  }
0x5c: {  	_ =	shalt  }
0x5d: {  	_ =	shalt  }
0x5e: {  	_ =	shalt  }
0x5f: {  	_ =	shalt  }
0x60: {  	_ =	shalt  }
0x61: {  	_ =	shalt  }
0x62: {  	_ =	shalt  }
0x63: {  	_ =	shalt  }
0x64: {  	_ =	shalt  }
0x65: {  	_ =	shalt  }
0x66: {  	_ =	shalt  }
0x67: {  	_ =	shalt  }
0x68: {  	_ =	shalt  }
0x69: {  	_ =	shalt  }
0x6a: {  	_ =	shalt  }
0x6b: {  	_ =	shalt  }
0x6c: {  	_ =	shalt  }
0x6d: {  	_ =	shalt  }
0x6e: {  	_ =	shalt  }
0x6f: {  	_ =	shalt  }
0x70: {  	_ =	shalt  }
0x71: {  	_ =	shalt  }
0x72: {  	_ =	shalt  }
0x73: {  	_ =	shalt  }
0x74: {  	_ =	shalt  }
0x75: {  	_ =	shalt  }
0x76: {  	_ =	shalt  }
0x77: {  	_ =	shalt  }
0x78: {  	_ =	shalt  }
0x79: {  	_ =	shalt  }
0x7a: {  	_ =	shalt  }
0x7b: {  	_ =	shalt  }
0x7c: {  	_ =	shalt  }
0x7d: {  	_ =	shalt  }
0x7e: {  	_ =	shalt  }
0x7f: {  	_ =	shalt  }
0x80: {  	_ =	shalt  }
0x81: {  	_ =	shalt  }
0x82: {  	_ =	shalt  }
0x83: {  	_ =	shalt  }
0x84: {  	_ =	shalt  }
0x85: {  	_ =	shalt  }
0x86: {  	_ =	shalt  }
0x87: {  	_ =	shalt  }
.Lfunc_end0:
.L_simem_size_0:
called_computation.1_lowered:
.L_overlay_start_0:
0x88: {  	s2 =	sld [smem:$0x3FD9]  }
0x89: {  	s3 =	sld [smem:$0x3FFE];
	_ =	sdelay $0x1  }
0x8a: {  	s1 =	srdreg.scid  }
0x8b: {  	s0 =	sand.u32 $0x1, s1  }
0x8c: {  	s14 =	sshll.u32 s0, $0xA;
	s2 =	sadd.s32 s3, s2  }
0x8d: {  	s2 =	sadd.s32 s2, s14  }
0x8e: {  	[smem:$0x3F6D] =	sst s2  }
0x8f: {  	_ = 	snop  }
0x90: {  	s2 =	sld [smem:$0x3FD0];
	_ =	sdelay $0x2  }
0x91: {  	s15 =	simm.s32 $0xA;
	s4 =	simm.s32 $0x10  }
0x92: {  	[smem:s4], [sflag:s15] =	dma.local [hbm:s2], $0x1  }
0x93: {  	_ =	swait.eq [sflag:s15], $0x1  }
0x94: {  	[sflag:s15] =	ssyncset.done $0x0  }
0x95: {  	[sflag:s15] =	ssyncadd.s32 $0xFFFFFFFF  }
0x96: {  	s16 =	sld [smem:$0x10];
	(tm) =	ssettm $0x1  }
0x97: {  	s17 =	sld [smem:$0x3FFB];
	_ =	sdelay $0x3  }
0x98: {  	_ =	strace s17  }
0x99: {  	s3 =	sld [smem:$0x3FFC];
	_ =	sdelay $0x3  }
0x9a: {  	_ =	strace s3  }
0x9b: {  	s3 =	sld [smem:$0x3FFD];
	_ =	sdelay $0x3  }
0x9c: {  	_ =	strace s3  }
0x9d: {  	_ =	strace $0x8FFFFFFF  }
0x9e: {  	s18 =	sld [smem:$0x3FDB];
	_ =	sdelay $0x1  }
0x9f: {  	s19 =	simm.s32 $_scs_section_size  }
0xa0: {  	s5 =	simm.s32 $_size__tile_overlayer_lowered;
	s6 =	simm.s32 $_tile_overlayer_lowered  }
0xa1: {  	s22 =	simm.s32 $0x1BFF;
	s21 =	sshll.u32 s6, $0x1;
	s3 =	sadd.s32 s19, s18  }
0xa2: {  	s7 =	simm.s32 $0x0;
	s20 =	sshll.u32 s5, $0x1;
	s5 =	sadd.s32 s21, s3  }
0xa3: {  	[timem:s7], [sflag:s22] =	dma.local [hbm:s5], s20  }
0xa4: {  	_ =	swait.ge [sflag:s22], s20  }
0xa5: {  	s4 =	ssub.s32 $0x0, s20;
	[sflag:s22] =	ssyncset.done $0x0  }
0xa6: {  	[sflag:s22] =	ssyncadd.s32 s4;
	_ =	sdelay $0x1  }
0xa7: {  	s23 =	simm.s32 $0x1B8B  }
0xa8: {  	_ =	swait.ge [sflag:s23], $0x1  }
0xa9: {  	[sflag:s23] =	ssyncset.done $0x0  }
0xaa: {  	s25 =	simm.s32 $0x1B8E;
	s24 =	sld [smem:$0x3FFE];
	[sflag:s23] =	ssyncadd.s32 $0xFFFFFFFF  }
0xab: {  	s26 =	simm.s32 $execute0_lowered;
	[smem:$0x3FD2] =	sst s25  }
0xac: {  	s5 =	sshll.u32 s26, $0x1;
	_ =	strace $0x80000049;
	[dreg:$0x1] =	wrdreg $0xFFFFFFFF  }
0xad: {  	s28 =	simm.s32 $_size_execute0_lowered;
	s3 =	sadd.s32 s3, s5;
	[dreg:$0x0] =	wrdreg $0x0  }
0xae: {  	s5 =	sshll.u32 s28, $0x1;
	[dreg:$0x2] =	wrdreg s3  }
0xaf: {  	[dreg:$0x3] =	wrdreg s5  }
0xb0: {  	[dreg:$0x4] =	wrdreg $0xC0  }
0xb1: {  	_ =	task [dreg:s7], $0x5FFFF  }
0xb2: {  	[dreg:$0x1] =	wrdreg $0xFFFFFFFF  }
0xb3: {  	[dreg:$0x0] =	wrdreg $0x60  }
0xb4: {  	[dreg:$0x2] =	wrdreg s24  }
0xb5: {  	[dreg:$0x3] =	wrdreg s16  }
0xb6: {  	[dreg:$0x4] =	wrdreg $0x0  }
0xb7: {  	[dreg:$0x5] =	wrdreg $0x9  }
0xb8: {  	_ =	task.clear_ibuf [dreg:s7], $0x6FFFF;
	_ =	strace $0x90000049  }
0xb9: {  	s29 =	simm.s32 $0x9;
	_ =	strace $0x8000004B  }
0xba: {  	_ =	swait.ge [sflag:s29], $0x1  }
0xbb: {  	[sflag:s29] =	ssyncadd.s32 $0xFFFFFFFF  }
0xbc: {  	_ =	strace $0x9000004B  }
0xbd: {  	_ =	sfence  }
0xbe: {  	s30 =	sld [smem:$0x0];
	_ =	sdelay $0x2  }
0xbf: {  	s31 =	sshll.u32 s1, $0xD;
	s1 =	sshrl.u32 s1, $0x2  }
0xc0: {  	s3 =	sand.u32 $0x4000, s31;
	s1 =	sadd.s32 s1, s30  }
0xc1: {  	s0 =	sor.u32 s3, s0;
	s1 =	sshll.u32 s1, $0x11  }
0xc2: {  	s0 =	sor.u32 s1, s0  }
0xc3: {  	s0 =	sadd.s32 $0x8F2B, s0  }
0xc4: {  	[sflag:s0] =	ssyncadd.remote.s32 $0x1  }
0xc5: {  	_ =	sfence.sel $0xFFFF  }
0xc6: {  	[dreg:$0x0] =	wrdreg $0xFFFFFFFF;
	(pc) =	sbr.abs _section_cstart, $3  }
0xc7: {  	[dreg:$0x1] =	wrdreg $0xFFFFFFFF  }
0xc8: {  	_ =	task.clear_ibuf [dreg:s7], $0x2FFFF;
	_ =	strace $0x9FFFFFFF  }
0xc9: {  	(tm) =	ssettm $0x7FFFFFFF  }
tec
execute0_lowered:
.L_overlay_start_1:
0x0: {  	(tag) =	ssettag $0x1  }
0x1: {  	s5 =	rddreg [dreg:$0x0]  }
0x2: {  	s8 =	rddreg [dreg:$0x1]  }
0x3: {  	s0 =	stileid.u32;
	s1 =	srdreg.scid  }
0x4: {  	s2 =	rddreg [dreg:$0x2];
	s6 =	smul.u32 $0x61A80, s0  }
0x5: {  	s3 =	simm.s32 $0x0;
	s15 =	simm.s32 $0x0;
	s10 =	smul.u32 $0x186A0, s0  }
0x6: {  	s7 =	sand.u32 $0x1, s1;
	s1 =	rddreg [dreg:$0x3];
	s12 =	smul.u32 $0x4E20, s0  }
0x7: {  	[smem:$0x7FF] =	sst s3;
	s4 =	sadd.s32 $0x6F200, s5;
	s9 =	smul.u32 $0x186A00, s7  }
0x8: {  	_ =	strace $0x8000004A;
	s29 =	ssub.s32 $0x2, s7;
	s14 =	smul.u32 $0x2710, s7  }
0x9: {  	s7 =	smul.u32 $0x30D40, s7;
	s11 =	sadd.s32 s6, s5;
	s13 =	sshrl.u32 s29, $0x1  }
0xa: {  	s6 =	sshrl.u32 s6, $0x2;
	s9 =	sadd.s32 s10, s9;
	s30 =	ssub.s32 s29, s13  }
0xb: {  	s31 =	sadd.s32 s14, s12;
	s6 =	sadd.s32 s6, s2;
	s7 =	sadd.s32 s7, s11  }
0xc: {  	s11 =	simm.s32 $0x1;
	s12 =	simm.s32 $0x19640;
	s13 =	simm.s32 $0x19690  }
0xd: {  	s14 =	simm.s32 $0x50;
	s9 =	sshrl.u32 s9, $0x3;
	s10 =	sshrl.u32 s31, $0x3  }
0xe: {  	s7 =	sadd.s32 $0xA33200, s7;
	s9 =	sadd.s32 s9, s5;
	s5 =	smax.u32 s30, $0x1  }
0xf: {  	s8 =	sadd.s32 s10, s8;
	s10 =	simm.s32 $0x186A0;
	s9 =	sadd.s32 $0x6F400, s9  }
.LBB2_1:
0x10: {  	[tilespmem:s10], [sflag:$0x1] =	stream.linear.gather [hbm4b:s4+s3], $0xFA0, $0x38;
	[tilespmem:$0x1C890] =	vst v63  }
0x11: {  	_ =	swait.ge [sflag:s11], $0xFA0  }
0x12: {  	[sflag:s11] =	ssyncset.done $0x0  }
0x13: {  	s16 =	sadd.s32 $0x0, s6;
	[sflag:s11] =	ssyncadd.s32 $0xFFFFF060  }
0x14: {  	[spmem:s16] =	stream.linear.scatter [tilespmem:s10], [sflag:$0x1], $0xFA0, $0x38;
	[tilespmem:$0x1C890] =	vst v63  }
0x15: {  	s16 =	simm.s32 $0x3E80;
	_ =	swait.ge [sflag:s11], $0xFA0  }
.LBB2_2:
0x16: {  	s17 =	sshra.s32 s16, $0x2;
	[sflag:s11] =	ssyncset.done $0x0;
	p0 =	sne.s32 s16, $0x5DC00  }
.Ltmp0:
0x17: {  	s17 =	sadd.s32 s17, s6;
	[sflag:s11] =	ssyncadd.s32 $0xFFFFF060;
	(pc) =	sbr.rel @p0 .LBB2_2-.Ltmp0, $3  }
0x18: {  	[spmem:s17] =	stream.linear.scatter [tilespmem:s10], [sflag:$0x1], $0xFA0, $0x38;
	[tilespmem:$0x1C890] =	vst v63  }
0x19: {  	s16 =	sadd.s32 $0x3E80, s16;
	_ =	sdelay $0x1  }
0x1a: {  	_ =	swait.ge [sflag:s11], $0xFA0  }
0x1b: {  	[sflag:s11] =	ssyncset.done $0x0  }
0x1c: {  	[sflag:s11] =	ssyncadd.s32 $0xFFFFF060  }
0x1d: {  	s16 =	sadd.s32 $0x0, s8;
	[bflag:$0x0] =	sbarrier.arrive $0xFFFF  }
0x1e: {  	[tilespmem:s12], [sflag:$0x1] =	stream.linear.gather [hbm4b:s16+s3], $0x50, $0x38;
	[tilespmem:$0x1C890] =	vst v63  }
0x1f: {  	_ =	swait.ge [sflag:s11], $0x50  }
0x20: {  	[sflag:s11] =	ssyncset.done $0x0  }
0x21: {  	[sflag:s11] =	ssyncadd.s32 $0xFFFFFFB0  }
0x22: {  	[tilespmem:s13], [sflag:$0x1] =	stream.linear.gather [hbm4b:s7+s3], $0x3200, $0x38;
	[tilespmem:$0x1C890] =	vst v63  }
0x23: {  	_ =	swait.ge [sflag:s11], $0x3200  }
0x24: {  	[sflag:s11] =	ssyncset.done $0x0  }
0x25: {  	[sflag:s11] =	ssyncadd.s32 $0xFFFFCE00  }
0x26: {  	[spmem:s2] =	stream.indirect.scatter.add.f32 [tilespmem:s13], [sflag:$0x1], $0xA0, s12, s14, $0xb8;
	[tilespmem:$0x1C890] =	vst v63  }
0x27: {  	s17 =	simm.s32 $0xA;
	_ =	swait.ge [sflag:s11], $0x3200  }
0x28: {  	s18 =	simm.s32 $0x14;
	s16 =	sadd.s32 $0x640, s7;
	[sflag:s11] =	ssyncset.done $0x0  }
.LBB2_4:
0x29: {  	s19 =	sadd.s32 s17, s8  }
0x2a: {  	[sflag:s11] =	ssyncadd.s32 $0xFFFFCE00;
	s17 =	smov.u32 s18;
	s20 =	sadd.s32 $0xA, s18  }
0x2b: {  	[tilespmem:s12], [sflag:$0x1] =	stream.linear.gather [hbm4b:s19+s3], $0x50, $0x38;
	[tilespmem:$0x1C890] =	vst v63  }
0x2c: {  	p0 =	sne.s32 s18, $0x4D8;
	_ =	swait.ge [sflag:s11], $0x50  }
0x2d: {  	[sflag:s11] =	ssyncset.done $0x0  }
0x2e: {  	[sflag:s11] =	ssyncadd.s32 $0xFFFFFFB0  }
0x2f: {  	[tilespmem:s13], [sflag:$0x1] =	stream.linear.gather [hbm4b:s16+s3], $0x3200, $0x38;
	[tilespmem:$0x1C890] =	vst v63  }
0x30: {  	_ =	swait.ge [sflag:s11], $0x3200  }
.Ltmp1:
0x31: {  	[sflag:s11] =	ssyncset.done $0x0;
	(pc) =	sbr.rel @p0 .LBB2_4-.Ltmp1, $4  }
0x32: {  	[sflag:s11] =	ssyncadd.s32 $0xFFFFCE00  }
0x33: {  	[spmem:s2] =	stream.indirect.scatter.add.f32 [tilespmem:s13], [sflag:$0x1], $0xA0, s12, s14, $0xb8;
	[tilespmem:$0x1C890] =	vst v63  }
0x34: {  	_ =	swait.ge [sflag:s11], $0x3200  }
0x35: {  	s18 =	smov.u32 s20;
	s16 =	sadd.s32 $0x640, s16;
	[sflag:s11] =	ssyncset.done $0x0  }
0x36: {  	s17 =	sadd.s32 s17, s8;
	[sflag:s11] =	ssyncadd.s32 $0xFFFFCE00  }
0x37: {  	[tilespmem:s12], [sflag:$0x1] =	stream.linear.gather [hbm4b:s17+s3], $0x50, $0x38;
	[tilespmem:$0x1C890] =	vst v63  }
0x38: {  	_ =	swait.ge [sflag:s11], $0x50  }
0x39: {  	[sflag:s11] =	ssyncset.done $0x0  }
0x3a: {  	[sflag:s11] =	ssyncadd.s32 $0xFFFFFFB0  }
0x3b: {  	[tilespmem:s13], [sflag:$0x1] =	stream.linear.gather [hbm4b:s16+s3], $0x3200, $0x38;
	[tilespmem:$0x1C890] =	vst v63  }
0x3c: {  	_ =	swait.ge [sflag:s11], $0x3200  }
0x3d: {  	[sflag:s11] =	ssyncset.done $0x0  }
0x3e: {  	[sflag:s11] =	ssyncadd.s32 $0xFFFFCE00  }
0x3f: {  	[spmem:s2] =	stream.indirect.scatter.add.f32 [tilespmem:s13], [sflag:$0x1], $0xA0, s12, s14, $0xb8;
	[tilespmem:$0x1C890] =	vst v63  }
0x40: {  	_ =	swait.ge [sflag:s11], $0x3200  }
0x41: {  	[sflag:s11] =	ssyncset.done $0x0  }
0x42: {  	[sflag:s11] =	ssyncadd.s32 $0xFFFFCE00  }
0x43: {  	[bflag:$0x0] =	sbarrier.arrive $0xFFFF  }
0x44: {  	[tilespmem:s10], [sflag:$0x1] =	stream.linear.gather [spmem:s6], $0xFA0, $0x38;
	[tilespmem:$0x1C890] =	vst v63  }
0x45: {  	_ =	swait.ge [sflag:s11], $0xFA0  }
0x46: {  	[sflag:s11] =	ssyncset.done $0x0  }
0x47: {  	s31 =	sadd.s32 $0x0, s9;
	[sflag:s11] =	ssyncadd.s32 $0xFFFFF060  }
0x48: {  	[hbm4b:s31+s3] =	stream.linear.scatter [tilespmem:s10], [sflag:$0x1], $0xFA0, $0x38;
	[tilespmem:$0x1C890] =	vst v63  }
0x49: {  	_ =	swait.ge [sflag:s11], $0xFA0  }
0x4a: {  	s17 =	smov.u32 s6;
	s16 =	simm.s32 $0x1F4;
	[sflag:s11] =	ssyncset.done $0x0  }
.LBB2_6:
0x4b: {  	p0 =	sne.s32 s16, $0x2EE0;
	[sflag:s11] =	ssyncadd.s32 $0xFFFFF060;
	s17 =	sadd.s32 $0xFA0, s17  }
0x4c: {  	[tilespmem:s10], [sflag:$0x1] =	stream.linear.gather [spmem:s17], $0xFA0, $0x38;
	[tilespmem:$0x1C890] =	vst v63  }
0x4d: {  	s18 =	smov.u32 s16;
	s16 =	sadd.s32 $0x1F4, s16;
	_ =	swait.ge [sflag:s11], $0xFA0  }
.Ltmp2:
0x4e: {  	[sflag:s11] =	ssyncset.done $0x0;
	(pc) =	sbr.rel @p0 .LBB2_6-.Ltmp2, $4  }
0x4f: {  	s18 =	sadd.s32 s18, s9;
	[sflag:s11] =	ssyncadd.s32 $0xFFFFF060  }
0x50: {  	[hbm4b:s18+s3] =	stream.linear.scatter [tilespmem:s10], [sflag:$0x1], $0xFA0, $0x38;
	[tilespmem:$0x1C890] =	vst v63  }
0x51: {  	_ =	swait.ge [sflag:s11], $0xFA0  }
0x52: {  	[sflag:s11] =	ssyncset.done $0x0  }
0x53: {  	s15 =	sadd.s32 $0x1, s15  }
0x54: {  	p0 =	sne.s32 s15, s5  }
.Ltmp3:
0x55: {  	_ = 	snop;
	(pc) =	sbr.rel @p0 .LBB2_1-.Ltmp3, $2  }
0x56: {  	_ =	sdelay $0x2  }
0x57: {  	[sflag:s11] =	ssyncadd.s32 $0xFFFFF060  }
0x58: {  	_ =	sfence.sel $0x180000  }
0x59: {  	[bflag:$0x0] =	sbarrier.arrive $0xFFFF  }
0x5a: {  	p0 =	sne.s32 s0, $0x0;
	_ =	strace $0x9000004A  }
0x5b: {  	s0 =	sadd.s32 @!p0 $0x100000, s1;
	[bflag:$0x2] =	sbarrier.arrive $0xFFFF  }
0x5c: {  	[sflag:s0] =	ssyncadd.tile.s32 @!p0 $0x1;
	_ =	shalt  }
.Lfunc_end2:
_tile_overlayer_lowered:
.L_overlay_start_2:
0x5d: {  	(tag) =	ssettag $0x2  }
0x5e: {  	s0 =	rddreg [dreg:$0x0];
	s2 =	stileid.u32  }
0x5f: {  	s1 =	rddreg [dreg:$0x1];
	p0 =	sne.s32 s2, $0x0  }
0x60: {  	s3 =	rddreg [dreg:$0x2];
	[bflag:$0x3] =	sbarrier.arrive $0xFFFF;
	s2 =	simm.s32 @!p0 $0x1C01  }
0x61: {  	[timem:s3], [sflag:s2] =	dma.local @!p0 [hbm:s0], s1  }
0x62: {  	s0 =	simm.s32 @!p0 $0x1  }
0x63: {  	_ =	swait.ge @!p0 [sflag:s0], s1  }
0x64: {  	s1 =	ssub.s32 @!p0 $0x0, s1;
	[sflag:s0] =	ssyncset.done @!p0 $0x0  }
0x65: {  	[sflag:s0] =	ssyncadd.s32 @!p0 s1  }
0x66: {  	[bflag:$0x3] =	sbarrier.arrive $0xFFFF  }
0x67: {  	_ =	shalt  }

// kernel: kernel.23.cloned.1.call-start
scs
__scs_entry_jumppad:
0x0: {  	(pc) =	sbr.rel $0x88, $3  }
0x1: {  	(tag) =	ssettag $0x0;
	lr =	simm.s32 $0x1  }
0x2: {  	[smem:$0x3F46] =	sst lr;
	_ =	strace $0xD0000000  }
0x3: {  	_ = 	snop  }
0x4: {  	_ = 	snop  }
0x5: {  	_ = 	snop  }
0x6: {  	_ = 	snop  }
0x7: {  	_ = 	snop  }
__scs_overlays_trampoline_lowered:
0x8: {  	[smem:$0x3F55] =	sst s0  }
0x9: {  	[smem:$0x3F56] =	sst s1  }
0xa: {  	[smem:$0x3F57] =	sst s2  }
0xb: {  	[smem:$0x3F58] =	sst s3  }
0xc: {  	[smem:$0x3F59] =	sst s4  }
0xd: {  	[smem:$0x3F5A] =	sst s5  }
0xe: {  	[smem:$0x3F5B] =	sst s6  }
0xf: {  	[smem:$0x3F5C] =	sst s7  }
0x10: {  	[smem:$0x3F5D] =	sst s8  }
0x11: {  	[smem:$0x3F5E] =	sst s9;
	s0 =	simm.s32 @!p0 $0x0  }
0x12: {  	s1 =	sld [smem:$0x3F44];
	s0 =	simm.s32 @p0 $0x1  }
0x13: {  	[smem:$0x3F5F] =	sst s0;
	s0 =	simm.s32 @!p1 $0x0  }
0x14: {  	s2 =	sld [smem:$0x3F43];
	s0 =	simm.s32 @p1 $0x1  }
0x15: {  	[smem:$0x3F60] =	sst s0;
	s0 =	simm.s32 @!p2 $0x0  }
0x16: {  	s3 =	sld [smem:$0x3FDB];
	s0 =	simm.s32 @p2 $0x1  }
0x17: {  	s4 =	simm.s32 $0x1BF5;
	[smem:$0x3F62] =	sst s0  }
0x18: {  	s0 =	sld [smem:$0x3F45];
	_ =	swait.ge [sflag:s4], $0x0  }
0x19: {  	s7 =	sld [smem:$0x3F46]  }
0x1a: {  	s8 =	sadd.s32 $0xFFFFE003, lr  }
0x1b: {  	s9 =	sadd.s32 $0xFFFFFEF7, lr;
	s5 =	simm.s32 $0xFFFFFFFF;
	p2 =	slt.u32 s8, $0xFFFFF086  }
0x1c: {  	p1 =	slt.u32 s9, $0xF7A;
	s5 =	simm.s32 @!p2 $0x0  }
0x1d: {  	s5 =	simm.s32 @p1 $0x1;
	p0 =	seq.s32 s7, s2  }
0x1e: {  	s7 =	smul.u32 @!p0 $0xF7A, s2;
	p2 =	seq.s32 @!p0 s5, $0x0  }
0x1f: {  	s9 =	smul.u32 $0xF7A, s1;
	s8 =	simm.s32 @!p0 $0x1BF5;
	p2 =	por !p2, p0  }
0x20: {  	[sflag:s8] =	ssyncset.s32 @!p0 $0xFFFFF086;
	s6 =	sadd.s32 @!p0 s3, s7;
	s7 =	simm.s32 @!p0 $0x108  }
0x21: {  	s3 =	sadd.s32 s3, s9;
	s6 =	sadd.s32 @!p0 $0x88, s6;
	s7 =	simm.s32 @p2 $0x1082  }
0x22: {  	[simem:s7], [sflag:s8] =	dma.local @!p0 [hbm:s6], $0xF7A  }
0x23: {  	s9 =	sor.u32 $0xD0000000, s2;
	s6 =	simm.s32 $0x108;
	_ =	swait.ge @!p0 [sflag:s8], $0x0  }
0x24: {  	s3 =	sadd.s32 $0x88, s3;
	s6 =	simm.s32 @!p1 $0x1082;
	[sflag:s4] =	ssyncset.s32 $0xFFFFF086  }
0x25: {  	[simem:s6], [sflag:s4] =	dma.local [hbm:s3], $0xF7A  }
0x26: {  	[smem:$0x3F46] =	sst s1;
	(tag) =	ssettag s2;
	_ =	strace s9  }
0x27: {  	s1 =	sld [smem:$0x3F56]  }
0x28: {  	s2 =	sld [smem:$0x3F57]  }
0x29: {  	s4 =	sld [smem:$0x3F59]  }
0x2a: {  	p0 =	seq.s32 s5, $0x0;
	s5 =	sld [smem:$0x3F5A]  }
0x2b: {  	s6 =	sld [smem:$0x3F5B]  }
0x2c: {  	s7 =	sld [smem:$0x3F5C]  }
0x2d: {  	s3 =	simm.s32 $0x108;
	s8 =	sld [smem:$0x3F5D]  }
0x2e: {  	s3 =	simm.s32 @!p0 $0x1082;
	s9 =	sld [smem:$0x3F5E]  }
0x2f: {  	lr =	sadd.s32 s0, s3;
	s0 =	sld [smem:$0x3F55]  }
0x30: {  	s3 =	sld [smem:$0x3F58]  }
0x31: {  	[smem:$0x3F61] =	sst s10  }
0x32: {  	s10 =	sld [smem:$0x3F5F];
	_ =	sdelay $0x3  }
0x33: {  	p0 =	seq.s32 s10, $0x1;
	s10 =	sld [smem:$0x3F61];
	_ =	sdelay $0x3  }
0x34: {  	[smem:$0x3F61] =	sst s10  }
0x35: {  	s10 =	sld [smem:$0x3F60];
	_ =	sdelay $0x3  }
0x36: {  	p1 =	seq.s32 s10, $0x1;
	s10 =	sld [smem:$0x3F61];
	_ =	sdelay $0x3  }
0x37: {  	[smem:$0x3F61] =	sst s10  }
0x38: {  	s10 =	sld [smem:$0x3F62]  }
0x39: {  	_ = 	snop;
	(pc) =	sbr.ind lr, $3  }
0x3a: {  	_ = 	snop  }
0x3b: {  	_ = 	snop  }
0x3c: {  	p2 =	seq.s32 s10, $0x1;
	s10 =	sld [smem:$0x3F61]  }
0x3d: {  	_ =	shalt  }
0x3e: {  	_ =	shalt  }
0x3f: {  	_ =	shalt  }
0x40: {  	_ =	shalt  }
0x41: {  	_ =	shalt  }
0x42: {  	_ =	shalt  }
0x43: {  	_ =	shalt  }
0x44: {  	_ =	shalt  }
0x45: {  	_ =	shalt  }
0x46: {  	_ =	shalt  }
0x47: {  	_ =	shalt  }
0x48: {  	_ =	shalt  }
0x49: {  	_ =	shalt  }
0x4a: {  	_ =	shalt  }
0x4b: {  	_ =	shalt  }
0x4c: {  	_ =	shalt  }
0x4d: {  	_ =	shalt  }
0x4e: {  	_ =	shalt  }
0x4f: {  	_ =	shalt  }
0x50: {  	_ =	shalt  }
0x51: {  	_ =	shalt  }
0x52: {  	_ =	shalt  }
0x53: {  	_ =	shalt  }
0x54: {  	_ =	shalt  }
0x55: {  	_ =	shalt  }
0x56: {  	_ =	shalt  }
0x57: {  	_ =	shalt  }
0x58: {  	_ =	shalt  }
0x59: {  	_ =	shalt  }
0x5a: {  	_ =	shalt  }
0x5b: {  	_ =	shalt  }
0x5c: {  	_ =	shalt  }
0x5d: {  	_ =	shalt  }
0x5e: {  	_ =	shalt  }
0x5f: {  	_ =	shalt  }
0x60: {  	_ =	shalt  }
0x61: {  	_ =	shalt  }
0x62: {  	_ =	shalt  }
0x63: {  	_ =	shalt  }
0x64: {  	_ =	shalt  }
0x65: {  	_ =	shalt  }
0x66: {  	_ =	shalt  }
0x67: {  	_ =	shalt  }
0x68: {  	_ =	shalt  }
0x69: {  	_ =	shalt  }
0x6a: {  	_ =	shalt  }
0x6b: {  	_ =	shalt  }
0x6c: {  	_ =	shalt  }
0x6d: {  	_ =	shalt  }
0x6e: {  	_ =	shalt  }
0x6f: {  	_ =	shalt  }
0x70: {  	_ =	shalt  }
0x71: {  	_ =	shalt  }
0x72: {  	_ =	shalt  }
0x73: {  	_ =	shalt  }
0x74: {  	_ =	shalt  }
0x75: {  	_ =	shalt  }
0x76: {  	_ =	shalt  }
0x77: {  	_ =	shalt  }
0x78: {  	_ =	shalt  }
0x79: {  	_ =	shalt  }
0x7a: {  	_ =	shalt  }
0x7b: {  	_ =	shalt  }
0x7c: {  	_ =	shalt  }
0x7d: {  	_ =	shalt  }
0x7e: {  	_ =	shalt  }
0x7f: {  	_ =	shalt  }
0x80: {  	_ =	shalt  }
0x81: {  	_ =	shalt  }
0x82: {  	_ =	shalt  }
0x83: {  	_ =	shalt  }
0x84: {  	_ =	shalt  }
0x85: {  	_ =	shalt  }
0x86: {  	_ =	shalt  }
0x87: {  	_ =	shalt  }
.Lfunc_end0:
.L_simem_size_0:
called_computation.2_lowered:
.L_overlay_start_0:
0x88: {  	s2 =	sld [smem:$0x3FD9]  }
0x89: {  	s3 =	sld [smem:$0x3FFE];
	_ =	sdelay $0x1  }
0x8a: {  	s1 =	srdreg.scid  }
0x8b: {  	s0 =	sand.u32 $0x1, s1  }
0x8c: {  	s14 =	sshll.u32 s0, $0xA;
	s2 =	sadd.s32 s3, s2  }
0x8d: {  	s2 =	sadd.s32 s2, s14  }
0x8e: {  	[smem:$0x3F6D] =	sst s2  }
0x8f: {  	_ = 	snop  }
0x90: {  	s2 =	sld [smem:$0x3FD0];
	_ =	sdelay $0x2  }
0x91: {  	s15 =	simm.s32 $0xA;
	s4 =	simm.s32 $0x10  }
0x92: {  	[smem:s4], [sflag:s15] =	dma.local [hbm:s2], $0x1  }
0x93: {  	_ =	swait.eq [sflag:s15], $0x1  }
0x94: {  	[sflag:s15] =	ssyncset.done $0x0  }
0x95: {  	[sflag:s15] =	ssyncadd.s32 $0xFFFFFFFF  }
0x96: {  	s16 =	sld [smem:$0x10];
	(tm) =	ssettm $0x1  }
0x97: {  	s17 =	sld [smem:$0x3FFB];
	_ =	sdelay $0x3  }
0x98: {  	_ =	strace s17  }
0x99: {  	s3 =	sld [smem:$0x3FFC];
	_ =	sdelay $0x3  }
0x9a: {  	_ =	strace s3  }
0x9b: {  	s3 =	sld [smem:$0x3FFD];
	_ =	sdelay $0x3  }
0x9c: {  	_ =	strace s3  }
0x9d: {  	_ =	strace $0x8FFFFFFF  }
0x9e: {  	s18 =	sld [smem:$0x3FDB];
	_ =	sdelay $0x1  }
0x9f: {  	s19 =	simm.s32 $_scs_section_size  }
0xa0: {  	s5 =	simm.s32 $_size__tile_overlayer_lowered;
	s6 =	simm.s32 $_tile_overlayer_lowered  }
0xa1: {  	s22 =	simm.s32 $0x1BFF;
	s21 =	sshll.u32 s6, $0x1;
	s3 =	sadd.s32 s19, s18  }
0xa2: {  	s7 =	simm.s32 $0x0;
	s20 =	sshll.u32 s5, $0x1;
	s5 =	sadd.s32 s21, s3  }
0xa3: {  	[timem:s7], [sflag:s22] =	dma.local [hbm:s5], s20  }
0xa4: {  	_ =	swait.ge [sflag:s22], s20  }
0xa5: {  	s4 =	ssub.s32 $0x0, s20;
	[sflag:s22] =	ssyncset.done $0x0  }
0xa6: {  	[sflag:s22] =	ssyncadd.s32 s4;
	_ =	sdelay $0x1  }
0xa7: {  	s23 =	simm.s32 $0x1B8B  }
0xa8: {  	_ =	swait.ge [sflag:s23], $0x1  }
0xa9: {  	[sflag:s23] =	ssyncset.done $0x0  }
0xaa: {  	s25 =	simm.s32 $0x1B8E;
	s24 =	sld [smem:$0x3FFE];
	[sflag:s23] =	ssyncadd.s32 $0xFFFFFFFF  }
0xab: {  	s26 =	simm.s32 $execute0_lowered;
	[smem:$0x3FD2] =	sst s25  }
0xac: {  	s5 =	sshll.u32 s26, $0x1;
	_ =	strace $0x8000004C;
	[dreg:$0x1] =	wrdreg $0xFFFFFFFF  }
0xad: {  	s28 =	simm.s32 $_size_execute0_lowered;
	s3 =	sadd.s32 s3, s5;
	[dreg:$0x0] =	wrdreg $0x0  }
0xae: {  	s5 =	sshll.u32 s28, $0x1;
	[dreg:$0x2] =	wrdreg s3  }
0xaf: {  	[dreg:$0x3] =	wrdreg s5  }
0xb0: {  	[dreg:$0x4] =	wrdreg $0xC0  }
0xb1: {  	_ =	task [dreg:s7], $0x5FFFF  }
0xb2: {  	[dreg:$0x1] =	wrdreg $0xFFFFFFFF  }
0xb3: {  	[dreg:$0x0] =	wrdreg $0x60  }
0xb4: {  	[dreg:$0x2] =	wrdreg s24  }
0xb5: {  	[dreg:$0x3] =	wrdreg s16  }
0xb6: {  	[dreg:$0x4] =	wrdreg $0x9  }
0xb7: {  	_ =	task.clear_ibuf [dreg:s7], $0x5FFFF;
	_ =	strace $0x9000004C  }
0xb8: {  	s29 =	simm.s32 $0x9;
	_ =	strace $0x8000004E  }
0xb9: {  	_ =	swait.ge [sflag:s29], $0x1  }
0xba: {  	[sflag:s29] =	ssyncadd.s32 $0xFFFFFFFF  }
0xbb: {  	_ =	strace $0x9000004E  }
0xbc: {  	_ =	sfence  }
0xbd: {  	s30 =	sld [smem:$0x0];
	_ =	sdelay $0x2  }
0xbe: {  	s31 =	sshll.u32 s1, $0xD;
	s1 =	sshrl.u32 s1, $0x2  }
0xbf: {  	s3 =	sand.u32 $0x4000, s31;
	s1 =	sadd.s32 s1, s30  }
0xc0: {  	s0 =	sor.u32 s3, s0;
	s1 =	sshll.u32 s1, $0x11  }
0xc1: {  	s0 =	sor.u32 s1, s0  }
0xc2: {  	s0 =	sadd.s32 $0x8F2B, s0  }
0xc3: {  	[sflag:s0] =	ssyncadd.remote.s32 $0x1  }
0xc4: {  	_ =	sfence.sel $0xFFFF  }
0xc5: {  	[dreg:$0x0] =	wrdreg $0xFFFFFFFF;
	(pc) =	sbr.abs _section_cstart, $3  }
0xc6: {  	[dreg:$0x1] =	wrdreg $0xFFFFFFFF  }
0xc7: {  	_ =	task.clear_ibuf [dreg:s7], $0x2FFFF;
	_ =	strace $0x9FFFFFFF  }
0xc8: {  	(tm) =	ssettm $0x7FFFFFFF  }
0xc9: {  	_ =	shalt  }
tec
execute0_lowered:
.L_overlay_start_1:
0x0: {  	(tag) =	ssettag $0x1  }
0x1: {  	s4 =	rddreg [dreg:$0x0]  }
0x2: {  	s7 =	rddreg [dreg:$0x1]  }
0x3: {  	s0 =	rddreg [dreg:$0x2];
	s3 =	srdreg.scid  }
0x4: {  	s1 =	stileid.u32;
	s2 =	simm.s32 $0x0;
	s12 =	simm.s32 $0x32A0  }
0x5: {  	s13 =	simm.s32 $0x1;
	s14 =	simm.s32 $0x2;
	s6 =	smul.u32 $0x4E20, s1  }
0x6: {  	s15 =	simm.s32 $0x0;
	s5 =	sand.u32 $0x1, s3;
	s9 =	smul.u32 $0x61A80, s1  }
0x7: {  	[smem:$0x7FF] =	sst s2;
	s3 =	sadd.s32 $0x6F400, s4;
	s8 =	smul.u32 $0x2710, s5  }
0x8: {  	_ =	strace $0x8000004D;
	s28 =	ssub.s32 $0x2, s5;
	s5 =	smul.u32 $0x30D40, s5  }
0x9: {  	s29 =	sadd.s32 s9, s4;
	s30 =	sshrl.u32 s28, $0x1;
	s6 =	sadd.s32 s8, s6  }
0xa: {  	s9 =	simm.s32 $0x3;
	s31 =	ssub.s32 s28, s30;
	s10 =	sshrl.u32 s6, $0x3  }
0xb: {  	s6 =	sadd.s32 s5, s29;
	s11 =	sadd.s32 s10, s4;
	s4 =	smax.u32 s31, $0x1  }
0xc: {  	s5 =	sadd.s32 $0x6BAA00, s6;
	s6 =	sadd.s32 $0xA0200, s6;
	s7 =	sadd.s32 s10, s7  }
0xd: {  	s10 =	simm.s32 $0x50;
	s8 =	sadd.s32 $0x17200, s11;
	s11 =	simm.s32 $0xA0  }
.LBB2_1:
0xe: {  	s16 =	sadd.s32 $0x0, s8  }
0xf: {  	[tilespmem:s2], [sflag:$0x3] =	stream.linear.gather [hbm4b:s16+s2], $0x50, $0x38;
	[tilespmem:$0x64A0] =	vst v63  }
0x10: {  	_ =	swait.ge [sflag:s9], $0x50  }
0x11: {  	[sflag:s9] =	ssyncset.done $0x0  }
0x12: {  	s31 =	sadd.s32 $0x0, s7;
	[sflag:s9] =	ssyncadd.s32 $0xFFFFFFB0  }
0x13: {  	[tilespmem:s10], [sflag:$0x3] =	stream.linear.gather [hbm4b:s31+s2], $0x50, $0x38;
	[tilespmem:$0x64A0] =	vst v63  }
0x14: {  	_ =	swait.ge [sflag:s9], $0x50  }
0x15: {  	[sflag:s9] =	ssyncset.done $0x0  }
0x16: {  	[sflag:s9] =	ssyncadd.s32 $0xFFFFFFB0  }
0x17: {  	[tilespmem:s11], [sflag:$0x1] =	stream.indirect.gather [hbm4b:s3+s10], $0xA0, s2, s10, $0xb8;
	[tilespmem:$0x64A0] =	vst v63  }
0x18: {  	_ = 	snop  }
0x19: {  	[tilespmem:s12], [sflag:$0x2] =	stream.indirect.gather [hbm4b:s3+s10], $0xA0, s10, s10, $0xb8;
	[tilespmem:$0x64A0] =	vst v63  }
0x1a: {  	_ =	swait.ge [sflag:s13], $0x3200  }
0x1b: {  	[sflag:s13] =	ssyncset.done $0x0  }
0x1c: {  	[sflag:s13] =	ssyncadd.s32 $0xFFFFCE00  }
0x1d: {  	[hbm4b:s5+s2] =	stream.linear.scatter [tilespmem:s11], [sflag:$0x3], $0x3200, $0x38;
	[tilespmem:$0x64A0] =	vst v63  }
0x1e: {  	_ =	swait.ge [sflag:s9], $0x3200  }
0x1f: {  	[sflag:s9] =	ssyncset.done $0x0  }
0x20: {  	[sflag:s9] =	ssyncadd.s32 $0xFFFFCE00  }
0x21: {  	_ =	swait.ge [sflag:s14], $0x3200  }
0x22: {  	[sflag:s14] =	ssyncset.done $0x0  }
0x23: {  	[sflag:s14] =	ssyncadd.s32 $0xFFFFCE00  }
0x24: {  	[hbm4b:s6+s2] =	stream.linear.scatter [tilespmem:s12], [sflag:$0x3], $0x3200, $0x38;
	[tilespmem:$0x64A0] =	vst v63  }
0x25: {  	s18 =	simm.s32 $0xA;
	s19 =	simm.s32 $0x14;
	_ =	swait.ge [sflag:s9], $0x3200  }
0x26: {  	s17 =	sadd.s32 $0x640, s5;
	s16 =	sadd.s32 $0x640, s6;
	[sflag:s9] =	ssyncset.done $0x0  }
.LBB2_2:
0x27: {  	s20 =	sadd.s32 s18, s8  }
0x28: {  	[sflag:s9] =	ssyncadd.s32 $0xFFFFCE00;
	s21 =	smov.u32 s19;
	s22 =	sadd.s32 $0xA, s19  }
0x29: {  	[tilespmem:s2], [sflag:$0x3] =	stream.linear.gather [hbm4b:s20+s2], $0x50, $0x38;
	[tilespmem:$0x64A0] =	vst v63  }
0x2a: {  	p0 =	sne.s32 s19, $0x4D8;
	_ =	swait.ge [sflag:s9], $0x50  }
0x2b: {  	[sflag:s9] =	ssyncset.done $0x0  }
0x2c: {  	s19 =	sadd.s32 s18, s7;
	s18 =	smov.u32 s21;
	[sflag:s9] =	ssyncadd.s32 $0xFFFFFFB0  }
0x2d: {  	[tilespmem:s10], [sflag:$0x3] =	stream.linear.gather [hbm4b:s19+s2], $0x50, $0x38;
	[tilespmem:$0x64A0] =	vst v63  }
0x2e: {  	_ =	swait.ge [sflag:s9], $0x50  }
0x2f: {  	[sflag:s9] =	ssyncset.done $0x0  }
0x30: {  	[sflag:s9] =	ssyncadd.s32 $0xFFFFFFB0  }
0x31: {  	[tilespmem:s11], [sflag:$0x1] =	stream.indirect.gather [hbm4b:s3+s10], $0xA0, s2, s10, $0xb8;
	[tilespmem:$0x64A0] =	vst v63  }
0x32: {  	_ = 	snop  }
0x33: {  	[tilespmem:s12], [sflag:$0x2] =	stream.indirect.gather [hbm4b:s3+s10], $0xA0, s10, s10, $0xb8;
	[tilespmem:$0x64A0] =	vst v63  }
0x34: {  	_ =	swait.ge [sflag:s13], $0x3200  }
0x35: {  	[sflag:s13] =	ssyncset.done $0x0  }
0x36: {  	[sflag:s13] =	ssyncadd.s32 $0xFFFFCE00  }
0x37: {  	[hbm4b:s17+s2] =	stream.linear.scatter [tilespmem:s11], [sflag:$0x3], $0x3200, $0x38;
	[tilespmem:$0x64A0] =	vst v63  }
0x38: {  	_ =	swait.ge [sflag:s9], $0x3200  }
0x39: {  	[sflag:s9] =	ssyncset.done $0x0  }
0x3a: {  	[sflag:s9] =	ssyncadd.s32 $0xFFFFCE00  }
0x3b: {  	_ =	swait.ge [sflag:s14], $0x3200  }
.Ltmp0:
0x3c: {  	[sflag:s14] =	ssyncset.done $0x0;
	(pc) =	sbr.rel @p0 .LBB2_2-.Ltmp0, $4  }
0x3d: {  	[sflag:s14] =	ssyncadd.s32 $0xFFFFCE00  }
0x3e: {  	[hbm4b:s16+s2] =	stream.linear.scatter [tilespmem:s12], [sflag:$0x3], $0x3200, $0x38;
	[tilespmem:$0x64A0] =	vst v63  }
0x3f: {  	s19 =	smov.u32 s22;
	_ =	swait.ge [sflag:s9], $0x3200  }
0x40: {  	s17 =	sadd.s32 $0x640, s17;
	s16 =	sadd.s32 $0x640, s16;
	[sflag:s9] =	ssyncset.done $0x0  }
0x41: {  	s19 =	sadd.s32 s18, s8;
	[sflag:s9] =	ssyncadd.s32 $0xFFFFCE00  }
0x42: {  	[tilespmem:s2], [sflag:$0x3] =	stream.linear.gather [hbm4b:s19+s2], $0x50, $0x38;
	[tilespmem:$0x64A0] =	vst v63  }
0x43: {  	_ =	swait.ge [sflag:s9], $0x50  }
0x44: {  	[sflag:s9] =	ssyncset.done $0x0  }
0x45: {  	s31 =	sadd.s32 s18, s7;
	[sflag:s9] =	ssyncadd.s32 $0xFFFFFFB0  }
0x46: {  	[tilespmem:s10], [sflag:$0x3] =	stream.linear.gather [hbm4b:s31+s2], $0x50, $0x38;
	[tilespmem:$0x64A0] =	vst v63  }
0x47: {  	_ =	swait.ge [sflag:s9], $0x50  }
0x48: {  	[sflag:s9] =	ssyncset.done $0x0  }
0x49: {  	[sflag:s9] =	ssyncadd.s32 $0xFFFFFFB0  }
0x4a: {  	[tilespmem:s11], [sflag:$0x1] =	stream.indirect.gather [hbm4b:s3+s10], $0xA0, s2, s10, $0xb8;
	[tilespmem:$0x64A0] =	vst v63  }
0x4b: {  	_ = 	snop  }
0x4c: {  	[tilespmem:s12], [sflag:$0x2] =	stream.indirect.gather [hbm4b:s3+s10], $0xA0, s10, s10, $0xb8;
	[tilespmem:$0x64A0] =	vst v63  }
0x4d: {  	_ =	swait.ge [sflag:s13], $0x3200  }
0x4e: {  	[sflag:s13] =	ssyncset.done $0x0  }
0x4f: {  	[sflag:s13] =	ssyncadd.s32 $0xFFFFCE00  }
0x50: {  	[hbm4b:s17+s2] =	stream.linear.scatter [tilespmem:s11], [sflag:$0x3], $0x3200, $0x38;
	[tilespmem:$0x64A0] =	vst v63  }
0x51: {  	_ =	swait.ge [sflag:s9], $0x3200  }
0x52: {  	[sflag:s9] =	ssyncset.done $0x0  }
0x53: {  	[sflag:s9] =	ssyncadd.s32 $0xFFFFCE00  }
0x54: {  	s15 =	sadd.s32 $0x1, s15;
	_ =	swait.ge [sflag:s14], $0x3200  }
0x55: {  	p0 =	sne.s32 s15, s4;
	[sflag:s14] =	ssyncset.done $0x0  }
.Ltmp1:
0x56: {  	[sflag:s14] =	ssyncadd.s32 $0xFFFFCE00;
	(pc) =	sbr.rel @p0 .LBB2_1-.Ltmp1, $4  }
0x57: {  	[hbm4b:s16+s2] =	stream.linear.scatter [tilespmem:s12], [sflag:$0x3], $0x3200, $0x38;
	[tilespmem:$0x64A0] =	vst v63  }
0x58: {  	_ =	swait.ge [sflag:s9], $0x3200  }
0x59: {  	[sflag:s9] =	ssyncset.done $0x0  }
0x5a: {  	[sflag:s9] =	ssyncadd.s32 $0xFFFFCE00  }
0x5b: {  	_ =	sfence.sel $0x180000  }
0x5c: {  	[bflag:$0x0] =	sbarrier.arrive $0xFFFF  }
0x5d: {  	p0 =	sne.s32 s1, $0x0;
	_ =	strace $0x9000004D  }
0x5e: {  	s0 =	sadd.s32 @!p0 $0x100000, s0;
	[bflag:$0x2] =	sbarrier.arrive $0xFFFF  }
0x5f: {  	[sflag:s0] =	ssyncadd.tile.s32 @!p0 $0x1;
	_ =	shalt  }
.Lfunc_end2:
_tile_overlayer_lowered:
.L_overlay_start_2:
0x60: {  	(tag) =	ssettag $0x2  }
0x61: {  	s0 =	rddreg [dreg:$0x0];
	s2 =	stileid.u32  }
0x62: {  	s1 =	rddreg [dreg:$0x1];
	p0 =	sne.s32 s2, $0x0  }
0x63: {  	s3 =	rddreg [dreg:$0x2];
	[bflag:$0x3] =	sbarrier.arrive $0xFFFF;
	s2 =	simm.s32 @!p0 $0x1C03  }
0x64: {  	[timem:s3], [sflag:s2] =	dma.local @!p0 [hbm:s0], s1  }
0x65: {  	s0 =	simm.s32 @!p0 $0x3  }
0x66: {  	_ =	swait.ge @!p0 [sflag:s0], s1  }
0x67: {  	s1 =	ssub.s32 @!p0 $0x0, s1;
	[sflag:s0] =	ssyncset.done @!p0 $0x0  }
0x68: {  	[sflag:s0] =	ssyncadd.s32 @!p0 s1  }
0x69: {  	[bflag:$0x3] =	sbarrier.arrive $0xFFFF  }
0x6a: {  	_ =	shalt  }

// kernel: kernel.26.cloned.1.call-start
scs
__scs_entry_jumppad:
0x0: {  	(pc) =	sbr.rel $0x88, $3  }
0x1: {  	(tag) =	ssettag $0x0;
	lr =	simm.s32 $0x1  }
0x2: {  	[smem:$0x3F46] =	sst lr;
	_ =	strace $0xD0000000  }
0x3: {  	_ = 	snop  }
0x4: {  	_ = 	snop  }
0x5: {  	_ = 	snop  }
0x6: {  	_ = 	snop  }
0x7: {  	_ = 	snop  }
__scs_overlays_trampoline_lowered:
0x8: {  	[smem:$0x3F55] =	sst s0  }
0x9: {  	[smem:$0x3F56] =	sst s1  }
0xa: {  	[smem:$0x3F57] =	sst s2  }
0xb: {  	[smem:$0x3F58] =	sst s3  }
0xc: {  	[smem:$0x3F59] =	sst s4  }
0xd: {  	[smem:$0x3F5A] =	sst s5  }
0xe: {  	[smem:$0x3F5B] =	sst s6  }
0xf: {  	[smem:$0x3F5C] =	sst s7  }
0x10: {  	[smem:$0x3F5D] =	sst s8  }
0x11: {  	[smem:$0x3F5E] =	sst s9;
	s0 =	simm.s32 @!p0 $0x0  }
0x12: {  	s1 =	sld [smem:$0x3F44];
	s0 =	simm.s32 @p0 $0x1  }
0x13: {  	[smem:$0x3F5F] =	sst s0;
	s0 =	simm.s32 @!p1 $0x0  }
0x14: {  	s2 =	sld [smem:$0x3F43];
	s0 =	simm.s32 @p1 $0x1  }
0x15: {  	[smem:$0x3F60] =	sst s0;
	s0 =	simm.s32 @!p2 $0x0  }
0x16: {  	s3 =	sld [smem:$0x3FDB];
	s0 =	simm.s32 @p2 $0x1  }
0x17: {  	s4 =	simm.s32 $0x1BF5;
	[smem:$0x3F62] =	sst s0  }
0x18: {  	s0 =	sld [smem:$0x3F45];
	_ =	swait.ge [sflag:s4], $0x0  }
0x19: {  	s7 =	sld [smem:$0x3F46]  }
0x1a: {  	s8 =	sadd.s32 $0xFFFFE003, lr  }
0x1b: {  	s9 =	sadd.s32 $0xFFFFFEF7, lr;
	s5 =	simm.s32 $0xFFFFFFFF;
	p2 =	slt.u32 s8, $0xFFFFF086  }
0x1c: {  	p1 =	slt.u32 s9, $0xF7A;
	s5 =	simm.s32 @!p2 $0x0  }
0x1d: {  	s5 =	simm.s32 @p1 $0x1;
	p0 =	seq.s32 s7, s2  }
0x1e: {  	s7 =	smul.u32 @!p0 $0xF7A, s2;
	p2 =	seq.s32 @!p0 s5, $0x0  }
0x1f: {  	s9 =	smul.u32 $0xF7A, s1;
	s8 =	simm.s32 @!p0 $0x1BF5;
	p2 =	por !p2, p0  }
0x20: {  	[sflag:s8] =	ssyncset.s32 @!p0 $0xFFFFF086;
	s6 =	sadd.s32 @!p0 s3, s7;
	s7 =	simm.s32 @!p0 $0x108  }
0x21: {  	s3 =	sadd.s32 s3, s9;
	s6 =	sadd.s32 @!p0 $0x88, s6;
	s7 =	simm.s32 @p2 $0x1082  }
0x22: {  	[simem:s7], [sflag:s8] =	dma.local @!p0 [hbm:s6], $0xF7A  }
0x23: {  	s9 =	sor.u32 $0xD0000000, s2;
	s6 =	simm.s32 $0x108;
	_ =	swait.ge @!p0 [sflag:s8], $0x0  }
0x24: {  	s3 =	sadd.s32 $0x88, s3;
	s6 =	simm.s32 @!p1 $0x1082;
	[sflag:s4] =	ssyncset.s32 $0xFFFFF086  }
0x25: {  	[simem:s6], [sflag:s4] =	dma.local [hbm:s3], $0xF7A  }
0x26: {  	[smem:$0x3F46] =	sst s1;
	(tag) =	ssettag s2;
	_ =	strace s9  }
0x27: {  	s1 =	sld [smem:$0x3F56]  }
0x28: {  	s2 =	sld [smem:$0x3F57]  }
0x29: {  	s4 =	sld [smem:$0x3F59]  }
0x2a: {  	p0 =	seq.s32 s5, $0x0;
	s5 =	sld [smem:$0x3F5A]  }
0x2b: {  	s6 =	sld [smem:$0x3F5B]  }
0x2c: {  	s7 =	sld [smem:$0x3F5C]  }
0x2d: {  	s3 =	simm.s32 $0x108;
	s8 =	sld [smem:$0x3F5D]  }
0x2e: {  	s3 =	simm.s32 @!p0 $0x1082;
	s9 =	sld [smem:$0x3F5E]  }
0x2f: {  	lr =	sadd.s32 s0, s3;
	s0 =	sld [smem:$0x3F55]  }
0x30: {  	s3 =	sld [smem:$0x3F58]  }
0x31: {  	[smem:$0x3F61] =	sst s10  }
0x32: {  	s10 =	sld [smem:$0x3F5F];
	_ =	sdelay $0x3  }
0x33: {  	p0 =	seq.s32 s10, $0x1;
	s10 =	sld [smem:$0x3F61];
	_ =	sdelay $0x3  }
0x34: {  	[smem:$0x3F61] =	sst s10  }
0x35: {  	s10 =	sld [smem:$0x3F60];
	_ =	sdelay $0x3  }
0x36: {  	p1 =	seq.s32 s10, $0x1;
	s10 =	sld [smem:$0x3F61];
	_ =	sdelay $0x3  }
0x37: {  	[smem:$0x3F61] =	sst s10  }
0x38: {  	s10 =	sld [smem:$0x3F62]  }
0x39: {  	_ = 	snop;
	(pc) =	sbr.ind lr, $3  }
0x3a: {  	_ = 	snop  }
0x3b: {  	_ = 	snop  }
0x3c: {  	p2 =	seq.s32 s10, $0x1;
	s10 =	sld [smem:$0x3F61]  }
0x3d: {  	_ =	shalt  }
0x3e: {  	_ =	shalt  }
0x3f: {  	_ =	shalt  }
0x40: {  	_ =	shalt  }
0x41: {  	_ =	shalt  }
0x42: {  	_ =	shalt  }
0x43: {  	_ =	shalt  }
0x44: {  	_ =	shalt  }
0x45: {  	_ =	shalt  }
0x46: {  	_ =	shalt  }
0x47: {  	_ =	shalt  }
0x48: {  	_ =	shalt  }
0x49: {  	_ =	shalt  }
0x4a: {  	_ =	shalt  }
0x4b: {  	_ =	shalt  }
0x4c: {  	_ =	shalt  }
0x4d: {  	_ =	shalt  }
0x4e: {  	_ =	shalt  }
0x4f: {  	_ =	shalt  }
0x50: {  	_ =	shalt  }
0x51: {  	_ =	shalt  }
0x52: {  	_ =	shalt  }
0x53: {  	_ =	shalt  }
0x54: {  	_ =	shalt  }
0x55: {  	_ =	shalt  }
0x56: {  	_ =	shalt  }
0x57: {  	_ =	shalt  }
0x58: {  	_ =	shalt  }
0x59: {  	_ =	shalt  }
0x5a: {  	_ =	shalt  }
0x5b: {  	_ =	shalt  }
0x5c: {  	_ =	shalt  }
0x5d: {  	_ =	shalt  }
0x5e: {  	_ =	shalt  }
0x5f: {  	_ =	shalt  }
0x60: {  	_ =	shalt  }
0x61: {  	_ =	shalt  }
0x62: {  	_ =	shalt  }
0x63: {  	_ =	shalt  }
0x64: {  	_ =	shalt  }
0x65: {  	_ =	shalt  }
0x66: {  	_ =	shalt  }
0x67: {  	_ =	shalt  }
0x68: {  	_ =	shalt  }
0x69: {  	_ =	shalt  }
0x6a: {  	_ =	shalt  }
0x6b: {  	_ =	shalt  }
0x6c: {  	_ =	shalt  }
0x6d: {  	_ =	shalt  }
0x6e: {  	_ =	shalt  }
0x6f: {  	_ =	shalt  }
0x70: {  	_ =	shalt  }
0x71: {  	_ =	shalt  }
0x72: {  	_ =	shalt  }
0x73: {  	_ =	shalt  }
0x74: {  	_ =	shalt  }
0x75: {  	_ =	shalt  }
0x76: {  	_ =	shalt  }
0x77: {  	_ =	shalt  }
0x78: {  	_ =	shalt  }
0x79: {  	_ =	shalt  }
0x7a: {  	_ =	shalt  }
0x7b: {  	_ =	shalt  }
0x7c: {  	_ =	shalt  }
0x7d: {  	_ =	shalt  }
0x7e: {  	_ =	shalt  }
0x7f: {  	_ =	shalt  }
0x80: {  	_ =	shalt  }
0x81: {  	_ =	shalt  }
0x82: {  	_ =	shalt  }
0x83: {  	_ =	shalt  }
0x84: {  	_ =	shalt  }
0x85: {  	_ =	shalt  }
0x86: {  	_ =	shalt  }
0x87: {  	_ =	shalt  }
.Lfunc_end0:
.L_simem_size_0:
called_computation.3_lowered:
.L_overlay_start_0:
0x88: {  	s2 =	sld [smem:$0x3FD9]  }
0x89: {  	s3 =	sld [smem:$0x3FFE];
	_ =	sdelay $0x1  }
0x8a: {  	s1 =	srdreg.scid  }
0x8b: {  	s0 =	sand.u32 $0x1, s1  }
0x8c: {  	s14 =	sshll.u32 s0, $0xA;
	s2 =	sadd.s32 s3, s2  }
0x8d: {  	s2 =	sadd.s32 s2, s14  }
0x8e: {  	[smem:$0x3F6D] =	sst s2  }
0x8f: {  	_ = 	snop  }
0x90: {  	s2 =	sld [smem:$0x3FD0];
	_ =	sdelay $0x2  }
0x91: {  	s15 =	simm.s32 $0xA;
	s4 =	simm.s32 $0x10  }
0x92: {  	[smem:s4], [sflag:s15] =	dma.local [hbm:s2], $0x1  }
0x93: {  	_ =	swait.eq [sflag:s15], $0x1  }
0x94: {  	[sflag:s15] =	ssyncset.done $0x0  }
0x95: {  	[sflag:s15] =	ssyncadd.s32 $0xFFFFFFFF  }
0x96: {  	s16 =	sld [smem:$0x10];
	(tm) =	ssettm $0x1  }
0x97: {  	s17 =	sld [smem:$0x3FFB];
	_ =	sdelay $0x3  }
0x98: {  	_ =	strace s17  }
0x99: {  	s3 =	sld [smem:$0x3FFC];
	_ =	sdelay $0x3  }
0x9a: {  	_ =	strace s3  }
0x9b: {  	s3 =	sld [smem:$0x3FFD];
	_ =	sdelay $0x3  }
0x9c: {  	_ =	strace s3  }
0x9d: {  	_ =	strace $0x8FFFFFFF  }
0x9e: {  	s18 =	sld [smem:$0x3FDB];
	_ =	sdelay $0x1  }
0x9f: {  	s19 =	simm.s32 $_scs_section_size  }
0xa0: {  	s5 =	simm.s32 $_size__tile_overlayer_lowered;
	s6 =	simm.s32 $_tile_overlayer_lowered  }
0xa1: {  	s22 =	simm.s32 $0x1BFF;
	s21 =	sshll.u32 s6, $0x1;
	s3 =	sadd.s32 s19, s18  }
0xa2: {  	s7 =	simm.s32 $0x0;
	s20 =	sshll.u32 s5, $0x1;
	s5 =	sadd.s32 s21, s3  }
0xa3: {  	[timem:s7], [sflag:s22] =	dma.local [hbm:s5], s20  }
0xa4: {  	_ =	swait.ge [sflag:s22], s20  }
0xa5: {  	s4 =	ssub.s32 $0x0, s20;
	[sflag:s22] =	ssyncset.done $0x0  }
0xa6: {  	[sflag:s22] =	ssyncadd.s32 s4;
	_ =	sdelay $0x1  }
0xa7: {  	s23 =	simm.s32 $0x1B8B  }
0xa8: {  	_ =	swait.ge [sflag:s23], $0x1  }
0xa9: {  	[sflag:s23] =	ssyncset.done $0x0  }
0xaa: {  	s25 =	simm.s32 $0x1B8E;
	s24 =	sld [smem:$0x3FFE];
	[sflag:s23] =	ssyncadd.s32 $0xFFFFFFFF  }
0xab: {  	s26 =	simm.s32 $execute0_lowered;
	[smem:$0x3FD2] =	sst s25  }
0xac: {  	s5 =	sshll.u32 s26, $0x1;
	_ =	strace $0x8000004F;
	[dreg:$0x1] =	wrdreg $0xFFFFFFFF  }
0xad: {  	s28 =	simm.s32 $_size_execute0_lowered;
	s3 =	sadd.s32 s3, s5;
	[dreg:$0x0] =	wrdreg $0x0  }
0xae: {  	s5 =	sshll.u32 s28, $0x1;
	[dreg:$0x2] =	wrdreg s3  }
0xaf: {  	[dreg:$0x3] =	wrdreg s5  }
0xb0: {  	[dreg:$0x4] =	wrdreg $0xC0  }
0xb1: {  	_ =	task [dreg:s7], $0x5FFFF  }
0xb2: {  	[dreg:$0x1] =	wrdreg $0xFFFFFFFF  }
0xb3: {  	[dreg:$0x0] =	wrdreg $0x60  }
0xb4: {  	[dreg:$0x2] =	wrdreg s24  }
0xb5: {  	[dreg:$0x3] =	wrdreg s16  }
0xb6: {  	[dreg:$0x4] =	wrdreg $0x0  }
0xb7: {  	[dreg:$0x5] =	wrdreg $0x9  }
0xb8: {  	_ =	task.clear_ibuf [dreg:s7], $0x6FFFF;
	_ =	strace $0x9000004F  }
0xb9: {  	s29 =	simm.s32 $0x9;
	_ =	strace $0x80000051  }
0xba: {  	_ =	swait.ge [sflag:s29], $0x1  }
0xbb: {  	[sflag:s29] =	ssyncadd.s32 $0xFFFFFFFF  }
0xbc: {  	_ =	strace $0x90000051  }
0xbd: {  	_ =	sfence  }
0xbe: {  	s30 =	sld [smem:$0x0];
	_ =	sdelay $0x2  }
0xbf: {  	s31 =	sshll.u32 s1, $0xD;
	s1 =	sshrl.u32 s1, $0x2  }
0xc0: {  	s3 =	sand.u32 $0x4000, s31;
	s1 =	sadd.s32 s1, s30  }
0xc1: {  	s0 =	sor.u32 s3, s0;
	s1 =	sshll.u32 s1, $0x11  }
0xc2: {  	s0 =	sor.u32 s1, s0  }
0xc3: {  	s0 =	sadd.s32 $0x8F2B, s0  }
0xc4: {  	[sflag:s0] =	ssyncadd.remote.s32 $0x1  }
0xc5: {  	_ =	sfence.sel $0xFFFF  }
0xc6: {  	[dreg:$0x0] =	wrdreg $0xFFFFFFFF;
	(pc) =	sbr.abs _section_cstart, $3  }
0xc7: {  	[dreg:$0x1] =	wrdreg $0xFFFFFFFF  }
0xc8: {  	_ =	task.clear_ibuf [dreg:s7], $0x2FFFF;
	_ =	strace $0x9FFFFFFF  }
0xc9: {  	(tm) =	ssettm $0x7FFFFFFF  }
tec
execute0_lowered:
.L_overlay_start_1:
0x0: {  	(tag) =	ssettag $0x1  }
0x1: {  	s5 =	rddreg [dreg:$0x0]  }
0x2: {  	s8 =	rddreg [dreg:$0x1]  }
0x3: {  	s0 =	stileid.u32;
	s1 =	srdreg.scid  }
0x4: {  	s2 =	rddreg [dreg:$0x2];
	s6 =	smul.u32 $0x61A80, s0  }
0x5: {  	s3 =	simm.s32 $0x0;
	s15 =	simm.s32 $0x0;
	s10 =	smul.u32 $0x186A0, s0  }
0x6: {  	s7 =	sand.u32 $0x1, s1;
	s1 =	rddreg [dreg:$0x3];
	s12 =	smul.u32 $0x4E20, s0  }
0x7: {  	[smem:$0x7FF] =	sst s3;
	s4 =	sadd.s32 $0x6F200, s5;
	s9 =	smul.u32 $0x186A00, s7  }
0x8: {  	_ =	strace $0x80000050;
	s29 =	ssub.s32 $0x2, s7;
	s14 =	smul.u32 $0x2710, s7  }
0x9: {  	s7 =	smul.u32 $0x30D40, s7;
	s11 =	sadd.s32 s6, s5;
	s13 =	sshrl.u32 s29, $0x1  }
0xa: {  	s6 =	sshrl.u32 s6, $0x2;
	s9 =	sadd.s32 s10, s9;
	s30 =	ssub.s32 s29, s13  }
0xb: {  	s31 =	sadd.s32 s14, s12;
	s6 =	sadd.s32 s6, s2;
	s7 =	sadd.s32 s7, s11  }
0xc: {  	s11 =	simm.s32 $0x1;
	s12 =	simm.s32 $0x19640;
	s13 =	simm.s32 $0x19690  }
0xd: {  	s14 =	simm.s32 $0x50;
	s9 =	sshrl.u32 s9, $0x3;
	s10 =	sshrl.u32 s31, $0x3  }
0xe: {  	s7 =	sadd.s32 $0xA33400, s7;
	s9 =	sadd.s32 s9, s5;
	s5 =	smax.u32 s30, $0x1  }
0xf: {  	s8 =	sadd.s32 s10, s8;
	s10 =	simm.s32 $0x186A0;
	s9 =	sadd.s32 $0x6F400, s9  }
.LBB2_1:
0x10: {  	[tilespmem:s10], [sflag:$0x1] =	stream.linear.gather [hbm4b:s4+s3], $0xFA0, $0x38;
	[tilespmem:$0x1C890] =	vst v63  }
0x11: {  	_ =	swait.ge [sflag:s11], $0xFA0  }
0x12: {  	[sflag:s11] =	ssyncset.done $0x0  }
0x13: {  	s16 =	sadd.s32 $0x0, s6;
	[sflag:s11] =	ssyncadd.s32 $0xFFFFF060  }
0x14: {  	[spmem:s16] =	stream.linear.scatter [tilespmem:s10], [sflag:$0x1], $0xFA0, $0x38;
	[tilespmem:$0x1C890] =	vst v63  }
0x15: {  	s16 =	simm.s32 $0x3E80;
	_ =	swait.ge [sflag:s11], $0xFA0  }
.LBB2_2:
0x16: {  	s17 =	sshra.s32 s16, $0x2;
	[sflag:s11] =	ssyncset.done $0x0;
	p0 =	sne.s32 s16, $0x5DC00  }
.Ltmp0:
0x17: {  	s17 =	sadd.s32 s17, s6;
	[sflag:s11] =	ssyncadd.s32 $0xFFFFF060;
	(pc) =	sbr.rel @p0 .LBB2_2-.Ltmp0, $3  }
0x18: {  	[spmem:s17] =	stream.linear.scatter [tilespmem:s10], [sflag:$0x1], $0xFA0, $0x38;
	[tilespmem:$0x1C890] =	vst v63  }
0x19: {  	s16 =	sadd.s32 $0x3E80, s16;
	_ =	sdelay $0x1  }
0x1a: {  	_ =	swait.ge [sflag:s11], $0xFA0  }
0x1b: {  	[sflag:s11] =	ssyncset.done $0x0  }
0x1c: {  	[sflag:s11] =	ssyncadd.s32 $0xFFFFF060  }
0x1d: {  	s16 =	sadd.s32 $0x0, s8;
	[bflag:$0x0] =	sbarrier.arrive $0xFFFF  }
0x1e: {  	[tilespmem:s12], [sflag:$0x1] =	stream.linear.gather [hbm4b:s16+s3], $0x50, $0x38;
	[tilespmem:$0x1C890] =	vst v63  }
0x1f: {  	_ =	swait.ge [sflag:s11], $0x50  }
0x20: {  	[sflag:s11] =	ssyncset.done $0x0  }
0x21: {  	[sflag:s11] =	ssyncadd.s32 $0xFFFFFFB0  }
0x22: {  	[tilespmem:s13], [sflag:$0x1] =	stream.linear.gather [hbm4b:s7+s3], $0x3200, $0x38;
	[tilespmem:$0x1C890] =	vst v63  }
0x23: {  	_ =	swait.ge [sflag:s11], $0x3200  }
0x24: {  	[sflag:s11] =	ssyncset.done $0x0  }
0x25: {  	[sflag:s11] =	ssyncadd.s32 $0xFFFFCE00  }
0x26: {  	[spmem:s2] =	stream.indirect.scatter.add.f32 [tilespmem:s13], [sflag:$0x1], $0xA0, s12, s14, $0xb8;
	[tilespmem:$0x1C890] =	vst v63  }
0x27: {  	s17 =	simm.s32 $0xA;
	_ =	swait.ge [sflag:s11], $0x3200  }
0x28: {  	s18 =	simm.s32 $0x14;
	s16 =	sadd.s32 $0x640, s7;
	[sflag:s11] =	ssyncset.done $0x0  }
.LBB2_4:
0x29: {  	s19 =	sadd.s32 s17, s8  }
0x2a: {  	[sflag:s11] =	ssyncadd.s32 $0xFFFFCE00;
	s17 =	smov.u32 s18;
	s20 =	sadd.s32 $0xA, s18  }
0x2b: {  	[tilespmem:s12], [sflag:$0x1] =	stream.linear.gather [hbm4b:s19+s3], $0x50, $0x38;
	[tilespmem:$0x1C890] =	vst v63  }
0x2c: {  	p0 =	sne.s32 s18, $0x4D8;
	_ =	swait.ge [sflag:s11], $0x50  }
0x2d: {  	[sflag:s11] =	ssyncset.done $0x0  }
0x2e: {  	[sflag:s11] =	ssyncadd.s32 $0xFFFFFFB0  }
0x2f: {  	[tilespmem:s13], [sflag:$0x1] =	stream.linear.gather [hbm4b:s16+s3], $0x3200, $0x38;
	[tilespmem:$0x1C890] =	vst v63  }
0x30: {  	_ =	swait.ge [sflag:s11], $0x3200  }
.Ltmp1:
0x31: {  	[sflag:s11] =	ssyncset.done $0x0;
	(pc) =	sbr.rel @p0 .LBB2_4-.Ltmp1, $4  }
0x32: {  	[sflag:s11] =	ssyncadd.s32 $0xFFFFCE00  }
0x33: {  	[spmem:s2] =	stream.indirect.scatter.add.f32 [tilespmem:s13], [sflag:$0x1], $0xA0, s12, s14, $0xb8;
	[tilespmem:$0x1C890] =	vst v63  }
0x34: {  	_ =	swait.ge [sflag:s11], $0x3200  }
0x35: {  	s18 =	smov.u32 s20;
	s16 =	sadd.s32 $0x640, s16;
	[sflag:s11] =	ssyncset.done $0x0  }
0x36: {  	s17 =	sadd.s32 s17, s8;
	[sflag:s11] =	ssyncadd.s32 $0xFFFFCE00  }
0x37: {  	[tilespmem:s12], [sflag:$0x1] =	stream.linear.gather [hbm4b:s17+s3], $0x50, $0x38;
	[tilespmem:$0x1C890] =	vst v63  }
0x38: {  	_ =	swait.ge [sflag:s11], $0x50  }
0x39: {  	[sflag:s11] =	ssyncset.done $0x0  }
0x3a: {  	[sflag:s11] =	ssyncadd.s32 $0xFFFFFFB0  }
0x3b: {  	[tilespmem:s13], [sflag:$0x1] =	stream.linear.gather [hbm4b:s16+s3], $0x3200, $0x38;
	[tilespmem:$0x1C890] =	vst v63  }
0x3c: {  	_ =	swait.ge [sflag:s11], $0x3200  }
0x3d: {  	[sflag:s11] =	ssyncset.done $0x0  }
0x3e: {  	[sflag:s11] =	ssyncadd.s32 $0xFFFFCE00  }
0x3f: {  	[spmem:s2] =	stream.indirect.scatter.add.f32 [tilespmem:s13], [sflag:$0x1], $0xA0, s12, s14, $0xb8;
	[tilespmem:$0x1C890] =	vst v63  }
0x40: {  	_ =	swait.ge [sflag:s11], $0x3200  }
0x41: {  	[sflag:s11] =	ssyncset.done $0x0  }
0x42: {  	[sflag:s11] =	ssyncadd.s32 $0xFFFFCE00  }
0x43: {  	[bflag:$0x0] =	sbarrier.arrive $0xFFFF  }
0x44: {  	[tilespmem:s10], [sflag:$0x1] =	stream.linear.gather [spmem:s6], $0xFA0, $0x38;
	[tilespmem:$0x1C890] =	vst v63  }
0x45: {  	_ =	swait.ge [sflag:s11], $0xFA0  }
0x46: {  	[sflag:s11] =	ssyncset.done $0x0  }
0x47: {  	s31 =	sadd.s32 $0x0, s9;
	[sflag:s11] =	ssyncadd.s32 $0xFFFFF060  }
0x48: {  	[hbm4b:s31+s3] =	stream.linear.scatter [tilespmem:s10], [sflag:$0x1], $0xFA0, $0x38;
	[tilespmem:$0x1C890] =	vst v63  }
0x49: {  	_ =	swait.ge [sflag:s11], $0xFA0  }
0x4a: {  	s17 =	smov.u32 s6;
	s16 =	simm.s32 $0x1F4;
	[sflag:s11] =	ssyncset.done $0x0  }
.LBB2_6:
0x4b: {  	p0 =	sne.s32 s16, $0x2EE0;
	[sflag:s11] =	ssyncadd.s32 $0xFFFFF060;
	s17 =	sadd.s32 $0xFA0, s17  }
0x4c: {  	[tilespmem:s10], [sflag:$0x1] =	stream.linear.gather [spmem:s17], $0xFA0, $0x38;
	[tilespmem:$0x1C890] =	vst v63  }
0x4d: {  	s18 =	smov.u32 s16;
	s16 =	sadd.s32 $0x1F4, s16;
	_ =	swait.ge [sflag:s11], $0xFA0  }
.Ltmp2:
0x4e: {  	[sflag:s11] =	ssyncset.done $0x0;
	(pc) =	sbr.rel @p0 .LBB2_6-.Ltmp2, $4  }
0x4f: {  	s18 =	sadd.s32 s18, s9;
	[sflag:s11] =	ssyncadd.s32 $0xFFFFF060  }
0x50: {  	[hbm4b:s18+s3] =	stream.linear.scatter [tilespmem:s10], [sflag:$0x1], $0xFA0, $0x38;
	[tilespmem:$0x1C890] =	vst v63  }
0x51: {  	_ =	swait.ge [sflag:s11], $0xFA0  }
0x52: {  	[sflag:s11] =	ssyncset.done $0x0  }
0x53: {  	s15 =	sadd.s32 $0x1, s15  }
0x54: {  	p0 =	sne.s32 s15, s5  }
.Ltmp3:
0x55: {  	_ = 	snop;
	(pc) =	sbr.rel @p0 .LBB2_1-.Ltmp3, $2  }
0x56: {  	_ =	sdelay $0x2  }
0x57: {  	[sflag:s11] =	ssyncadd.s32 $0xFFFFF060  }
0x58: {  	_ =	sfence.sel $0x180000  }
0x59: {  	[bflag:$0x0] =	sbarrier.arrive $0xFFFF  }
0x5a: {  	p0 =	sne.s32 s0, $0x0;
	_ =	strace $0x90000050  }
0x5b: {  	s0 =	sadd.s32 @!p0 $0x100000, s1;
	[bflag:$0x2] =	sbarrier.arrive $0xFFFF  }
0x5c: {  	[sflag:s0] =	ssyncadd.tile.s32 @!p0 $0x1;
	_ =	shalt  }
.Lfunc_end2:
_tile_overlayer_lowered:
.L_overlay_start_2:
0x5d: {  	(tag) =	ssettag $0x2  }
0x5e: {  	s0 =	rddreg [dreg:$0x0];
	s2 =	stileid.u32  }
0x5f: {  	s1 =	rddreg [dreg:$0x1];
	p0 =	sne.s32 s2, $0x0  }
0x60: {  	s3 =	rddreg [dreg:$0x2];
	[bflag:$0x3] =	sbarrier.arrive $0xFFFF;
	s2 =	simm.s32 @!p0 $0x1C01  }
0x61: {  	[timem:s3], [sflag:s2] =	dma.local @!p0 [hbm:s0], s1  }
0x62: {  	s0 =	simm.s32 @!p0 $0x1  }
0x63: {  	_ =	swait.ge @!p0 [sflag:s0], s1  }
0x64: {  	s1 =	ssub.s32 @!p0 $0x0, s1;
	[sflag:s0] =	ssyncset.done @!p0 $0x0  }
0x65: {  	[sflag:s0] =	ssyncadd.s32 @!p0 s1  }
0x66: {  	[bflag:$0x3] =	sbarrier.arrive $0xFFFF  }
0x67: {  	_ =	shalt  }

// kernel: kernel.29.cloned.1.call-start
scs
__scs_entry_jumppad:
0x0: {  	(pc) =	sbr.rel $0x88, $3  }
0x1: {  	(tag) =	ssettag $0x0;
	lr =	simm.s32 $0x1  }
0x2: {  	[smem:$0x3F46] =	sst lr;
	_ =	strace $0xD0000000  }
0x3: {  	_ = 	snop  }
0x4: {  	_ = 	snop  }
0x5: {  	_ = 	snop  }
0x6: {  	_ = 	snop  }
0x7: {  	_ = 	snop  }
__scs_overlays_trampoline_lowered:
0x8: {  	[smem:$0x3F55] =	sst s0  }
0x9: {  	[smem:$0x3F56] =	sst s1  }
0xa: {  	[smem:$0x3F57] =	sst s2  }
0xb: {  	[smem:$0x3F58] =	sst s3  }
0xc: {  	[smem:$0x3F59] =	sst s4  }
0xd: {  	[smem:$0x3F5A] =	sst s5  }
0xe: {  	[smem:$0x3F5B] =	sst s6  }
0xf: {  	[smem:$0x3F5C] =	sst s7  }
0x10: {  	[smem:$0x3F5D] =	sst s8  }
0x11: {  	[smem:$0x3F5E] =	sst s9;
	s0 =	simm.s32 @!p0 $0x0  }
0x12: {  	s1 =	sld [smem:$0x3F44];
	s0 =	simm.s32 @p0 $0x1  }
0x13: {  	[smem:$0x3F5F] =	sst s0;
	s0 =	simm.s32 @!p1 $0x0  }
0x14: {  	s2 =	sld [smem:$0x3F43];
	s0 =	simm.s32 @p1 $0x1  }
0x15: {  	[smem:$0x3F60] =	sst s0;
	s0 =	simm.s32 @!p2 $0x0  }
0x16: {  	s3 =	sld [smem:$0x3FDB];
	s0 =	simm.s32 @p2 $0x1  }
0x17: {  	s4 =	simm.s32 $0x1BF5;
	[smem:$0x3F62] =	sst s0  }
0x18: {  	s0 =	sld [smem:$0x3F45];
	_ =	swait.ge [sflag:s4], $0x0  }
0x19: {  	s7 =	sld [smem:$0x3F46]  }
0x1a: {  	s8 =	sadd.s32 $0xFFFFE003, lr  }
0x1b: {  	s9 =	sadd.s32 $0xFFFFFEF7, lr;
	s5 =	simm.s32 $0xFFFFFFFF;
	p2 =	slt.u32 s8, $0xFFFFF086  }
0x1c: {  	p1 =	slt.u32 s9, $0xF7A;
	s5 =	simm.s32 @!p2 $0x0  }
0x1d: {  	s5 =	simm.s32 @p1 $0x1;
	p0 =	seq.s32 s7, s2  }
0x1e: {  	s7 =	smul.u32 @!p0 $0xF7A, s2;
	p2 =	seq.s32 @!p0 s5, $0x0  }
0x1f: {  	s9 =	smul.u32 $0xF7A, s1;
	s8 =	simm.s32 @!p0 $0x1BF5;
	p2 =	por !p2, p0  }
0x20: {  	[sflag:s8] =	ssyncset.s32 @!p0 $0xFFFFF086;
	s6 =	sadd.s32 @!p0 s3, s7;
	s7 =	simm.s32 @!p0 $0x108  }
0x21: {  	s3 =	sadd.s32 s3, s9;
	s6 =	sadd.s32 @!p0 $0x88, s6;
	s7 =	simm.s32 @p2 $0x1082  }
0x22: {  	[simem:s7], [sflag:s8] =	dma.local @!p0 [hbm:s6], $0xF7A  }
0x23: {  	s9 =	sor.u32 $0xD0000000, s2;
	s6 =	simm.s32 $0x108;
	_ =	swait.ge @!p0 [sflag:s8], $0x0  }
0x24: {  	s3 =	sadd.s32 $0x88, s3;
	s6 =	simm.s32 @!p1 $0x1082;
	[sflag:s4] =	ssyncset.s32 $0xFFFFF086  }
0x25: {  	[simem:s6], [sflag:s4] =	dma.local [hbm:s3], $0xF7A  }
0x26: {  	[smem:$0x3F46] =	sst s1;
	(tag) =	ssettag s2;
	_ =	strace s9  }
0x27: {  	s1 =	sld [smem:$0x3F56]  }
0x28: {  	s2 =	sld [smem:$0x3F57]  }
0x29: {  	s4 =	sld [smem:$0x3F59]  }
0x2a: {  	p0 =	seq.s32 s5, $0x0;
	s5 =	sld [smem:$0x3F5A]  }
0x2b: {  	s6 =	sld [smem:$0x3F5B]  }
0x2c: {  	s7 =	sld [smem:$0x3F5C]  }
0x2d: {  	s3 =	simm.s32 $0x108;
	s8 =	sld [smem:$0x3F5D]  }
0x2e: {  	s3 =	simm.s32 @!p0 $0x1082;
	s9 =	sld [smem:$0x3F5E]  }
0x2f: {  	lr =	sadd.s32 s0, s3;
	s0 =	sld [smem:$0x3F55]  }
0x30: {  	s3 =	sld [smem:$0x3F58]  }
0x31: {  	[smem:$0x3F61] =	sst s10  }
0x32: {  	s10 =	sld [smem:$0x3F5F];
	_ =	sdelay $0x3  }
0x33: {  	p0 =	seq.s32 s10, $0x1;
	s10 =	sld [smem:$0x3F61];
	_ =	sdelay $0x3  }
0x34: {  	[smem:$0x3F61] =	sst s10  }
0x35: {  	s10 =	sld [smem:$0x3F60];
	_ =	sdelay $0x3  }
0x36: {  	p1 =	seq.s32 s10, $0x1;
	s10 =	sld [smem:$0x3F61];
	_ =	sdelay $0x3  }
0x37: {  	[smem:$0x3F61] =	sst s10  }
0x38: {  	s10 =	sld [smem:$0x3F62]  }
0x39: {  	_ = 	snop;
	(pc) =	sbr.ind lr, $3  }
0x3a: {  	_ = 	snop  }
0x3b: {  	_ = 	snop  }
0x3c: {  	p2 =	seq.s32 s10, $0x1;
	s10 =	sld [smem:$0x3F61]  }
0x3d: {  	_ =	shalt  }
0x3e: {  	_ =	shalt  }
0x3f: {  	_ =	shalt  }
0x40: {  	_ =	shalt  }
0x41: {  	_ =	shalt  }
0x42: {  	_ =	shalt  }
0x43: {  	_ =	shalt  }
0x44: {  	_ =	shalt  }
0x45: {  	_ =	shalt  }
0x46: {  	_ =	shalt  }
0x47: {  	_ =	shalt  }
0x48: {  	_ =	shalt  }
0x49: {  	_ =	shalt  }
0x4a: {  	_ =	shalt  }
0x4b: {  	_ =	shalt  }
0x4c: {  	_ =	shalt  }
0x4d: {  	_ =	shalt  }
0x4e: {  	_ =	shalt  }
0x4f: {  	_ =	shalt  }
0x50: {  	_ =	shalt  }
0x51: {  	_ =	shalt  }
0x52: {  	_ =	shalt  }
0x53: {  	_ =	shalt  }
0x54: {  	_ =	shalt  }
0x55: {  	_ =	shalt  }
0x56: {  	_ =	shalt  }
0x57: {  	_ =	shalt  }
0x58: {  	_ =	shalt  }
0x59: {  	_ =	shalt  }
0x5a: {  	_ =	shalt  }
0x5b: {  	_ =	shalt  }
0x5c: {  	_ =	shalt  }
0x5d: {  	_ =	shalt  }
0x5e: {  	_ =	shalt  }
0x5f: {  	_ =	shalt  }
0x60: {  	_ =	shalt  }
0x61: {  	_ =	shalt  }
0x62: {  	_ =	shalt  }
0x63: {  	_ =	shalt  }
0x64: {  	_ =	shalt  }
0x65: {  	_ =	shalt  }
0x66: {  	_ =	shalt  }
0x67: {  	_ =	shalt  }
0x68: {  	_ =	shalt  }
0x69: {  	_ =	shalt  }
0x6a: {  	_ =	shalt  }
0x6b: {  	_ =	shalt  }
0x6c: {  	_ =	shalt  }
0x6d: {  	_ =	shalt  }
0x6e: {  	_ =	shalt  }
0x6f: {  	_ =	shalt  }
0x70: {  	_ =	shalt  }
0x71: {  	_ =	shalt  }
0x72: {  	_ =	shalt  }
0x73: {  	_ =	shalt  }
0x74: {  	_ =	shalt  }
0x75: {  	_ =	shalt  }
0x76: {  	_ =	shalt  }
0x77: {  	_ =	shalt  }
0x78: {  	_ =	shalt  }
0x79: {  	_ =	shalt  }
0x7a: {  	_ =	shalt  }
0x7b: {  	_ =	shalt  }
0x7c: {  	_ =	shalt  }
0x7d: {  	_ =	shalt  }
0x7e: {  	_ =	shalt  }
0x7f: {  	_ =	shalt  }
0x80: {  	_ =	shalt  }
0x81: {  	_ =	shalt  }
0x82: {  	_ =	shalt  }
0x83: {  	_ =	shalt  }
0x84: {  	_ =	shalt  }
0x85: {  	_ =	shalt  }
0x86: {  	_ =	shalt  }
0x87: {  	_ =	shalt  }
.Lfunc_end0:
.L_simem_size_0:
called_computation.4_lowered:
.L_overlay_start_0:
0x88: {  	s2 =	sld [smem:$0x3FD9]  }
0x89: {  	s3 =	sld [smem:$0x3FFE];
	_ =	sdelay $0x1  }
0x8a: {  	s1 =	srdreg.scid  }
0x8b: {  	s0 =	sand.u32 $0x1, s1  }
0x8c: {  	s14 =	sshll.u32 s0, $0xA;
	s2 =	sadd.s32 s3, s2  }
0x8d: {  	s2 =	sadd.s32 s2, s14  }
0x8e: {  	[smem:$0x3F6D] =	sst s2  }
0x8f: {  	_ = 	snop  }
0x90: {  	s2 =	sld [smem:$0x3FD0];
	_ =	sdelay $0x2  }
0x91: {  	s15 =	simm.s32 $0xA;
	s4 =	simm.s32 $0x10  }
0x92: {  	[smem:s4], [sflag:s15] =	dma.local [hbm:s2], $0x1  }
0x93: {  	_ =	swait.eq [sflag:s15], $0x1  }
0x94: {  	[sflag:s15] =	ssyncset.done $0x0  }
0x95: {  	[sflag:s15] =	ssyncadd.s32 $0xFFFFFFFF  }
0x96: {  	s16 =	sld [smem:$0x10];
	(tm) =	ssettm $0x1  }
0x97: {  	s17 =	sld [smem:$0x3FFB];
	_ =	sdelay $0x3  }
0x98: {  	_ =	strace s17  }
0x99: {  	s3 =	sld [smem:$0x3FFC];
	_ =	sdelay $0x3  }
0x9a: {  	_ =	strace s3  }
0x9b: {  	s3 =	sld [smem:$0x3FFD];
	_ =	sdelay $0x3  }
0x9c: {  	_ =	strace s3  }
0x9d: {  	_ =	strace $0x8FFFFFFF  }
0x9e: {  	s18 =	sld [smem:$0x3FDB];
	_ =	sdelay $0x1  }
0x9f: {  	s19 =	simm.s32 $_scs_section_size  }
0xa0: {  	s5 =	simm.s32 $_size__tile_overlayer_lowered;
	s6 =	simm.s32 $_tile_overlayer_lowered  }
0xa1: {  	s22 =	simm.s32 $0x1BFF;
	s21 =	sshll.u32 s6, $0x1;
	s3 =	sadd.s32 s19, s18  }
0xa2: {  	s7 =	simm.s32 $0x0;
	s20 =	sshll.u32 s5, $0x1;
	s5 =	sadd.s32 s21, s3  }
0xa3: {  	[timem:s7], [sflag:s22] =	dma.local [hbm:s5], s20  }
0xa4: {  	_ =	swait.ge [sflag:s22], s20  }
0xa5: {  	s4 =	ssub.s32 $0x0, s20;
	[sflag:s22] =	ssyncset.done $0x0  }
0xa6: {  	[sflag:s22] =	ssyncadd.s32 s4;
	_ =	sdelay $0x1  }
0xa7: {  	s23 =	simm.s32 $0x1B8B  }
0xa8: {  	_ =	swait.ge [sflag:s23], $0x1  }
0xa9: {  	[sflag:s23] =	ssyncset.done $0x0  }
0xaa: {  	s25 =	simm.s32 $0x1B8E;
	s24 =	sld [smem:$0x3FFE];
	[sflag:s23] =	ssyncadd.s32 $0xFFFFFFFF  }
0xab: {  	s26 =	simm.s32 $execute0_lowered;
	[smem:$0x3FD2] =	sst s25  }
0xac: {  	s5 =	sshll.u32 s26, $0x1;
	_ =	strace $0x80000052;
	[dreg:$0x1] =	wrdreg $0xFFFFFFFF  }
0xad: {  	s28 =	simm.s32 $_size_execute0_lowered;
	s3 =	sadd.s32 s3, s5;
	[dreg:$0x0] =	wrdreg $0x0  }
0xae: {  	s5 =	sshll.u32 s28, $0x1;
	[dreg:$0x2] =	wrdreg s3  }
0xaf: {  	[dreg:$0x3] =	wrdreg s5  }
0xb0: {  	[dreg:$0x4] =	wrdreg $0xC0  }
0xb1: {  	_ =	task [dreg:s7], $0x5FFFF  }
0xb2: {  	[dreg:$0x1] =	wrdreg $0xFFFFFFFF  }
0xb3: {  	[dreg:$0x0] =	wrdreg $0x60  }
0xb4: {  	[dreg:$0x2] =	wrdreg s24  }
0xb5: {  	[dreg:$0x3] =	wrdreg s16  }
0xb6: {  	[dreg:$0x4] =	wrdreg $0x9  }
0xb7: {  	_ =	task.clear_ibuf [dreg:s7], $0x5FFFF;
	_ =	strace $0x90000052  }
0xb8: {  	s29 =	simm.s32 $0x9;
	_ =	strace $0x80000054  }
0xb9: {  	_ =	swait.ge [sflag:s29], $0x1  }
0xba: {  	[sflag:s29] =	ssyncadd.s32 $0xFFFFFFFF  }
0xbb: {  	_ =	strace $0x90000054  }
0xbc: {  	_ =	sfence  }
0xbd: {  	s30 =	sld [smem:$0x0];
	_ =	sdelay $0x2  }
0xbe: {  	s31 =	sshll.u32 s1, $0xD;
	s1 =	sshrl.u32 s1, $0x2  }
0xbf: {  	s3 =	sand.u32 $0x4000, s31;
	s1 =	sadd.s32 s1, s30  }
0xc0: {  	s0 =	sor.u32 s3, s0;
	s1 =	sshll.u32 s1, $0x11  }
0xc1: {  	s0 =	sor.u32 s1, s0  }
0xc2: {  	s0 =	sadd.s32 $0x8F2B, s0  }
0xc3: {  	[sflag:s0] =	ssyncadd.remote.s32 $0x1  }
0xc4: {  	_ =	sfence.sel $0xFFFF  }
0xc5: {  	[dreg:$0x0] =	wrdreg $0xFFFFFFFF;
	(pc) =	sbr.abs _section_cstart, $3  }
0xc6: {  	[dreg:$0x1] =	wrdreg $0xFFFFFFFF  }
0xc7: {  	_ =	task.clear_ibuf [dreg:s7], $0x2FFFF;
	_ =	strace $0x9FFFFFFF  }
0xc8: {  	(tm) =	ssettm $0x7FFFFFFF  }
0xc9: {  	_ =	shalt  }
tec
execute0_lowered:
.L_overlay_start_1:
0x0: {  	(tag) =	ssettag $0x1  }
0x1: {  	s4 =	rddreg [dreg:$0x0]  }
0x2: {  	s7 =	rddreg [dreg:$0x1]  }
0x3: {  	s0 =	rddreg [dreg:$0x2];
	s3 =	srdreg.scid  }
0x4: {  	s1 =	stileid.u32;
	s2 =	simm.s32 $0x0;
	s12 =	simm.s32 $0x32A0  }
0x5: {  	s13 =	simm.s32 $0x1;
	s14 =	simm.s32 $0x2;
	s6 =	smul.u32 $0x4E20, s1  }
0x6: {  	s15 =	simm.s32 $0x0;
	s5 =	sand.u32 $0x1, s3;
	s9 =	smul.u32 $0x61A80, s1  }
0x7: {  	[smem:$0x7FF] =	sst s2;
	s3 =	sadd.s32 $0x6F400, s4;
	s8 =	smul.u32 $0x2710, s5  }
0x8: {  	_ =	strace $0x80000053;
	s28 =	ssub.s32 $0x2, s5;
	s5 =	smul.u32 $0x30D40, s5  }
0x9: {  	s29 =	sadd.s32 s9, s4;
	s30 =	sshrl.u32 s28, $0x1;
	s6 =	sadd.s32 s8, s6  }
0xa: {  	s9 =	simm.s32 $0x3;
	s31 =	ssub.s32 s28, s30;
	s10 =	sshrl.u32 s6, $0x3  }
0xb: {  	s6 =	sadd.s32 s5, s29;
	s11 =	sadd.s32 s10, s4;
	s4 =	smax.u32 s31, $0x1  }
0xc: {  	s5 =	sadd.s32 $0x6BAA00, s6;
	s6 =	sadd.s32 $0xA0200, s6;
	s7 =	sadd.s32 s10, s7  }
0xd: {  	s10 =	simm.s32 $0x50;
	s8 =	sadd.s32 $0x17200, s11;
	s11 =	simm.s32 $0xA0  }
.LBB2_1:
0xe: {  	s16 =	sadd.s32 $0x0, s8  }
0xf: {  	[tilespmem:s2], [sflag:$0x3] =	stream.linear.gather [hbm4b:s16+s2], $0x50, $0x38;
	[tilespmem:$0x64A0] =	vst v63  }
0x10: {  	_ =	swait.ge [sflag:s9], $0x50  }
0x11: {  	[sflag:s9] =	ssyncset.done $0x0  }
0x12: {  	s31 =	sadd.s32 $0x0, s7;
	[sflag:s9] =	ssyncadd.s32 $0xFFFFFFB0  }
0x13: {  	[tilespmem:s10], [sflag:$0x3] =	stream.linear.gather [hbm4b:s31+s2], $0x50, $0x38;
	[tilespmem:$0x64A0] =	vst v63  }
0x14: {  	_ =	swait.ge [sflag:s9], $0x50  }
0x15: {  	[sflag:s9] =	ssyncset.done $0x0  }
0x16: {  	[sflag:s9] =	ssyncadd.s32 $0xFFFFFFB0  }
0x17: {  	[tilespmem:s11], [sflag:$0x1] =	stream.indirect.gather [hbm4b:s3+s10], $0xA0, s2, s10, $0xb8;
	[tilespmem:$0x64A0] =	vst v63  }
0x18: {  	_ = 	snop  }
0x19: {  	[tilespmem:s12], [sflag:$0x2] =	stream.indirect.gather [hbm4b:s3+s10], $0xA0, s10, s10, $0xb8;
	[tilespmem:$0x64A0] =	vst v63  }
0x1a: {  	_ =	swait.ge [sflag:s13], $0x3200  }
0x1b: {  	[sflag:s13] =	ssyncset.done $0x0  }
0x1c: {  	[sflag:s13] =	ssyncadd.s32 $0xFFFFCE00  }
0x1d: {  	[hbm4b:s5+s2] =	stream.linear.scatter [tilespmem:s11], [sflag:$0x3], $0x3200, $0x38;
	[tilespmem:$0x64A0] =	vst v63  }
0x1e: {  	_ =	swait.ge [sflag:s9], $0x3200  }
0x1f: {  	[sflag:s9] =	ssyncset.done $0x0  }
0x20: {  	[sflag:s9] =	ssyncadd.s32 $0xFFFFCE00  }
0x21: {  	_ =	swait.ge [sflag:s14], $0x3200  }
0x22: {  	[sflag:s14] =	ssyncset.done $0x0  }
0x23: {  	[sflag:s14] =	ssyncadd.s32 $0xFFFFCE00  }
0x24: {  	[hbm4b:s6+s2] =	stream.linear.scatter [tilespmem:s12], [sflag:$0x3], $0x3200, $0x38;
	[tilespmem:$0x64A0] =	vst v63  }
0x25: {  	s18 =	simm.s32 $0xA;
	s19 =	simm.s32 $0x14;
	_ =	swait.ge [sflag:s9], $0x3200  }
0x26: {  	s17 =	sadd.s32 $0x640, s5;
	s16 =	sadd.s32 $0x640, s6;
	[sflag:s9] =	ssyncset.done $0x0  }
.LBB2_2:
0x27: {  	s20 =	sadd.s32 s18, s8  }
0x28: {  	[sflag:s9] =	ssyncadd.s32 $0xFFFFCE00;
	s21 =	smov.u32 s19;
	s22 =	sadd.s32 $0xA, s19  }
0x29: {  	[tilespmem:s2], [sflag:$0x3] =	stream.linear.gather [hbm4b:s20+s2], $0x50, $0x38;
	[tilespmem:$0x64A0] =	vst v63  }
0x2a: {  	p0 =	sne.s32 s19, $0x4D8;
	_ =	swait.ge [sflag:s9], $0x50  }
0x2b: {  	[sflag:s9] =	ssyncset.done $0x0  }
0x2c: {  	s19 =	sadd.s32 s18, s7;
	s18 =	smov.u32 s21;
	[sflag:s9] =	ssyncadd.s32 $0xFFFFFFB0  }
0x2d: {  	[tilespmem:s10], [sflag:$0x3] =	stream.linear.gather [hbm4b:s19+s2], $0x50, $0x38;
	[tilespmem:$0x64A0] =	vst v63  }
0x2e: {  	_ =	swait.ge [sflag:s9], $0x50  }
0x2f: {  	[sflag:s9] =	ssyncset.done $0x0  }
0x30: {  	[sflag:s9] =	ssyncadd.s32 $0xFFFFFFB0  }
0x31: {  	[tilespmem:s11], [sflag:$0x1] =	stream.indirect.gather [hbm4b:s3+s10], $0xA0, s2, s10, $0xb8;
	[tilespmem:$0x64A0] =	vst v63  }
0x32: {  	_ = 	snop  }
0x33: {  	[tilespmem:s12], [sflag:$0x2] =	stream.indirect.gather [hbm4b:s3+s10], $0xA0, s10, s10, $0xb8;
	[tilespmem:$0x64A0] =	vst v63  }
0x34: {  	_ =	swait.ge [sflag:s13], $0x3200  }
0x35: {  	[sflag:s13] =	ssyncset.done $0x0  }
0x36: {  	[sflag:s13] =	ssyncadd.s32 $0xFFFFCE00  }
0x37: {  	[hbm4b:s17+s2] =	stream.linear.scatter [tilespmem:s11], [sflag:$0x3], $0x3200, $0x38;
	[tilespmem:$0x64A0] =	vst v63  }
0x38: {  	_ =	swait.ge [sflag:s9], $0x3200  }
0x39: {  	[sflag:s9] =	ssyncset.done $0x0  }
0x3a: {  	[sflag:s9] =	ssyncadd.s32 $0xFFFFCE00  }
0x3b: {  	_ =	swait.ge [sflag:s14], $0x3200  }
.Ltmp0:
0x3c: {  	[sflag:s14] =	ssyncset.done $0x0;
	(pc) =	sbr.rel @p0 .LBB2_2-.Ltmp0, $4  }
0x3d: {  	[sflag:s14] =	ssyncadd.s32 $0xFFFFCE00  }
0x3e: {  	[hbm4b:s16+s2] =	stream.linear.scatter [tilespmem:s12], [sflag:$0x3], $0x3200, $0x38;
	[tilespmem:$0x64A0] =	vst v63  }
0x3f: {  	s19 =	smov.u32 s22;
	_ =	swait.ge [sflag:s9], $0x3200  }
0x40: {  	s17 =	sadd.s32 $0x640, s17;
	s16 =	sadd.s32 $0x640, s16;
	[sflag:s9] =	ssyncset.done $0x0  }
0x41: {  	s19 =	sadd.s32 s18, s8;
	[sflag:s9] =	ssyncadd.s32 $0xFFFFCE00  }
0x42: {  	[tilespmem:s2], [sflag:$0x3] =	stream.linear.gather [hbm4b:s19+s2], $0x50, $0x38;
	[tilespmem:$0x64A0] =	vst v63  }
0x43: {  	_ =	swait.ge [sflag:s9], $0x50  }
0x44: {  	[sflag:s9] =	ssyncset.done $0x0  }
0x45: {  	s31 =	sadd.s32 s18, s7;
	[sflag:s9] =	ssyncadd.s32 $0xFFFFFFB0  }
0x46: {  	[tilespmem:s10], [sflag:$0x3] =	stream.linear.gather [hbm4b:s31+s2], $0x50, $0x38;
	[tilespmem:$0x64A0] =	vst v63  }
0x47: {  	_ =	swait.ge [sflag:s9], $0x50  }
0x48: {  	[sflag:s9] =	ssyncset.done $0x0  }
0x49: {  	[sflag:s9] =	ssyncadd.s32 $0xFFFFFFB0  }
0x4a: {  	[tilespmem:s11], [sflag:$0x1] =	stream.indirect.gather [hbm4b:s3+s10], $0xA0, s2, s10, $0xb8;
	[tilespmem:$0x64A0] =	vst v63  }
0x4b: {  	_ = 	snop  }
0x4c: {  	[tilespmem:s12], [sflag:$0x2] =	stream.indirect.gather [hbm4b:s3+s10], $0xA0, s10, s10, $0xb8;
	[tilespmem:$0x64A0] =	vst v63  }
0x4d: {  	_ =	swait.ge [sflag:s13], $0x3200  }
0x4e: {  	[sflag:s13] =	ssyncset.done $0x0  }
0x4f: {  	[sflag:s13] =	ssyncadd.s32 $0xFFFFCE00  }
0x50: {  	[hbm4b:s17+s2] =	stream.linear.scatter [tilespmem:s11], [sflag:$0x3], $0x3200, $0x38;
	[tilespmem:$0x64A0] =	vst v63  }
0x51: {  	_ =	swait.ge [sflag:s9], $0x3200  }
0x52: {  	[sflag:s9] =	ssyncset.done $0x0  }
0x53: {  	[sflag:s9] =	ssyncadd.s32 $0xFFFFCE00  }
0x54: {  	s15 =	sadd.s32 $0x1, s15;
	_ =	swait.ge [sflag:s14], $0x3200  }
0x55: {  	p0 =	sne.s32 s15, s4;
	[sflag:s14] =	ssyncset.done $0x0  }
.Ltmp1:
0x56: {  	[sflag:s14] =	ssyncadd.s32 $0xFFFFCE00;
	(pc) =	sbr.rel @p0 .LBB2_1-.Ltmp1, $4  }
0x57: {  	[hbm4b:s16+s2] =	stream.linear.scatter [tilespmem:s12], [sflag:$0x3], $0x3200, $0x38;
	[tilespmem:$0x64A0] =	vst v63  }
0x58: {  	_ =	swait.ge [sflag:s9], $0x3200  }
0x59: {  	[sflag:s9] =	ssyncset.done $0x0  }
0x5a: {  	[sflag:s9] =	ssyncadd.s32 $0xFFFFCE00  }
0x5b: {  	_ =	sfence.sel $0x180000  }
0x5c: {  	[bflag:$0x0] =	sbarrier.arrive $0xFFFF  }
0x5d: {  	p0 =	sne.s32 s1, $0x0;
	_ =	strace $0x90000053  }
0x5e: {  	s0 =	sadd.s32 @!p0 $0x100000, s0;
	[bflag:$0x2] =	sbarrier.arrive $0xFFFF  }
0x5f: {  	[sflag:s0] =	ssyncadd.tile.s32 @!p0 $0x1;
	_ =	shalt  }
.Lfunc_end2:
_tile_overlayer_lowered:
.L_overlay_start_2:
0x60: {  	(tag) =	ssettag $0x2  }
0x61: {  	s0 =	rddreg [dreg:$0x0];
	s2 =	stileid.u32  }
0x62: {  	s1 =	rddreg [dreg:$0x1];
	p0 =	sne.s32 s2, $0x0  }
0x63: {  	s3 =	rddreg [dreg:$0x2];
	[bflag:$0x3] =	sbarrier.arrive $0xFFFF;
	s2 =	simm.s32 @!p0 $0x1C03  }
0x64: {  	[timem:s3], [sflag:s2] =	dma.local @!p0 [hbm:s0], s1  }
0x65: {  	s0 =	simm.s32 @!p0 $0x3  }
0x66: {  	_ =	swait.ge @!p0 [sflag:s0], s1  }
0x67: {  	s1 =	ssub.s32 @!p0 $0x0, s1;
	[sflag:s0] =	ssyncset.done @!p0 $0x0  }
0x68: {  	[sflag:s0] =	ssyncadd.s32 @!p0 s1  }
0x69: {  	[bflag:$0x3] =	sbarrier.arrive $0xFFFF  }
0x6a: {  	_ =	shalt  }

// kernel: kernel.32.cloned.1.call-start
scs
__scs_entry_jumppad:
0x0: {  	(pc) =	sbr.rel $0x88, $3  }
0x1: {  	(tag) =	ssettag $0x0;
	lr =	simm.s32 $0x1  }
0x2: {  	[smem:$0x3F46] =	sst lr;
	_ =	strace $0xD0000000  }
0x3: {  	_ = 	snop  }
0x4: {  	_ = 	snop  }
0x5: {  	_ = 	snop  }
0x6: {  	_ = 	snop  }
0x7: {  	_ = 	snop  }
__scs_overlays_trampoline_lowered:
0x8: {  	[smem:$0x3F55] =	sst s0  }
0x9: {  	[smem:$0x3F56] =	sst s1  }
0xa: {  	[smem:$0x3F57] =	sst s2  }
0xb: {  	[smem:$0x3F58] =	sst s3  }
0xc: {  	[smem:$0x3F59] =	sst s4  }
0xd: {  	[smem:$0x3F5A] =	sst s5  }
0xe: {  	[smem:$0x3F5B] =	sst s6  }
0xf: {  	[smem:$0x3F5C] =	sst s7  }
0x10: {  	[smem:$0x3F5D] =	sst s8  }
0x11: {  	[smem:$0x3F5E] =	sst s9;
	s0 =	simm.s32 @!p0 $0x0  }
0x12: {  	s1 =	sld [smem:$0x3F44];
	s0 =	simm.s32 @p0 $0x1  }
0x13: {  	[smem:$0x3F5F] =	sst s0;
	s0 =	simm.s32 @!p1 $0x0  }
0x14: {  	s2 =	sld [smem:$0x3F43];
	s0 =	simm.s32 @p1 $0x1  }
0x15: {  	[smem:$0x3F60] =	sst s0;
	s0 =	simm.s32 @!p2 $0x0  }
0x16: {  	s3 =	sld [smem:$0x3FDB];
	s0 =	simm.s32 @p2 $0x1  }
0x17: {  	s4 =	simm.s32 $0x1BF5;
	[smem:$0x3F62] =	sst s0  }
0x18: {  	s0 =	sld [smem:$0x3F45];
	_ =	swait.ge [sflag:s4], $0x0  }
0x19: {  	s7 =	sld [smem:$0x3F46]  }
0x1a: {  	s8 =	sadd.s32 $0xFFFFE003, lr  }
0x1b: {  	s9 =	sadd.s32 $0xFFFFFEF7, lr;
	s5 =	simm.s32 $0xFFFFFFFF;
	p2 =	slt.u32 s8, $0xFFFFF086  }
0x1c: {  	p1 =	slt.u32 s9, $0xF7A;
	s5 =	simm.s32 @!p2 $0x0  }
0x1d: {  	s5 =	simm.s32 @p1 $0x1;
	p0 =	seq.s32 s7, s2  }
0x1e: {  	s7 =	smul.u32 @!p0 $0xF7A, s2;
	p2 =	seq.s32 @!p0 s5, $0x0  }
0x1f: {  	s9 =	smul.u32 $0xF7A, s1;
	s8 =	simm.s32 @!p0 $0x1BF5;
	p2 =	por !p2, p0  }
0x20: {  	[sflag:s8] =	ssyncset.s32 @!p0 $0xFFFFF086;
	s6 =	sadd.s32 @!p0 s3, s7;
	s7 =	simm.s32 @!p0 $0x108  }
0x21: {  	s3 =	sadd.s32 s3, s9;
	s6 =	sadd.s32 @!p0 $0x88, s6;
	s7 =	simm.s32 @p2 $0x1082  }
0x22: {  	[simem:s7], [sflag:s8] =	dma.local @!p0 [hbm:s6], $0xF7A  }
0x23: {  	s9 =	sor.u32 $0xD0000000, s2;
	s6 =	simm.s32 $0x108;
	_ =	swait.ge @!p0 [sflag:s8], $0x0  }
0x24: {  	s3 =	sadd.s32 $0x88, s3;
	s6 =	simm.s32 @!p1 $0x1082;
	[sflag:s4] =	ssyncset.s32 $0xFFFFF086  }
0x25: {  	[simem:s6], [sflag:s4] =	dma.local [hbm:s3], $0xF7A  }
0x26: {  	[smem:$0x3F46] =	sst s1;
	(tag) =	ssettag s2;
	_ =	strace s9  }
0x27: {  	s1 =	sld [smem:$0x3F56]  }
0x28: {  	s2 =	sld [smem:$0x3F57]  }
0x29: {  	s4 =	sld [smem:$0x3F59]  }
0x2a: {  	p0 =	seq.s32 s5, $0x0;
	s5 =	sld [smem:$0x3F5A]  }
0x2b: {  	s6 =	sld [smem:$0x3F5B]  }
0x2c: {  	s7 =	sld [smem:$0x3F5C]  }
0x2d: {  	s3 =	simm.s32 $0x108;
	s8 =	sld [smem:$0x3F5D]  }
0x2e: {  	s3 =	simm.s32 @!p0 $0x1082;
	s9 =	sld [smem:$0x3F5E]  }
0x2f: {  	lr =	sadd.s32 s0, s3;
	s0 =	sld [smem:$0x3F55]  }
0x30: {  	s3 =	sld [smem:$0x3F58]  }
0x31: {  	[smem:$0x3F61] =	sst s10  }
0x32: {  	s10 =	sld [smem:$0x3F5F];
	_ =	sdelay $0x3  }
0x33: {  	p0 =	seq.s32 s10, $0x1;
	s10 =	sld [smem:$0x3F61];
	_ =	sdelay $0x3  }
0x34: {  	[smem:$0x3F61] =	sst s10  }
0x35: {  	s10 =	sld [smem:$0x3F60];
	_ =	sdelay $0x3  }
0x36: {  	p1 =	seq.s32 s10, $0x1;
	s10 =	sld [smem:$0x3F61];
	_ =	sdelay $0x3  }
0x37: {  	[smem:$0x3F61] =	sst s10  }
0x38: {  	s10 =	sld [smem:$0x3F62]  }
0x39: {  	_ = 	snop;
	(pc) =	sbr.ind lr, $3  }
0x3a: {  	_ = 	snop  }
0x3b: {  	_ = 	snop  }
0x3c: {  	p2 =	seq.s32 s10, $0x1;
	s10 =	sld [smem:$0x3F61]  }
0x3d: {  	_ =	shalt  }
0x3e: {  	_ =	shalt  }
0x3f: {  	_ =	shalt  }
0x40: {  	_ =	shalt  }
0x41: {  	_ =	shalt  }
0x42: {  	_ =	shalt  }
0x43: {  	_ =	shalt  }
0x44: {  	_ =	shalt  }
0x45: {  	_ =	shalt  }
0x46: {  	_ =	shalt  }
0x47: {  	_ =	shalt  }
0x48: {  	_ =	shalt  }
0x49: {  	_ =	shalt  }
0x4a: {  	_ =	shalt  }
0x4b: {  	_ =	shalt  }
0x4c: {  	_ =	shalt  }
0x4d: {  	_ =	shalt  }
0x4e: {  	_ =	shalt  }
0x4f: {  	_ =	shalt  }
0x50: {  	_ =	shalt  }
0x51: {  	_ =	shalt  }
0x52: {  	_ =	shalt  }
0x53: {  	_ =	shalt  }
0x54: {  	_ =	shalt  }
0x55: {  	_ =	shalt  }
0x56: {  	_ =	shalt  }
0x57: {  	_ =	shalt  }
0x58: {  	_ =	shalt  }
0x59: {  	_ =	shalt  }
0x5a: {  	_ =	shalt  }
0x5b: {  	_ =	shalt  }
0x5c: {  	_ =	shalt  }
0x5d: {  	_ =	shalt  }
0x5e: {  	_ =	shalt  }
0x5f: {  	_ =	shalt  }
0x60: {  	_ =	shalt  }
0x61: {  	_ =	shalt  }
0x62: {  	_ =	shalt  }
0x63: {  	_ =	shalt  }
0x64: {  	_ =	shalt  }
0x65: {  	_ =	shalt  }
0x66: {  	_ =	shalt  }
0x67: {  	_ =	shalt  }
0x68: {  	_ =	shalt  }
0x69: {  	_ =	shalt  }
0x6a: {  	_ =	shalt  }
0x6b: {  	_ =	shalt  }
0x6c: {  	_ =	shalt  }
0x6d: {  	_ =	shalt  }
0x6e: {  	_ =	shalt  }
0x6f: {  	_ =	shalt  }
0x70: {  	_ =	shalt  }
0x71: {  	_ =	shalt  }
0x72: {  	_ =	shalt  }
0x73: {  	_ =	shalt  }
0x74: {  	_ =	shalt  }
0x75: {  	_ =	shalt  }
0x76: {  	_ =	shalt  }
0x77: {  	_ =	shalt  }
0x78: {  	_ =	shalt  }
0x79: {  	_ =	shalt  }
0x7a: {  	_ =	shalt  }
0x7b: {  	_ =	shalt  }
0x7c: {  	_ =	shalt  }
0x7d: {  	_ =	shalt  }
0x7e: {  	_ =	shalt  }
0x7f: {  	_ =	shalt  }
0x80: {  	_ =	shalt  }
0x81: {  	_ =	shalt  }
0x82: {  	_ =	shalt  }
0x83: {  	_ =	shalt  }
0x84: {  	_ =	shalt  }
0x85: {  	_ =	shalt  }
0x86: {  	_ =	shalt  }
0x87: {  	_ =	shalt  }
.Lfunc_end0:
.L_simem_size_0:
called_computation.5_lowered:
.L_overlay_start_0:
0x88: {  	s2 =	sld [smem:$0x3FD9]  }
0x89: {  	s3 =	sld [smem:$0x3FFE];
	_ =	sdelay $0x1  }
0x8a: {  	s1 =	srdreg.scid  }
0x8b: {  	s0 =	sand.u32 $0x1, s1  }
0x8c: {  	s14 =	sshll.u32 s0, $0xA;
	s2 =	sadd.s32 s3, s2  }
0x8d: {  	s2 =	sadd.s32 s2, s14  }
0x8e: {  	[smem:$0x3F6D] =	sst s2  }
0x8f: {  	_ = 	snop  }
0x90: {  	s2 =	sld [smem:$0x3FD0];
	_ =	sdelay $0x2  }
0x91: {  	s15 =	simm.s32 $0xA;
	s4 =	simm.s32 $0x10  }
0x92: {  	[smem:s4], [sflag:s15] =	dma.local [hbm:s2], $0x1  }
0x93: {  	_ =	swait.eq [sflag:s15], $0x1  }
0x94: {  	[sflag:s15] =	ssyncset.done $0x0  }
0x95: {  	[sflag:s15] =	ssyncadd.s32 $0xFFFFFFFF  }
0x96: {  	s16 =	sld [smem:$0x10];
	(tm) =	ssettm $0x1  }
0x97: {  	s17 =	sld [smem:$0x3FFB];
	_ =	sdelay $0x3  }
0x98: {  	_ =	strace s17  }
0x99: {  	s3 =	sld [smem:$0x3FFC];
	_ =	sdelay $0x3  }
0x9a: {  	_ =	strace s3  }
0x9b: {  	s3 =	sld [smem:$0x3FFD];
	_ =	sdelay $0x3  }
0x9c: {  	_ =	strace s3  }
0x9d: {  	_ =	strace $0x8FFFFFFF  }
0x9e: {  	s18 =	sld [smem:$0x3FDB];
	_ =	sdelay $0x1  }
0x9f: {  	s19 =	simm.s32 $_scs_section_size  }
0xa0: {  	s5 =	simm.s32 $_size__tile_overlayer_lowered;
	s6 =	simm.s32 $_tile_overlayer_lowered  }
0xa1: {  	s22 =	simm.s32 $0x1BFF;
	s21 =	sshll.u32 s6, $0x1;
	s3 =	sadd.s32 s19, s18  }
0xa2: {  	s7 =	simm.s32 $0x0;
	s20 =	sshll.u32 s5, $0x1;
	s5 =	sadd.s32 s21, s3  }
0xa3: {  	[timem:s7], [sflag:s22] =	dma.local [hbm:s5], s20  }
0xa4: {  	_ =	swait.ge [sflag:s22], s20  }
0xa5: {  	s4 =	ssub.s32 $0x0, s20;
	[sflag:s22] =	ssyncset.done $0x0  }
0xa6: {  	[sflag:s22] =	ssyncadd.s32 s4;
	_ =	sdelay $0x1  }
0xa7: {  	s23 =	simm.s32 $0x1B8B  }
0xa8: {  	_ =	swait.ge [sflag:s23], $0x1  }
0xa9: {  	[sflag:s23] =	ssyncset.done $0x0  }
0xaa: {  	s25 =	simm.s32 $0x1B8E;
	s24 =	sld [smem:$0x3FFE];
	[sflag:s23] =	ssyncadd.s32 $0xFFFFFFFF  }
0xab: {  	s26 =	simm.s32 $execute0_lowered;
	[smem:$0x3FD2] =	sst s25  }
0xac: {  	s5 =	sshll.u32 s26, $0x1;
	_ =	strace $0x80000055;
	[dreg:$0x1] =	wrdreg $0xFFFFFFFF  }
0xad: {  	s28 =	simm.s32 $_size_execute0_lowered;
	s3 =	sadd.s32 s3, s5;
	[dreg:$0x0] =	wrdreg $0x0  }
0xae: {  	s5 =	sshll.u32 s28, $0x1;
	[dreg:$0x2] =	wrdreg s3  }
0xaf: {  	[dreg:$0x3] =	wrdreg s5  }
0xb0: {  	[dreg:$0x4] =	wrdreg $0xC0  }
0xb1: {  	_ =	task [dreg:s7], $0x5FFFF  }
0xb2: {  	[dreg:$0x1] =	wrdreg $0xFFFFFFFF  }
0xb3: {  	[dreg:$0x0] =	wrdreg $0x60  }
0xb4: {  	[dreg:$0x2] =	wrdreg s24  }
0xb5: {  	[dreg:$0x3] =	wrdreg s16  }
0xb6: {  	[dreg:$0x4] =	wrdreg $0x0  }
0xb7: {  	[dreg:$0x5] =	wrdreg $0x9  }
0xb8: {  	_ =	task.clear_ibuf [dreg:s7], $0x6FFFF;
	_ =	strace $0x90000055  }
0xb9: {  	s29 =	simm.s32 $0x9;
	_ =	strace $0x80000057  }
0xba: {  	_ =	swait.ge [sflag:s29], $0x1  }
0xbb: {  	[sflag:s29] =	ssyncadd.s32 $0xFFFFFFFF  }
0xbc: {  	_ =	strace $0x90000057  }
0xbd: {  	_ =	sfence  }
0xbe: {  	s30 =	sld [smem:$0x0];
	_ =	sdelay $0x2  }
0xbf: {  	s31 =	sshll.u32 s1, $0xD;
	s1 =	sshrl.u32 s1, $0x2  }
0xc0: {  	s3 =	sand.u32 $0x4000, s31;
	s1 =	sadd.s32 s1, s30  }
0xc1: {  	s0 =	sor.u32 s3, s0;
	s1 =	sshll.u32 s1, $0x11  }
0xc2: {  	s0 =	sor.u32 s1, s0  }
0xc3: {  	s0 =	sadd.s32 $0x8F2B, s0  }
0xc4: {  	[sflag:s0] =	ssyncadd.remote.s32 $0x1  }
0xc5: {  	_ =	sfence.sel $0xFFFF  }
0xc6: {  	[dreg:$0x0] =	wrdreg $0xFFFFFFFF;
	(pc) =	sbr.abs _section_cstart, $3  }
0xc7: {  	[dreg:$0x1] =	wrdreg $0xFFFFFFFF  }
0xc8: {  	_ =	task.clear_ibuf [dreg:s7], $0x2FFFF;
	_ =	strace $0x9FFFFFFF  }
0xc9: {  	(tm) =	ssettm $0x7FFFFFFF  }
tec
execute0_lowered:
.L_overlay_start_1:
0x0: {  	(tag) =	ssettag $0x1  }
0x1: {  	s5 =	rddreg [dreg:$0x0]  }
0x2: {  	s8 =	rddreg [dreg:$0x1]  }
0x3: {  	s0 =	stileid.u32;
	s1 =	srdreg.scid  }
0x4: {  	s2 =	rddreg [dreg:$0x2];
	s6 =	smul.u32 $0x61A80, s0  }
0x5: {  	s3 =	simm.s32 $0x0;
	s15 =	simm.s32 $0x0;
	s10 =	smul.u32 $0x186A0, s0  }
0x6: {  	s7 =	sand.u32 $0x1, s1;
	s1 =	rddreg [dreg:$0x3];
	s12 =	smul.u32 $0x4E20, s0  }
0x7: {  	[smem:$0x7FF] =	sst s3;
	s4 =	sadd.s32 $0x6F200, s5;
	s9 =	smul.u32 $0x186A00, s7  }
0x8: {  	_ =	strace $0x80000056;
	s29 =	ssub.s32 $0x2, s7;
	s14 =	smul.u32 $0x2710, s7  }
0x9: {  	s7 =	smul.u32 $0x30D40, s7;
	s11 =	sadd.s32 s6, s5;
	s13 =	sshrl.u32 s29, $0x1  }
0xa: {  	s6 =	sshrl.u32 s6, $0x2;
	s9 =	sadd.s32 s10, s9;
	s30 =	ssub.s32 s29, s13  }
0xb: {  	s31 =	sadd.s32 s14, s12;
	s6 =	sadd.s32 s6, s2;
	s7 =	sadd.s32 s7, s11  }
0xc: {  	s11 =	simm.s32 $0x1;
	s12 =	simm.s32 $0x19640;
	s13 =	simm.s32 $0x19690  }
0xd: {  	s14 =	simm.s32 $0x50;
	s9 =	sshrl.u32 s9, $0x3;
	s10 =	sshrl.u32 s31, $0x3  }
0xe: {  	s7 =	sadd.s32 $0xA33400, s7;
	s9 =	sadd.s32 s9, s5;
	s5 =	smax.u32 s30, $0x1  }
0xf: {  	s8 =	sadd.s32 s10, s8;
	s10 =	simm.s32 $0x186A0;
	s9 =	sadd.s32 $0x6F400, s9  }
.LBB2_1:
0x10: {  	[tilespmem:s10], [sflag:$0x1] =	stream.linear.gather [hbm4b:s4+s3], $0xFA0, $0x38;
	[tilespmem:$0x1C890] =	vst v63  }
0x11: {  	_ =	swait.ge [sflag:s11], $0xFA0  }
0x12: {  	[sflag:s11] =	ssyncset.done $0x0  }
0x13: {  	s16 =	sadd.s32 $0x0, s6;
	[sflag:s11] =	ssyncadd.s32 $0xFFFFF060  }
0x14: {  	[spmem:s16] =	stream.linear.scatter [tilespmem:s10], [sflag:$0x1], $0xFA0, $0x38;
	[tilespmem:$0x1C890] =	vst v63  }
0x15: {  	s16 =	simm.s32 $0x3E80;
	_ =	swait.ge [sflag:s11], $0xFA0  }
.LBB2_2:
0x16: {  	s17 =	sshra.s32 s16, $0x2;
	[sflag:s11] =	ssyncset.done $0x0;
	p0 =	sne.s32 s16, $0x5DC00  }
.Ltmp0:
0x17: {  	s17 =	sadd.s32 s17, s6;
	[sflag:s11] =	ssyncadd.s32 $0xFFFFF060;
	(pc) =	sbr.rel @p0 .LBB2_2-.Ltmp0, $3  }
0x18: {  	[spmem:s17] =	stream.linear.scatter [tilespmem:s10], [sflag:$0x1], $0xFA0, $0x38;
	[tilespmem:$0x1C890] =	vst v63  }
0x19: {  	s16 =	sadd.s32 $0x3E80, s16;
	_ =	sdelay $0x1  }
0x1a: {  	_ =	swait.ge [sflag:s11], $0xFA0  }
0x1b: {  	[sflag:s11] =	ssyncset.done $0x0  }
0x1c: {  	[sflag:s11] =	ssyncadd.s32 $0xFFFFF060  }
0x1d: {  	s16 =	sadd.s32 $0x0, s8;
	[bflag:$0x0] =	sbarrier.arrive $0xFFFF  }
0x1e: {  	[tilespmem:s12], [sflag:$0x1] =	stream.linear.gather [hbm4b:s16+s3], $0x50, $0x38;
	[tilespmem:$0x1C890] =	vst v63  }
0x1f: {  	_ =	swait.ge [sflag:s11], $0x50  }
0x20: {  	[sflag:s11] =	ssyncset.done $0x0  }
0x21: {  	[sflag:s11] =	ssyncadd.s32 $0xFFFFFFB0  }
0x22: {  	[tilespmem:s13], [sflag:$0x1] =	stream.linear.gather [hbm4b:s7+s3], $0x3200, $0x38;
	[tilespmem:$0x1C890] =	vst v63  }
0x23: {  	_ =	swait.ge [sflag:s11], $0x3200  }
0x24: {  	[sflag:s11] =	ssyncset.done $0x0  }
0x25: {  	[sflag:s11] =	ssyncadd.s32 $0xFFFFCE00  }
0x26: {  	[spmem:s2] =	stream.indirect.scatter.add.f32 [tilespmem:s13], [sflag:$0x1], $0xA0, s12, s14, $0xb8;
	[tilespmem:$0x1C890] =	vst v63  }
0x27: {  	s17 =	simm.s32 $0xA;
	_ =	swait.ge [sflag:s11], $0x3200  }
0x28: {  	s18 =	simm.s32 $0x14;
	s16 =	sadd.s32 $0x640, s7;
	[sflag:s11] =	ssyncset.done $0x0  }
.LBB2_4:
0x29: {  	s19 =	sadd.s32 s17, s8  }
0x2a: {  	[sflag:s11] =	ssyncadd.s32 $0xFFFFCE00;
	s17 =	smov.u32 s18;
	s20 =	sadd.s32 $0xA, s18  }
0x2b: {  	[tilespmem:s12], [sflag:$0x1] =	stream.linear.gather [hbm4b:s19+s3], $0x50, $0x38;
	[tilespmem:$0x1C890] =	vst v63  }
0x2c: {  	p0 =	sne.s32 s18, $0x4D8;
	_ =	swait.ge [sflag:s11], $0x50  }
0x2d: {  	[sflag:s11] =	ssyncset.done $0x0  }
0x2e: {  	[sflag:s11] =	ssyncadd.s32 $0xFFFFFFB0  }
0x2f: {  	[tilespmem:s13], [sflag:$0x1] =	stream.linear.gather [hbm4b:s16+s3], $0x3200, $0x38;
	[tilespmem:$0x1C890] =	vst v63  }
0x30: {  	_ =	swait.ge [sflag:s11], $0x3200  }
.Ltmp1:
0x31: {  	[sflag:s11] =	ssyncset.done $0x0;
	(pc) =	sbr.rel @p0 .LBB2_4-.Ltmp1, $4  }
0x32: {  	[sflag:s11] =	ssyncadd.s32 $0xFFFFCE00  }
0x33: {  	[spmem:s2] =	stream.indirect.scatter.add.f32 [tilespmem:s13], [sflag:$0x1], $0xA0, s12, s14, $0xb8;
	[tilespmem:$0x1C890] =	vst v63  }
0x34: {  	_ =	swait.ge [sflag:s11], $0x3200  }
0x35: {  	s18 =	smov.u32 s20;
	s16 =	sadd.s32 $0x640, s16;
	[sflag:s11] =	ssyncset.done $0x0  }
0x36: {  	s17 =	sadd.s32 s17, s8;
	[sflag:s11] =	ssyncadd.s32 $0xFFFFCE00  }
0x37: {  	[tilespmem:s12], [sflag:$0x1] =	stream.linear.gather [hbm4b:s17+s3], $0x50, $0x38;
	[tilespmem:$0x1C890] =	vst v63  }
0x38: {  	_ =	swait.ge [sflag:s11], $0x50  }
0x39: {  	[sflag:s11] =	ssyncset.done $0x0  }
0x3a: {  	[sflag:s11] =	ssyncadd.s32 $0xFFFFFFB0  }
0x3b: {  	[tilespmem:s13], [sflag:$0x1] =	stream.linear.gather [hbm4b:s16+s3], $0x3200, $0x38;
	[tilespmem:$0x1C890] =	vst v63  }
0x3c: {  	_ =	swait.ge [sflag:s11], $0x3200  }
0x3d: {  	[sflag:s11] =	ssyncset.done $0x0  }
0x3e: {  	[sflag:s11] =	ssyncadd.s32 $0xFFFFCE00  }
0x3f: {  	[spmem:s2] =	stream.indirect.scatter.add.f32 [tilespmem:s13], [sflag:$0x1], $0xA0, s12, s14, $0xb8;
	[tilespmem:$0x1C890] =	vst v63  }
0x40: {  	_ =	swait.ge [sflag:s11], $0x3200  }
0x41: {  	[sflag:s11] =	ssyncset.done $0x0  }
0x42: {  	[sflag:s11] =	ssyncadd.s32 $0xFFFFCE00  }
0x43: {  	[bflag:$0x0] =	sbarrier.arrive $0xFFFF  }
0x44: {  	[tilespmem:s10], [sflag:$0x1] =	stream.linear.gather [spmem:s6], $0xFA0, $0x38;
	[tilespmem:$0x1C890] =	vst v63  }
0x45: {  	_ =	swait.ge [sflag:s11], $0xFA0  }
0x46: {  	[sflag:s11] =	ssyncset.done $0x0  }
0x47: {  	s31 =	sadd.s32 $0x0, s9;
	[sflag:s11] =	ssyncadd.s32 $0xFFFFF060  }
0x48: {  	[hbm4b:s31+s3] =	stream.linear.scatter [tilespmem:s10], [sflag:$0x1], $0xFA0, $0x38;
	[tilespmem:$0x1C890] =	vst v63  }
0x49: {  	_ =	swait.ge [sflag:s11], $0xFA0  }
0x4a: {  	s17 =	smov.u32 s6;
	s16 =	simm.s32 $0x1F4;
	[sflag:s11] =	ssyncset.done $0x0  }
.LBB2_6:
0x4b: {  	p0 =	sne.s32 s16, $0x2EE0;
	[sflag:s11] =	ssyncadd.s32 $0xFFFFF060;
	s17 =	sadd.s32 $0xFA0, s17  }
0x4c: {  	[tilespmem:s10], [sflag:$0x1] =	stream.linear.gather [spmem:s17], $0xFA0, $0x38;
	[tilespmem:$0x1C890] =	vst v63  }
0x4d: {  	s18 =	smov.u32 s16;
	s16 =	sadd.s32 $0x1F4, s16;
	_ =	swait.ge [sflag:s11], $0xFA0  }
.Ltmp2:
0x4e: {  	[sflag:s11] =	ssyncset.done $0x0;
	(pc) =	sbr.rel @p0 .LBB2_6-.Ltmp2, $4  }
0x4f: {  	s18 =	sadd.s32 s18, s9;
	[sflag:s11] =	ssyncadd.s32 $0xFFFFF060  }
0x50: {  	[hbm4b:s18+s3] =	stream.linear.scatter [tilespmem:s10], [sflag:$0x1], $0xFA0, $0x38;
	[tilespmem:$0x1C890] =	vst v63  }
0x51: {  	_ =	swait.ge [sflag:s11], $0xFA0  }
0x52: {  	[sflag:s11] =	ssyncset.done $0x0  }
0x53: {  	s15 =	sadd.s32 $0x1, s15  }
0x54: {  	p0 =	sne.s32 s15, s5  }
.Ltmp3:
0x55: {  	_ = 	snop;
	(pc) =	sbr.rel @p0 .LBB2_1-.Ltmp3, $2  }
0x56: {  	_ =	sdelay $0x2  }
0x57: {  	[sflag:s11] =	ssyncadd.s32 $0xFFFFF060  }
0x58: {  	_ =	sfence.sel $0x180000  }
0x59: {  	[bflag:$0x0] =	sbarrier.arrive $0xFFFF  }
0x5a: {  	p0 =	sne.s32 s0, $0x0;
	_ =	strace $0x90000056  }
0x5b: {  	s0 =	sadd.s32 @!p0 $0x100000, s1;
	[bflag:$0x2] =	sbarrier.arrive $0xFFFF  }
0x5c: {  	[sflag:s0] =	ssyncadd.tile.s32 @!p0 $0x1;
	_ =	shalt  }
.Lfunc_end2:
_tile_overlayer_lowered:
.L_overlay_start_2:
0x5d: {  	(tag) =	ssettag $0x2  }
0x5e: {  	s0 =	rddreg [dreg:$0x0];
	s2 =	stileid.u32  }
0x5f: {  	s1 =	rddreg [dreg:$0x1];
	p0 =	sne.s32 s2, $0x0  }
0x60: {  	s3 =	rddreg [dreg:$0x2];
	[bflag:$0x3] =	sbarrier.arrive $0xFFFF;
	s2 =	simm.s32 @!p0 $0x1C01  }
0x61: {  	[timem:s3], [sflag:s2] =	dma.local @!p0 [hbm:s0], s1  }
0x62: {  	s0 =	simm.s32 @!p0 $0x1  }
0x63: {  	_ =	swait.ge @!p0 [sflag:s0], s1  }
0x64: {  	s1 =	ssub.s32 @!p0 $0x0, s1;
	[sflag:s0] =	ssyncset.done @!p0 $0x0  }
0x65: {  	[sflag:s0] =	ssyncadd.s32 @!p0 s1  }
0x66: {  	[bflag:$0x3] =	sbarrier.arrive $0xFFFF  }
0x67: {  	_ =	shalt  }

</sc_bundles>
